<compile_context>
chip_gen: v7x
topology: tpu7x:2x2x1
jax: 0.10.2.dev20260603
libtpu: 0.0.44.dev20260713+nightly
codegen_flags: <defaults>
</compile_context>

<pallas_src>
import functools

import jax
import jax.numpy as jnp
from jax import lax
from jax.experimental import pallas as pl
from jax.experimental.pallas import tpu as pltpu
from jax.experimental.pallas import tpu_sc as plsc

NC = 2
NS = 16
L = 16
B = 8
N = 2048
M = 2048

SCB = 2
TCB = B - SCB
TC_R = 2048

_mesh = plsc.VectorSubcoreMesh(core_axis_name="c", subcore_axis_name="s",
                               num_cores=NC, num_subcores=NS)


def _make_sc_kernel(nb):
  wpb = NC * NS // nb
  chunk = N // wpb

  @functools.partial(
      pl.kernel,
      out_type=(
          jax.ShapeDtypeStruct((nb, N), jnp.float32),
          jax.ShapeDtypeStruct((nb, M), jnp.float32),
          jax.ShapeDtypeStruct((nb, N), jnp.int32),
          jax.ShapeDtypeStruct((nb, M), jnp.int32),
      ),
      mesh=_mesh,
      compiler_params=pltpu.CompilerParams(needs_layout_passes=False),
      scratch_types=dict(
          x1v=pltpu.VMEM((chunk * 3 + L,), jnp.float32),
          x1r=pltpu.VMEM((chunk * 3 + L,), jnp.float32),
          x2v=pltpu.VMEM((3 * M,), jnp.float32),
          s2v=pltpu.VMEM((M,), jnp.float32),
          rminv=pltpu.VMEM((chunk,), jnp.float32),
          ridxv=pltpu.VMEM((chunk,), jnp.int32),
          cminv=pltpu.VMEM((M,), jnp.float32),
          cidxv=pltpu.VMEM((M,), jnp.int32),
          mmin=pltpu.VMEM((wpb * M,), jnp.float32),
          midx=pltpu.VMEM((wpb * M,), jnp.int32),
          shmin=pltpu.VMEM_SHARED((NS * M,), jnp.float32),
          shidx=pltpu.VMEM_SHARED((NS * M,), jnp.int32),
      ),
  )
  def _chamfer_sc(x1_hbm, x2_hbm, d1_hbm, d2_hbm, i1_hbm, i2_hbm,
                  x1v, x1r, x2v, s2v, rminv, ridxv, cminv, cidxv,
                  mmin, midx, shmin, shidx):
    c = lax.axis_index("c")
    s = lax.axis_index("s")
    wid = c * NS + s
    b = wid // wpb
    ch = wid % wpb
    row0 = ch * chunk

    pltpu.sync_copy(x1_hbm.at[b, pl.ds(row0 * 3, chunk * 3)],
                    x1v.at[pl.ds(0, chunk * 3)])
    pltpu.sync_copy(x2_hbm.at[b], x2v)

    lanes = lax.iota(jnp.int32, L)
    inf16 = jnp.full((L,), jnp.inf, jnp.float32)
    zero16 = jnp.zeros((L,), jnp.int32)

    def _bf16r(v):
      u = plsc.bitcast(v, jnp.uint32)
      u = (u + jnp.uint32(0x7FFF) + ((u >> jnp.uint32(16)) & jnp.uint32(1)))
      u = u & jnp.uint32(0xFFFF0000)
      return plsc.bitcast(u, jnp.float32)

    @plsc.parallel_loop(0, M // L, unroll=4)
    def _prep(jc):
      off = jc * L
      b0 = x2v[pl.ds(off, L)]
      b1 = x2v[pl.ds(M + off, L)]
      b2 = x2v[pl.ds(2 * M + off, L)]
      s2v[pl.ds(off, L)] = (b0 * b0 + b1 * b1) + b2 * b2
      x2v[pl.ds(off, L)] = _bf16r(b0)
      x2v[pl.ds(M + off, L)] = _bf16r(b1)
      x2v[pl.ds(2 * M + off, L)] = _bf16r(b2)
      cminv[pl.ds(off, L)] = inf16
      cidxv[pl.ds(off, L)] = zero16

    @plsc.parallel_loop(0, (chunk * 3 + L) // L, unroll=4)
    def _prep1(jc):
      off = jc * L
      x1r[pl.ds(off, L)] = _bf16r(x1v[pl.ds(off, L)])

    RB = 8

    def _quad(q, carry):
      accm, acci, g = carry
      i0 = g * L + q * RB
      s1s, a0s, a1s, a2s, ivs = [], [], [], [], []
      for r in range(RB):
        va = x1v[pl.ds(3 * (i0 + r), L)]
        A0 = jnp.full((L,), va[0], jnp.float32)
        A1 = jnp.full((L,), va[1], jnp.float32)
        A2 = jnp.full((L,), va[2], jnp.float32)
        s1s.append((A0 * A0 + A1 * A1) + A2 * A2)
        vb = x1r[pl.ds(3 * (i0 + r), L)]
        a0s.append(jnp.full((L,), vb[0], jnp.float32) * -2.0)
        a1s.append(jnp.full((L,), vb[1], jnp.float32) * -2.0)
        a2s.append(jnp.full((L,), vb[2], jnp.float32) * -2.0)
        ivs.append(jnp.full((L,), row0 + i0 + r, jnp.int32))

      init = tuple([inf16] * RB + [zero16] * RB)

      @plsc.parallel_loop(0, M // L, carry=init, unroll=1)
      def _col(jc, carry2):
        rmins = list(carry2[:RB])
        ridxs = list(carry2[RB:])
        off = jc * L
        b0 = x2v[pl.ds(off, L)]
        b1 = x2v[pl.ds(M + off, L)]
        b2 = x2v[pl.ds(2 * M + off, L)]
        s2c = s2v[pl.ds(off, L)]
        jv = lanes + off
        cmin = cminv[pl.ds(off, L)]
        cidx = cidxv[pl.ds(off, L)]
        for r in range(RB):
          ncross2 = (a0s[r] * b0 + a1s[r] * b1) + a2s[r] * b2
          d = (s1s[r] + s2c) + ncross2
          mr = d < rmins[r]
          rmins[r] = jnp.where(mr, d, rmins[r])
          ridxs[r] = jnp.where(mr, jv, ridxs[r])
          mc = d < cmin
          cmin = jnp.where(mc, d, cmin)
          cidx = jnp.where(mc, ivs[r], cidx)
        cminv[pl.ds(off, L)] = cmin
        cidxv[pl.ds(off, L)] = cidx
        return tuple(rmins + ridxs)

      res = _col
      for r in range(RB):
        rmin, ridx = res[r], res[RB + r]
        rs = jnp.min(rmin)
        ri = jnp.min(jnp.where(rmin == rs, ridx, jnp.int32(M)))
        lm = lanes == q * RB + r
        accm = jnp.where(lm, rs, accm)
        acci = jnp.where(lm, ri, acci)
      return accm, acci, g

    def _rowgrp(g, _):
      accm, acci, _g = lax.fori_loop(0, L // RB, _quad, (inf16, zero16, g))
      rminv[pl.ds(g * L, L)] = accm
      ridxv[pl.ds(g * L, L)] = acci
      return 0
    lax.fori_loop(0, chunk // L, _rowgrp, 0)

    pltpu.sync_copy(rminv, d1_hbm.at[b, pl.ds(row0, chunk)])
    pltpu.sync_copy(ridxv, i1_hbm.at[b, pl.ds(row0, chunk)])

    pltpu.sync_copy(cminv, shmin.at[pl.ds(s * M, M)])
    pltpu.sync_copy(cidxv, shidx.at[pl.ds(s * M, M)])
    plsc.subcore_barrier()

    @pl.when(ch == 0)
    def _merge():
      pltpu.sync_copy(shmin.at[pl.ds(s * M, wpb * M)], mmin)
      pltpu.sync_copy(shidx.at[pl.ds(s * M, wpb * M)], midx)

      @plsc.parallel_loop(0, M // L, unroll=4)
      def _mrg(jc):
        off = jc * L
        m = mmin[pl.ds(off, L)]
        ix = midx[pl.ds(off, L)]
        for k in range(1, wpb):
          mk = mmin[pl.ds(k * M + off, L)]
          ik = midx[pl.ds(k * M + off, L)]
          lt = mk < m
          m = jnp.where(lt, mk, m)
          ix = jnp.where(lt, ik, ix)
        cminv[pl.ds(off, L)] = m
        cidxv[pl.ds(off, L)] = ix
      pltpu.sync_copy(cminv, d2_hbm.at[b])
      pltpu.sync_copy(cidxv, i2_hbm.at[b])

  return _chamfer_sc


_chamfer_sc = _make_sc_kernel(SCB)


def _tc_body(x1_ref, x2_ref, d1_ref, d2_ref, i1_ref, i2_ref, cminp, cidxp):
  t = pl.program_id(1)
  nt = pl.num_programs(1)
  a = x1_ref[0]
  A0, A1, A2 = a[:, 0:1], a[:, 1:2], a[:, 2:3]
  s1 = (A0 * A0 + A1 * A1) + A2 * A2
  bb = x2_ref[0]
  B0, B1, B2 = bb[0:1, :], bb[1:2, :], bb[2:3, :]
  s2 = (B0 * B0 + B1 * B1) + B2 * B2
  ncross2 = lax.dot_general(-2.0 * a, bb, (((1,), (0,)), ((), ())),
                            preferred_element_type=jnp.float32)
  d = (s1 + s2) + ncross2

  jiota = lax.broadcasted_iota(jnp.int32, (TC_R, M), 1).astype(jnp.float32)
  rmin = jnp.min(d, axis=1, keepdims=True)
  ridx = jnp.min(jnp.where(d == rmin, jiota, float(M)), axis=1, keepdims=True)
  d1_ref[0] = jnp.swapaxes(rmin, 0, 1)
  i1_ref[0] = jnp.swapaxes(ridx, 0, 1).astype(jnp.int32)

  riota = (lax.broadcasted_iota(jnp.int32, (TC_R, M), 0).astype(jnp.float32)
           + (t * TC_R).astype(jnp.float32))
  tcmin = jnp.min(d, axis=0, keepdims=True)
  tcidx = jnp.min(jnp.where(d == tcmin, riota, float(N)), axis=0, keepdims=True)

  @pl.when(t == 0)
  def _():
    cminp[...] = jnp.full((1, M), jnp.inf, jnp.float32)
    cidxp[...] = jnp.zeros((1, M), jnp.float32)

  upd = tcmin < cminp[...]
  cminp[...] = jnp.where(upd, tcmin, cminp[...])
  cidxp[...] = jnp.where(upd, tcidx, cidxp[...])

  @pl.when(t == nt - 1)
  def _():
    d2_ref[0] = cminp[...]
    i2_ref[0] = cidxp[...].astype(jnp.int32)


def _chamfer_tc(x1, x2t):
  nb = x1.shape[0]
  nt = N // TC_R
  out = pl.pallas_call(
      _tc_body,
      grid=(nb, nt),
      in_specs=[
          pl.BlockSpec((1, TC_R, 3), lambda b, t: (b, t, 0)),
          pl.BlockSpec((1, 3, M), lambda b, t: (b, 0, 0)),
      ],
      out_specs=[
          pl.BlockSpec((1, 1, TC_R), lambda b, t: (b, 0, t)),
          pl.BlockSpec((1, 1, M), lambda b, t: (b, 0, 0)),
          pl.BlockSpec((1, 1, TC_R), lambda b, t: (b, 0, t)),
          pl.BlockSpec((1, 1, M), lambda b, t: (b, 0, 0)),
      ],
      out_shape=[
          jax.ShapeDtypeStruct((nb, 1, N), jnp.float32),
          jax.ShapeDtypeStruct((nb, 1, M), jnp.float32),
          jax.ShapeDtypeStruct((nb, 1, N), jnp.int32),
          jax.ShapeDtypeStruct((nb, 1, M), jnp.int32),
      ],
      scratch_shapes=[
          pltpu.VMEM((1, M), jnp.float32),
          pltpu.VMEM((1, M), jnp.float32),
      ],
  )(x1, x2t)
  d1, d2, i1, i2 = out
  return (d1.reshape(nb, N), d2.reshape(nb, M),
          i1.reshape(nb, N), i2.reshape(nb, M))


@jax.jit
def kernel(input1, input2):
  x2t = jnp.swapaxes(input2, 1, 2)
  sd1, sd2, si1, si2 = _chamfer_sc(input1.reshape(B, N * 3),
                                   x2t.reshape(B, 3 * M))
  td1, td2, ti1, ti2 = _chamfer_tc(input1[SCB:], x2t[SCB:])
  cat = lambda a, b: lax.dynamic_update_slice(
      lax.pad(b, jnp.zeros((), b.dtype), [(SCB, 0, 0), (0, 0, 0)]), a, (0, 0))
  return (cat(sd1, td1), cat(sd2, td2), cat(si1, ti1), cat(si2, ti2))

# --- scband reference (transcript-rebuilt; emitter-appended) ---
"""Pipeline reference for scband-chamfer-dist-14027363188883 (READ-ONLY COPY).

The authoritative reference and input builder live on the scoring server;
editing this copy changes nothing except your own understanding.
"""

import jax, jax.numpy as jnp
import numpy as np


def setup_inputs(seed: int = 0) -> dict:
    key = jax.random.key(seed)
    k1, k2 = jax.random.split(key)
    input1 = jax.random.normal(k1, (8, 2048, 3), dtype=jnp.float32)
    input2 = jax.random.normal(k2, (8, 2048, 3), dtype=jnp.float32)
    return {"input1": input1, "input2": input2}


def _pairwise_sqdist(x1, x2):
    # x1: (B, n, 3), x2: (B, m, 3) -> (B, n, m) squared euclidean distances
    s1 = jnp.sum(x1 * x1, axis=-1, keepdims=True)          # (B, n, 1)
    s2 = jnp.sum(x2 * x2, axis=-1, keepdims=True)          # (B, m, 1)
    cross = jnp.einsum('bnd,bmd->bnm', x1, x2)             # (B, n, m)
    return s1 + jnp.swapaxes(s2, 1, 2) - 2.0 * cross


def reference(input1, input2):
    # Faithful to the chamfer CUDA kernel: per-point nearest-neighbor SQUARED
    # distance in the other cloud, plus the argmin indices.
    d = _pairwise_sqdist(input1, input2)                   # (B, n, m)
    dist1 = jnp.min(d, axis=2)                             # (B, n)
    idx1 = jnp.argmin(d, axis=2).astype(jnp.int32)         # (B, n)
    dist2 = jnp.min(d, axis=1)                             # (B, m)
    idx2 = jnp.argmin(d, axis=1).astype(jnp.int32)         # (B, m)
    return (dist1, dist2, idx1, idx2)

if __name__ == "__main__":
    import jax
    _d = setup_inputs()
    print(jax.jit(kernel)(*tuple(_d.values())))

</pallas_src>

<mosaic_0001>
#map = affine_map<(d0, d1) -> (0, 0)>
module attributes {stable_mosaic.version = 14 : i64} {
  func.func @_chamfer_sc(%arg0: i32, %arg1: i32, %arg2: memref<8x6144xf32, #tpu.memory_space<hbm>>, %arg3: memref<8x6144xf32, #tpu.memory_space<hbm>>, %arg4: memref<2x2048xf32, #tpu.memory_space<hbm>>, %arg5: memref<2x2048xf32, #tpu.memory_space<hbm>>, %arg6: memref<2x2048xi32, #tpu.memory_space<hbm>>, %arg7: memref<2x2048xi32, #tpu.memory_space<hbm>>, %arg8: memref<2048xi32, #tpu.memory_space<vmem>>, %arg9: memref<2048xf32, #tpu.memory_space<vmem>>, %arg10: memref<32768xi32, #tpu.memory_space<vmem>>, %arg11: memref<32768xf32, #tpu.memory_space<vmem>>, %arg12: memref<128xi32, #tpu.memory_space<vmem>>, %arg13: memref<128xf32, #tpu.memory_space<vmem>>, %arg14: memref<2048xf32, #tpu.memory_space<vmem>>, %arg15: memref<32768xi32, #tpu.memory_space<vmem_shared>>, %arg16: memref<32768xf32, #tpu.memory_space<vmem_shared>>, %arg17: memref<400xf32, #tpu.memory_space<vmem>>, %arg18: memref<400xf32, #tpu.memory_space<vmem>>, %arg19: memref<6144xf32, #tpu.memory_space<vmem>>) attributes {dimension_semantics = [#tpu.dimension_semantics<core_parallel>, #tpu.dimension_semantics<subcore_parallel>], iteration_bounds = array<i64: 2, 16>, scalar_prefetch = 0 : i64, scratch_operands = 12 : i64, tpu.core_type = #tpu.core_type<sc_vector_subcore>, window_params = [{transform_indices = #map}, {transform_indices = #map}, {transform_indices = #map}, {transform_indices = #map}, {transform_indices = #map}, {transform_indices = #map}]} {
    %mul3A = arith.constant 16 : i32
    %mul3A_0 = arith.muli %arg0, %mul3A : i32
    %add3A = arith.addi %mul3A_0, %arg1 : i32
    %jit3A = arith.constant 16 : i32
    %div3A = arith.divsi %add3A, %jit3A : i32
    %sign3A = arith.constant 0 : i32
    %sign3A_1 = arith.cmpi sgt, %add3A, %sign3A : i32
    %sign3A_2 = arith.extui %sign3A_1 : i1 to i32
    %sign3A_3 = arith.constant 0 : i32
    %sign3A_4 = arith.cmpi slt, %add3A, %sign3A_3 : i32
    %sign3A_5 = arith.extui %sign3A_4 : i1 to i32
    %sign3A_6 = arith.subi %sign3A_2, %sign3A_5 : i32
    %sign3A_7 = arith.constant 0 : i32
    %sign3A_8 = arith.cmpi sgt, %jit3A, %sign3A_7 : i32
    %sign3A_9 = arith.extui %sign3A_8 : i1 to i32
    %sign3A_10 = arith.constant 0 : i32
    %sign3A_11 = arith.cmpi slt, %jit3A, %sign3A_10 : i32
    %sign3A_12 = arith.extui %sign3A_11 : i1 to i32
    %sign3A_13 = arith.subi %sign3A_9, %sign3A_12 : i32
    %ne3A = arith.cmpi ne, %sign3A_6, %sign3A_13 : i32
    %rem3A = arith.remsi %add3A, %jit3A : i32
    %ne3A_14 = arith.constant 0 : i32
    %ne3A_15 = arith.cmpi ne, %rem3A, %ne3A_14 : i32
    %and3A = arith.andi %ne3A, %ne3A_15 : i1
    %sub3A = arith.constant 1 : i32
    %sub3A_16 = arith.subi %div3A, %sub3A : i32
    %select_n3A = arith.select %and3A, %sub3A_16, %div3A : i32
    %jit3A_17 = arith.constant 16 : i32
    %eq3A = arith.constant 0 : i32
    %eq3A_18 = arith.cmpi eq, %jit3A_17, %eq3A : i32
    %jit3A_19 = arith.constant 1 : i32
    %select_n3A_20 = arith.select %eq3A_18, %jit3A_19, %jit3A_17 : i32
    %rem3A_21 = arith.remsi %add3A, %select_n3A_20 : i32
    %ne3A_22 = arith.constant 0 : i32
    %ne3A_23 = arith.cmpi ne, %rem3A_21, %ne3A_22 : i32
    %lt3A = arith.constant 0 : i32
    %lt3A_24 = arith.cmpi slt, %rem3A_21, %lt3A : i32
    %lt3A_25 = arith.constant 0 : i32
    %lt3A_26 = arith.cmpi slt, %select_n3A_20, %lt3A_25 : i32
    %ne3A_27 = arith.xori %lt3A_24, %lt3A_26 : i1
    %and3A_28 = arith.andi %ne3A_27, %ne3A_23 : i1
    %add3A_29 = arith.addi %rem3A_21, %select_n3A_20 : i32
    %select_n3A_30 = arith.select %and3A_28, %add3A_29, %rem3A_21 : i32
    %mul3A_31 = arith.constant 128 : i32
    %mul3A_32 = arith.muli %select_n3A_30, %mul3A_31 : i32
    %mul3A_33 = arith.constant 3 : i32
    %mul3A_34 = arith.muli %mul3A_32, %mul3A_33 : i32
    "tpu.region"() ({
      %run_scoped3A = tpu.sem_alloc : memref<!tpu.dma_semaphore, #tpu.memory_space<semaphore_mem>>
      %dma_start3A = arith.constant 0 : i32
      %dma_start3A_56 = tpu.memref_slice %arg18[%dma_start3A] : memref<400xf32, #tpu.memory_space<vmem>> -> memref<384xf32, #tpu.memory_space<vmem>>
      %dma_start3A_57 = tpu.memref_slice %arg2[%select_n3A, %mul3A_34] : memref<8x6144xf32, #tpu.memory_space<hbm>> -> memref<1x384xf32, #tpu.memory_space<hbm>>
      %dma_start3A_58 = tpu.memref_squeeze %dma_start3A_57 : memref<1x384xf32, #tpu.memory_space<hbm>> -> memref<384xf32, #tpu.memory_space<hbm>>
      %dma_start3A_59 = arith.constant 0 : i32
      %dma_start3A_60 = tpu.memref_slice %arg18[%dma_start3A_59] : memref<400xf32, #tpu.memory_space<vmem>> -> memref<384xf32, #tpu.memory_space<vmem>>
      %dma_start3A_61 = tpu.memref_slice %arg2[%select_n3A, %mul3A_34] : memref<8x6144xf32, #tpu.memory_space<hbm>> -> memref<1x384xf32, #tpu.memory_space<hbm>>
      %dma_start3A_62 = tpu.memref_squeeze %dma_start3A_61 : memref<1x384xf32, #tpu.memory_space<hbm>> -> memref<384xf32, #tpu.memory_space<hbm>>
      tpu.enqueue_dma source(%dma_start3A_62 : memref<384xf32, #tpu.memory_space<hbm>>) target(%dma_start3A_60 : memref<384xf32, #tpu.memory_space<vmem>>) target_semaphore(%run_scoped3A : memref<!tpu.dma_semaphore, #tpu.memory_space<semaphore_mem>>)
      %dma_wait3A = arith.constant 0 : i32
      %dma_wait3A_63 = tpu.memref_slice %arg18[%dma_wait3A] : memref<400xf32, #tpu.memory_space<vmem>> -> memref<384xf32, #tpu.memory_space<vmem>>
      %dma_wait3A_64 = tpu.memref_slice %arg2[%select_n3A, %mul3A_34] : memref<8x6144xf32, #tpu.memory_space<hbm>> -> memref<1x384xf32, #tpu.memory_space<hbm>>
      %dma_wait3A_65 = tpu.memref_squeeze %dma_wait3A_64 : memref<1x384xf32, #tpu.memory_space<hbm>> -> memref<384xf32, #tpu.memory_space<hbm>>
      %dma_wait3A_66 = arith.constant 0 : i32
      %dma_wait3A_67 = tpu.memref_slice %arg18[%dma_wait3A_66] : memref<400xf32, #tpu.memory_space<vmem>> -> memref<384xf32, #tpu.memory_space<vmem>>
      %dma_wait3A_68 = tpu.memref_slice %arg2[%select_n3A, %mul3A_34] : memref<8x6144xf32, #tpu.memory_space<hbm>> -> memref<1x384xf32, #tpu.memory_space<hbm>>
      %dma_wait3A_69 = tpu.memref_squeeze %dma_wait3A_68 : memref<1x384xf32, #tpu.memory_space<hbm>> -> memref<384xf32, #tpu.memory_space<hbm>>
      tpu.wait_dma2 semaphore(%run_scoped3A : memref<!tpu.dma_semaphore, #tpu.memory_space<semaphore_mem>>) src(%dma_wait3A_69 : memref<384xf32, #tpu.memory_space<hbm>>) dst(%dma_wait3A_67 : memref<384xf32, #tpu.memory_space<vmem>>)
      tpu.yield
    }) : () -> ()
    "tpu.region"() ({
      %run_scoped3A = tpu.sem_alloc : memref<!tpu.dma_semaphore, #tpu.memory_space<semaphore_mem>>
      %dma_start3A = arith.constant 0 : i32
      %dma_start3A_56 = tpu.memref_slice %arg3[%select_n3A, %dma_start3A] : memref<8x6144xf32, #tpu.memory_space<hbm>> -> memref<1x6144xf32, #tpu.memory_space<hbm>>
      %dma_start3A_57 = tpu.memref_squeeze %dma_start3A_56 : memref<1x6144xf32, #tpu.memory_space<hbm>> -> memref<6144xf32, #tpu.memory_space<hbm>>
      %dma_start3A_58 = arith.constant 0 : i32
      %dma_start3A_59 = tpu.memref_slice %arg3[%select_n3A, %dma_start3A_58] : memref<8x6144xf32, #tpu.memory_space<hbm>> -> memref<1x6144xf32, #tpu.memory_space<hbm>>
      %dma_start3A_60 = tpu.memref_squeeze %dma_start3A_59 : memref<1x6144xf32, #tpu.memory_space<hbm>> -> memref<6144xf32, #tpu.memory_space<hbm>>
      tpu.enqueue_dma source(%dma_start3A_60 : memref<6144xf32, #tpu.memory_space<hbm>>) target(%arg19 : memref<6144xf32, #tpu.memory_space<vmem>>) target_semaphore(%run_scoped3A : memref<!tpu.dma_semaphore, #tpu.memory_space<semaphore_mem>>)
      %dma_wait3A = arith.constant 0 : i32
      %dma_wait3A_61 = tpu.memref_slice %arg3[%select_n3A, %dma_wait3A] : memref<8x6144xf32, #tpu.memory_space<hbm>> -> memref<1x6144xf32, #tpu.memory_space<hbm>>
      %dma_wait3A_62 = tpu.memref_squeeze %dma_wait3A_61 : memref<1x6144xf32, #tpu.memory_space<hbm>> -> memref<6144xf32, #tpu.memory_space<hbm>>
      %dma_wait3A_63 = arith.constant 0 : i32
      %dma_wait3A_64 = tpu.memref_slice %arg3[%select_n3A, %dma_wait3A_63] : memref<8x6144xf32, #tpu.memory_space<hbm>> -> memref<1x6144xf32, #tpu.memory_space<hbm>>
      %dma_wait3A_65 = tpu.memref_squeeze %dma_wait3A_64 : memref<1x6144xf32, #tpu.memory_space<hbm>> -> memref<6144xf32, #tpu.memory_space<hbm>>
      tpu.wait_dma2 semaphore(%run_scoped3A : memref<!tpu.dma_semaphore, #tpu.memory_space<semaphore_mem>>) src(%dma_wait3A_65 : memref<6144xf32, #tpu.memory_space<hbm>>) dst(%arg19 : memref<6144xf32, #tpu.memory_space<vmem>>)
      tpu.yield
    }) : () -> ()
    %iota3A = tpu.iota {dimensions = array<i32: 0>} : vector<16xi32>
    %broadcast_in_dim3A = arith.constant 0x7F800000 : f32
    %broadcast_in_dim3A_35 = vector.broadcast %broadcast_in_dim3A : f32 to vector<16xf32>
    %broadcast_in_dim3A_36 = arith.constant 0 : i32
    %broadcast_in_dim3A_37 = vector.broadcast %broadcast_in_dim3A_36 : i32 to vector<16xi32>
    %parallel_loop3A = arith.constant 0 : i32
    %parallel_loop3A_38 = arith.constant 128 : i32
    %parallel_loop3A_39 = arith.constant 1 : i32
    scf.for %parallel_loop3A_56 = %parallel_loop3A to %parallel_loop3A_38 step %parallel_loop3A_39  : i32 {
      %parallel_loop3A_57 = arith.constant 16 : i32
      %parallel_loop3A_58 = arith.muli %parallel_loop3A_56, %parallel_loop3A_57 : i32
      %parallel_loop3A_59 = arith.index_cast %parallel_loop3A_58 : i32 to index
      %parallel_loop3A_60 = tpu.vector_load %arg19[%parallel_loop3A_59] {strides = array<i32>} : memref<6144xf32, #tpu.memory_space<vmem>>, vector<16xf32>,
      %parallel_loop3A_61 = arith.constant 2048 : i32
      %parallel_loop3A_62 = arith.addi %parallel_loop3A_61, %parallel_loop3A_58 : i32
      %parallel_loop3A_63 = arith.index_cast %parallel_loop3A_62 : i32 to index
      %parallel_loop3A_64 = tpu.vector_load %arg19[%parallel_loop3A_63] {strides = array<i32>} : memref<6144xf32, #tpu.memory_space<vmem>>, vector<16xf32>,
      %parallel_loop3A_65 = arith.constant 4096 : i32
      %parallel_loop3A_66 = arith.addi %parallel_loop3A_65, %parallel_loop3A_58 : i32
      %parallel_loop3A_67 = arith.index_cast %parallel_loop3A_66 : i32 to index
      %parallel_loop3A_68 = tpu.vector_load %arg19[%parallel_loop3A_67] {strides = array<i32>} : memref<6144xf32, #tpu.memory_space<vmem>>, vector<16xf32>,
      %parallel_loop3A_69 = arith.mulf %parallel_loop3A_60, %parallel_loop3A_60 : vector<16xf32>
      %parallel_loop3A_70 = arith.mulf %parallel_loop3A_64, %parallel_loop3A_64 : vector<16xf32>
      %parallel_loop3A_71 = arith.addf %parallel_loop3A_69, %parallel_loop3A_70 : vector<16xf32>
      %parallel_loop3A_72 = arith.mulf %parallel_loop3A_68, %parallel_loop3A_68 : vector<16xf32>
      %parallel_loop3A_73 = arith.addf %parallel_loop3A_71, %parallel_loop3A_72 : vector<16xf32>
      %parallel_loop3A_74 = arith.index_cast %parallel_loop3A_58 : i32 to index
      %parallel_loop3A_75 = tpu.vector_load %arg14[%parallel_loop3A_74] {strides = array<i32>} : memref<2048xf32, #tpu.memory_space<vmem>>, vector<16xf32>,
      tpu.vector_store %arg14[%parallel_loop3A_74], %parallel_loop3A_73 {strides = array<i32>} : memref<2048xf32, #tpu.memory_space<vmem>>, vector<16xf32>,
      %parallel_loop3A_76 = vector.bitcast %parallel_loop3A_60 : vector<16xf32> to vector<16xi32>
      %parallel_loop3A_77 = arith.constant 32767 : i32
      %parallel_loop3A_78 = vector.broadcast %parallel_loop3A_77 : i32 to vector<16xi32>
      %parallel_loop3A_79 = arith.addi %parallel_loop3A_76, %parallel_loop3A_78 : vector<16xi32>
      %parallel_loop3A_80 = arith.constant 16 : i32
      %parallel_loop3A_81 = vector.broadcast %parallel_loop3A_80 : i32 to vector<16xi32>
      %parallel_loop3A_82 = arith.shrui %parallel_loop3A_76, %parallel_loop3A_81 : vector<16xi32>
      %parallel_loop3A_83 = arith.constant 1 : i32
      %parallel_loop3A_84 = vector.broadcast %parallel_loop3A_83 : i32 to vector<16xi32>
      %parallel_loop3A_85 = arith.andi %parallel_loop3A_82, %parallel_loop3A_84 : vector<16xi32>
      %parallel_loop3A_86 = arith.addi %parallel_loop3A_79, %parallel_loop3A_85 : vector<16xi32>
      %parallel_loop3A_87 = arith.constant -65536 : i32
      %parallel_loop3A_88 = vector.broadcast %parallel_loop3A_87 : i32 to vector<16xi32>
      %parallel_loop3A_89 = arith.andi %parallel_loop3A_86, %parallel_loop3A_88 : vector<16xi32>
      %parallel_loop3A_90 = vector.bitcast %parallel_loop3A_89 : vector<16xi32> to vector<16xf32>
      %parallel_loop3A_91 = arith.index_cast %parallel_loop3A_58 : i32 to index
      %parallel_loop3A_92 = tpu.vector_load %arg19[%parallel_loop3A_91] {strides = array<i32>} : memref<6144xf32, #tpu.memory_space<vmem>>, vector<16xf32>,
      tpu.vector_store %arg19[%parallel_loop3A_91], %parallel_loop3A_90 {strides = array<i32>} : memref<6144xf32, #tpu.memory_space<vmem>>, vector<16xf32>,
      %parallel_loop3A_93 = vector.bitcast %parallel_loop3A_64 : vector<16xf32> to vector<16xi32>
      %parallel_loop3A_94 = arith.constant 32767 : i32
      %parallel_loop3A_95 = vector.broadcast %parallel_loop3A_94 : i32 to vector<16xi32>
      %parallel_loop3A_96 = arith.addi %parallel_loop3A_93, %parallel_loop3A_95 : vector<16xi32>
      %parallel_loop3A_97 = arith.constant 16 : i32
      %parallel_loop3A_98 = vector.broadcast %parallel_loop3A_97 : i32 to vector<16xi32>
      %parallel_loop3A_99 = arith.shrui %parallel_loop3A_93, %parallel_loop3A_98 : vector<16xi32>
      %parallel_loop3A_100 = arith.constant 1 : i32
      %parallel_loop3A_101 = vector.broadcast %parallel_loop3A_100 : i32 to vector<16xi32>
      %parallel_loop3A_102 = arith.andi %parallel_loop3A_99, %parallel_loop3A_101 : vector<16xi32>
      %parallel_loop3A_103 = arith.addi %parallel_loop3A_96, %parallel_loop3A_102 : vector<16xi32>
      %parallel_loop3A_104 = arith.constant -65536 : i32
      %parallel_loop3A_105 = vector.broadcast %parallel_loop3A_104 : i32 to vector<16xi32>
      %parallel_loop3A_106 = arith.andi %parallel_loop3A_103, %parallel_loop3A_105 : vector<16xi32>
      %parallel_loop3A_107 = vector.bitcast %parallel_loop3A_106 : vector<16xi32> to vector<16xf32>
      %parallel_loop3A_108 = arith.constant 2048 : i32
      %parallel_loop3A_109 = arith.addi %parallel_loop3A_108, %parallel_loop3A_58 : i32
      %parallel_loop3A_110 = arith.index_cast %parallel_loop3A_109 : i32 to index
      %parallel_loop3A_111 = tpu.vector_load %arg19[%parallel_loop3A_110] {strides = array<i32>} : memref<6144xf32, #tpu.memory_space<vmem>>, vector<16xf32>,
      tpu.vector_store %arg19[%parallel_loop3A_110], %parallel_loop3A_107 {strides = array<i32>} : memref<6144xf32, #tpu.memory_space<vmem>>, vector<16xf32>,
      %parallel_loop3A_112 = vector.bitcast %parallel_loop3A_68 : vector<16xf32> to vector<16xi32>
      %parallel_loop3A_113 = arith.constant 32767 : i32
      %parallel_loop3A_114 = vector.broadcast %parallel_loop3A_113 : i32 to vector<16xi32>
      %parallel_loop3A_115 = arith.addi %parallel_loop3A_112, %parallel_loop3A_114 : vector<16xi32>
      %parallel_loop3A_116 = arith.constant 16 : i32
      %parallel_loop3A_117 = vector.broadcast %parallel_loop3A_116 : i32 to vector<16xi32>
      %parallel_loop3A_118 = arith.shrui %parallel_loop3A_112, %parallel_loop3A_117 : vector<16xi32>
      %parallel_loop3A_119 = arith.constant 1 : i32
      %parallel_loop3A_120 = vector.broadcast %parallel_loop3A_119 : i32 to vector<16xi32>
      %parallel_loop3A_121 = arith.andi %parallel_loop3A_118, %parallel_loop3A_120 : vector<16xi32>
      %parallel_loop3A_122 = arith.addi %parallel_loop3A_115, %parallel_loop3A_121 : vector<16xi32>
      %parallel_loop3A_123 = arith.constant -65536 : i32
      %parallel_loop3A_124 = vector.broadcast %parallel_loop3A_123 : i32 to vector<16xi32>
      %parallel_loop3A_125 = arith.andi %parallel_loop3A_122, %parallel_loop3A_124 : vector<16xi32>
      %parallel_loop3A_126 = vector.bitcast %parallel_loop3A_125 : vector<16xi32> to vector<16xf32>
      %parallel_loop3A_127 = arith.constant 4096 : i32
      %parallel_loop3A_128 = arith.addi %parallel_loop3A_127, %parallel_loop3A_58 : i32
      %parallel_loop3A_129 = arith.index_cast %parallel_loop3A_128 : i32 to index
      %parallel_loop3A_130 = tpu.vector_load %arg19[%parallel_loop3A_129] {strides = array<i32>} : memref<6144xf32, #tpu.memory_space<vmem>>, vector<16xf32>,
      tpu.vector_store %arg19[%parallel_loop3A_129], %parallel_loop3A_126 {strides = array<i32>} : memref<6144xf32, #tpu.memory_space<vmem>>, vector<16xf32>,
      %parallel_loop3A_131 = arith.index_cast %parallel_loop3A_58 : i32 to index
      %parallel_loop3A_132 = tpu.vector_load %arg9[%parallel_loop3A_131] {strides = array<i32>} : memref<2048xf32, #tpu.memory_space<vmem>>, vector<16xf32>,
      tpu.vector_store %arg9[%parallel_loop3A_131], %broadcast_in_dim3A_35 {strides = array<i32>} : memref<2048xf32, #tpu.memory_space<vmem>>, vector<16xf32>,
      %parallel_loop3A_133 = arith.index_cast %parallel_loop3A_58 : i32 to index
      %parallel_loop3A_134 = tpu.vector_load %arg8[%parallel_loop3A_133] {strides = array<i32>} : memref<2048xi32, #tpu.memory_space<vmem>>, vector<16xi32>,
      tpu.vector_store %arg8[%parallel_loop3A_133], %broadcast_in_dim3A_37 {strides = array<i32>} : memref<2048xi32, #tpu.memory_space<vmem>>, vector<16xi32>,
    } {sc.loop_unroll_factor = 4 : i64, sc.parallel_access}
    %parallel_loop3A_40 = arith.constant 0 : i32
    %parallel_loop3A_41 = arith.constant 25 : i32
    %parallel_loop3A_42 = arith.constant 1 : i32
    scf.for %parallel_loop3A_56 = %parallel_loop3A_40 to %parallel_loop3A_41 step %parallel_loop3A_42  : i32 {
      %parallel_loop3A_57 = arith.constant 16 : i32
      %parallel_loop3A_58 = arith.muli %parallel_loop3A_56, %parallel_loop3A_57 : i32
      %parallel_loop3A_59 = arith.index_cast %parallel_loop3A_58 : i32 to index
      %parallel_loop3A_60 = tpu.vector_load %arg18[%parallel_loop3A_59] {strides = array<i32>} : memref<400xf32, #tpu.memory_space<vmem>>, vector<16xf32>,
      %parallel_loop3A_61 = vector.bitcast %parallel_loop3A_60 : vector<16xf32> to vector<16xi32>
      %parallel_loop3A_62 = arith.constant 32767 : i32
      %parallel_loop3A_63 = vector.broadcast %parallel_loop3A_62 : i32 to vector<16xi32>
      %parallel_loop3A_64 = arith.addi %parallel_loop3A_61, %parallel_loop3A_63 : vector<16xi32>
      %parallel_loop3A_65 = arith.constant 16 : i32
      %parallel_loop3A_66 = vector.broadcast %parallel_loop3A_65 : i32 to vector<16xi32>
      %parallel_loop3A_67 = arith.shrui %parallel_loop3A_61, %parallel_loop3A_66 : vector<16xi32>
      %parallel_loop3A_68 = arith.constant 1 : i32
      %parallel_loop3A_69 = vector.broadcast %parallel_loop3A_68 : i32 to vector<16xi32>
      %parallel_loop3A_70 = arith.andi %parallel_loop3A_67, %parallel_loop3A_69 : vector<16xi32>
      %parallel_loop3A_71 = arith.addi %parallel_loop3A_64, %parallel_loop3A_70 : vector<16xi32>
      %parallel_loop3A_72 = arith.constant -65536 : i32
      %parallel_loop3A_73 = vector.broadcast %parallel_loop3A_72 : i32 to vector<16xi32>
      %parallel_loop3A_74 = arith.andi %parallel_loop3A_71, %parallel_loop3A_73 : vector<16xi32>
      %parallel_loop3A_75 = vector.bitcast %parallel_loop3A_74 : vector<16xi32> to vector<16xf32>
      %parallel_loop3A_76 = arith.index_cast %parallel_loop3A_58 : i32 to index
      %parallel_loop3A_77 = tpu.vector_load %arg17[%parallel_loop3A_76] {strides = array<i32>} : memref<400xf32, #tpu.memory_space<vmem>>, vector<16xf32>,
      tpu.vector_store %arg17[%parallel_loop3A_76], %parallel_loop3A_75 {strides = array<i32>} : memref<400xf32, #tpu.memory_space<vmem>>, vector<16xf32>,
    } {sc.loop_unroll_factor = 4 : i64, sc.parallel_access}
    %scan3A = arith.constant 0 : i32
    %scan3A_43 = arith.constant 0 : i32
    %scan3A_44 = arith.constant 8 : i32
    %scan3A_45 = arith.addi %scan3A_43, %scan3A_44 : i32
    %scan3A_46 = arith.constant 1 : i32
    %scan3A_47 = scf.for %scan3A_56 = %scan3A_43 to %scan3A_45 step %scan3A_46 iter_args(%scan3A_57 = %scan3A) -> (i32)  : i32 {
      %scan3A_58 = arith.constant 0 : i32
      %scan3A_59 = arith.constant 2 : i32
      %scan3A_60 = arith.addi %scan3A_58, %scan3A_59 : i32
      %scan3A_61 = arith.constant 1 : i32
      %scan3A_62:2 = scf.for %scan3A_72 = %scan3A_58 to %scan3A_60 step %scan3A_61 iter_args(%scan3A_73 = %broadcast_in_dim3A_35, %scan3A_74 = %broadcast_in_dim3A_37) -> (vector<16xf32>, vector<16xi32>)  : i32 {
        %mul3A_75 = arith.constant 16 : i32
        %mul3A_76 = arith.muli %scan3A_56, %mul3A_75 : i32
        %mul3A_77 = arith.constant 8 : i32
        %mul3A_78 = arith.muli %scan3A_72, %mul3A_77 : i32
        %add3A_79 = arith.addi %mul3A_76, %mul3A_78 : i32
        %add3A_80 = arith.constant 0 : i32
        %add3A_81 = arith.addi %add3A_79, %add3A_80 : i32
        %mul3A_82 = arith.constant 3 : i32
        %mul3A_83 = arith.muli %mul3A_82, %add3A_81 : i32
        %get3A = arith.index_cast %mul3A_83 : i32 to index
        %get3A_84 = tpu.vector_load %arg18[%get3A] {strides = array<i32>} : memref<400xf32, #tpu.memory_space<vmem>>, vector<16xf32>,
        %slice3A = vector.extract_strided_slice %get3A_84 {offsets = [0], sizes = [1], strides = [1]} : vector<16xf32> to vector<1xf32>
        %squeeze3A = vector.extract %slice3A[0] : f32 from vector<1xf32>
        %broadcast_in_dim3A_85 = vector.broadcast %squeeze3A : f32 to vector<16xf32>
        %slice3A_86 = vector.extract_strided_slice %get3A_84 {offsets = [1], sizes = [1], strides = [1]} : vector<16xf32> to vector<1xf32>
        %squeeze3A_87 = vector.extract %slice3A_86[0] : f32 from vector<1xf32>
        %broadcast_in_dim3A_88 = vector.broadcast %squeeze3A_87 : f32 to vector<16xf32>
        %slice3A_89 = vector.extract_strided_slice %get3A_84 {offsets = [2], sizes = [1], strides = [1]} : vector<16xf32> to vector<1xf32>
        %squeeze3A_90 = vector.extract %slice3A_89[0] : f32 from vector<1xf32>
        %broadcast_in_dim3A_91 = vector.broadcast %squeeze3A_90 : f32 to vector<16xf32>
        %mul3A_92 = arith.mulf %broadcast_in_dim3A_85, %broadcast_in_dim3A_85 : vector<16xf32>
        %mul3A_93 = arith.mulf %broadcast_in_dim3A_88, %broadcast_in_dim3A_88 : vector<16xf32>
        %add3A_94 = arith.addf %mul3A_92, %mul3A_93 : vector<16xf32>
        %mul3A_95 = arith.mulf %broadcast_in_dim3A_91, %broadcast_in_dim3A_91 : vector<16xf32>
        %add3A_96 = arith.addf %add3A_94, %mul3A_95 : vector<16xf32>
        %add3A_97 = arith.constant 0 : i32
        %add3A_98 = arith.addi %add3A_79, %add3A_97 : i32
        %mul3A_99 = arith.constant 3 : i32
        %mul3A_100 = arith.muli %mul3A_99, %add3A_98 : i32
        %get3A_101 = arith.index_cast %mul3A_100 : i32 to index
        %get3A_102 = tpu.vector_load %arg17[%get3A_101] {strides = array<i32>} : memref<400xf32, #tpu.memory_space<vmem>>, vector<16xf32>,
        %slice3A_103 = vector.extract_strided_slice %get3A_102 {offsets = [0], sizes = [1], strides = [1]} : vector<16xf32> to vector<1xf32>
        %squeeze3A_104 = vector.extract %slice3A_103[0] : f32 from vector<1xf32>
        %broadcast_in_dim3A_105 = vector.broadcast %squeeze3A_104 : f32 to vector<16xf32>
        %mul3A_106 = arith.constant -2.000000e+00 : f32
        %mul3A_107 = vector.broadcast %mul3A_106 : f32 to vector<16xf32>
        %mul3A_108 = arith.mulf %broadcast_in_dim3A_105, %mul3A_107 : vector<16xf32>
        %slice3A_109 = vector.extract_strided_slice %get3A_102 {offsets = [1], sizes = [1], strides = [1]} : vector<16xf32> to vector<1xf32>
        %squeeze3A_110 = vector.extract %slice3A_109[0] : f32 from vector<1xf32>
        %broadcast_in_dim3A_111 = vector.broadcast %squeeze3A_110 : f32 to vector<16xf32>
        %mul3A_112 = arith.constant -2.000000e+00 : f32
        %mul3A_113 = vector.broadcast %mul3A_112 : f32 to vector<16xf32>
        %mul3A_114 = arith.mulf %broadcast_in_dim3A_111, %mul3A_113 : vector<16xf32>
        %slice3A_115 = vector.extract_strided_slice %get3A_102 {offsets = [2], sizes = [1], strides = [1]} : vector<16xf32> to vector<1xf32>
        %squeeze3A_116 = vector.extract %slice3A_115[0] : f32 from vector<1xf32>
        %broadcast_in_dim3A_117 = vector.broadcast %squeeze3A_116 : f32 to vector<16xf32>
        %mul3A_118 = arith.constant -2.000000e+00 : f32
        %mul3A_119 = vector.broadcast %mul3A_118 : f32 to vector<16xf32>
        %mul3A_120 = arith.mulf %broadcast_in_dim3A_117, %mul3A_119 : vector<16xf32>
        %add3A_121 = arith.addi %mul3A_32, %add3A_79 : i32
        %add3A_122 = arith.constant 0 : i32
        %add3A_123 = arith.addi %add3A_121, %add3A_122 : i32
        %broadcast_in_dim3A_124 = vector.broadcast %add3A_123 : i32 to vector<16xi32>
        %add3A_125 = arith.constant 1 : i32
        %add3A_126 = arith.addi %add3A_79, %add3A_125 : i32
        %mul3A_127 = arith.constant 3 : i32
        %mul3A_128 = arith.muli %mul3A_127, %add3A_126 : i32
        %get3A_129 = arith.index_cast %mul3A_128 : i32 to index
        %get3A_130 = tpu.vector_load %arg18[%get3A_129] {strides = array<i32>} : memref<400xf32, #tpu.memory_space<vmem>>, vector<16xf32>,
        %slice3A_131 = vector.extract_strided_slice %get3A_130 {offsets = [0], sizes = [1], strides = [1]} : vector<16xf32> to vector<1xf32>
        %squeeze3A_132 = vector.extract %slice3A_131[0] : f32 from vector<1xf32>
        %broadcast_in_dim3A_133 = vector.broadcast %squeeze3A_132 : f32 to vector<16xf32>
        %slice3A_134 = vector.extract_strided_slice %get3A_130 {offsets = [1], sizes = [1], strides = [1]} : vector<16xf32> to vector<1xf32>
        %squeeze3A_135 = vector.extract %slice3A_134[0] : f32 from vector<1xf32>
        %broadcast_in_dim3A_136 = vector.broadcast %squeeze3A_135 : f32 to vector<16xf32>
        %slice3A_137 = vector.extract_strided_slice %get3A_130 {offsets = [2], sizes = [1], strides = [1]} : vector<16xf32> to vector<1xf32>
        %squeeze3A_138 = vector.extract %slice3A_137[0] : f32 from vector<1xf32>
        %broadcast_in_dim3A_139 = vector.broadcast %squeeze3A_138 : f32 to vector<16xf32>
        %mul3A_140 = arith.mulf %broadcast_in_dim3A_133, %broadcast_in_dim3A_133 : vector<16xf32>
        %mul3A_141 = arith.mulf %broadcast_in_dim3A_136, %broadcast_in_dim3A_136 : vector<16xf32>
        %add3A_142 = arith.addf %mul3A_140, %mul3A_141 : vector<16xf32>
        %mul3A_143 = arith.mulf %broadcast_in_dim3A_139, %broadcast_in_dim3A_139 : vector<16xf32>
        %add3A_144 = arith.addf %add3A_142, %mul3A_143 : vector<16xf32>
        %add3A_145 = arith.constant 1 : i32
        %add3A_146 = arith.addi %add3A_79, %add3A_145 : i32
        %mul3A_147 = arith.constant 3 : i32
        %mul3A_148 = arith.muli %mul3A_147, %add3A_146 : i32
        %get3A_149 = arith.index_cast %mul3A_148 : i32 to index
        %get3A_150 = tpu.vector_load %arg17[%get3A_149] {strides = array<i32>} : memref<400xf32, #tpu.memory_space<vmem>>, vector<16xf32>,
        %slice3A_151 = vector.extract_strided_slice %get3A_150 {offsets = [0], sizes = [1], strides = [1]} : vector<16xf32> to vector<1xf32>
        %squeeze3A_152 = vector.extract %slice3A_151[0] : f32 from vector<1xf32>
        %broadcast_in_dim3A_153 = vector.broadcast %squeeze3A_152 : f32 to vector<16xf32>
        %mul3A_154 = arith.constant -2.000000e+00 : f32
        %mul3A_155 = vector.broadcast %mul3A_154 : f32 to vector<16xf32>
        %mul3A_156 = arith.mulf %broadcast_in_dim3A_153, %mul3A_155 : vector<16xf32>
        %slice3A_157 = vector.extract_strided_slice %get3A_150 {offsets = [1], sizes = [1], strides = [1]} : vector<16xf32> to vector<1xf32>
        %squeeze3A_158 = vector.extract %slice3A_157[0] : f32 from vector<1xf32>
        %broadcast_in_dim3A_159 = vector.broadcast %squeeze3A_158 : f32 to vector<16xf32>
        %mul3A_160 = arith.constant -2.000000e+00 : f32
        %mul3A_161 = vector.broadcast %mul3A_160 : f32 to vector<16xf32>
        %mul3A_162 = arith.mulf %broadcast_in_dim3A_159, %mul3A_161 : vector<16xf32>
        %slice3A_163 = vector.extract_strided_slice %get3A_150 {offsets = [2], sizes = [1], strides = [1]} : vector<16xf32> to vector<1xf32>
        %squeeze3A_164 = vector.extract %slice3A_163[0] : f32 from vector<1xf32>
        %broadcast_in_dim3A_165 = vector.broadcast %squeeze3A_164 : f32 to vector<16xf32>
        %mul3A_166 = arith.constant -2.000000e+00 : f32
        %mul3A_167 = vector.broadcast %mul3A_166 : f32 to vector<16xf32>
        %mul3A_168 = arith.mulf %broadcast_in_dim3A_165, %mul3A_167 : vector<16xf32>
        %add3A_169 = arith.addi %mul3A_32, %add3A_79 : i32
        %add3A_170 = arith.constant 1 : i32
        %add3A_171 = arith.addi %add3A_169, %add3A_170 : i32
        %broadcast_in_dim3A_172 = vector.broadcast %add3A_171 : i32 to vector<16xi32>
        %add3A_173 = arith.constant 2 : i32
        %add3A_174 = arith.addi %add3A_79, %add3A_173 : i32
        %mul3A_175 = arith.constant 3 : i32
        %mul3A_176 = arith.muli %mul3A_175, %add3A_174 : i32
        %get3A_177 = arith.index_cast %mul3A_176 : i32 to index
        %get3A_178 = tpu.vector_load %arg18[%get3A_177] {strides = array<i32>} : memref<400xf32, #tpu.memory_space<vmem>>, vector<16xf32>,
        %slice3A_179 = vector.extract_strided_slice %get3A_178 {offsets = [0], sizes = [1], strides = [1]} : vector<16xf32> to vector<1xf32>
        %squeeze3A_180 = vector.extract %slice3A_179[0] : f32 from vector<1xf32>
        %broadcast_in_dim3A_181 = vector.broadcast %squeeze3A_180 : f32 to vector<16xf32>
        %slice3A_182 = vector.extract_strided_slice %get3A_178 {offsets = [1], sizes = [1], strides = [1]} : vector<16xf32> to vector<1xf32>
        %squeeze3A_183 = vector.extract %slice3A_182[0] : f32 from vector<1xf32>
        %broadcast_in_dim3A_184 = vector.broadcast %squeeze3A_183 : f32 to vector<16xf32>
        %slice3A_185 = vector.extract_strided_slice %get3A_178 {offsets = [2], sizes = [1], strides = [1]} : vector<16xf32> to vector<1xf32>
        %squeeze3A_186 = vector.extract %slice3A_185[0] : f32 from vector<1xf32>
        %broadcast_in_dim3A_187 = vector.broadcast %squeeze3A_186 : f32 to vector<16xf32>
        %mul3A_188 = arith.mulf %broadcast_in_dim3A_181, %broadcast_in_dim3A_181 : vector<16xf32>
        %mul3A_189 = arith.mulf %broadcast_in_dim3A_184, %broadcast_in_dim3A_184 : vector<16xf32>
        %add3A_190 = arith.addf %mul3A_188, %mul3A_189 : vector<16xf32>
        %mul3A_191 = arith.mulf %broadcast_in_dim3A_187, %broadcast_in_dim3A_187 : vector<16xf32>
        %add3A_192 = arith.addf %add3A_190, %mul3A_191 : vector<16xf32>
        %add3A_193 = arith.constant 2 : i32
        %add3A_194 = arith.addi %add3A_79, %add3A_193 : i32
        %mul3A_195 = arith.constant 3 : i32
        %mul3A_196 = arith.muli %mul3A_195, %add3A_194 : i32
        %get3A_197 = arith.index_cast %mul3A_196 : i32 to index
        %get3A_198 = tpu.vector_load %arg17[%get3A_197] {strides = array<i32>} : memref<400xf32, #tpu.memory_space<vmem>>, vector<16xf32>,
        %slice3A_199 = vector.extract_strided_slice %get3A_198 {offsets = [0], sizes = [1], strides = [1]} : vector<16xf32> to vector<1xf32>
        %squeeze3A_200 = vector.extract %slice3A_199[0] : f32 from vector<1xf32>
        %broadcast_in_dim3A_201 = vector.broadcast %squeeze3A_200 : f32 to vector<16xf32>
        %mul3A_202 = arith.constant -2.000000e+00 : f32
        %mul3A_203 = vector.broadcast %mul3A_202 : f32 to vector<16xf32>
        %mul3A_204 = arith.mulf %broadcast_in_dim3A_201, %mul3A_203 : vector<16xf32>
        %slice3A_205 = vector.extract_strided_slice %get3A_198 {offsets = [1], sizes = [1], strides = [1]} : vector<16xf32> to vector<1xf32>
        %squeeze3A_206 = vector.extract %slice3A_205[0] : f32 from vector<1xf32>
        %broadcast_in_dim3A_207 = vector.broadcast %squeeze3A_206 : f32 to vector<16xf32>
        %mul3A_208 = arith.constant -2.000000e+00 : f32
        %mul3A_209 = vector.broadcast %mul3A_208 : f32 to vector<16xf32>
        %mul3A_210 = arith.mulf %broadcast_in_dim3A_207, %mul3A_209 : vector<16xf32>
        %slice3A_211 = vector.extract_strided_slice %get3A_198 {offsets = [2], sizes = [1], strides = [1]} : vector<16xf32> to vector<1xf32>
        %squeeze3A_212 = vector.extract %slice3A_211[0] : f32 from vector<1xf32>
        %broadcast_in_dim3A_213 = vector.broadcast %squeeze3A_212 : f32 to vector<16xf32>
        %mul3A_214 = arith.constant -2.000000e+00 : f32
        %mul3A_215 = vector.broadcast %mul3A_214 : f32 to vector<16xf32>
        %mul3A_216 = arith.mulf %broadcast_in_dim3A_213, %mul3A_215 : vector<16xf32>
        %add3A_217 = arith.addi %mul3A_32, %add3A_79 : i32
        %add3A_218 = arith.constant 2 : i32
        %add3A_219 = arith.addi %add3A_217, %add3A_218 : i32
        %broadcast_in_dim3A_220 = vector.broadcast %add3A_219 : i32 to vector<16xi32>
        %add3A_221 = arith.constant 3 : i32
        %add3A_222 = arith.addi %add3A_79, %add3A_221 : i32
        %mul3A_223 = arith.constant 3 : i32
        %mul3A_224 = arith.muli %mul3A_223, %add3A_222 : i32
        %get3A_225 = arith.index_cast %mul3A_224 : i32 to index
        %get3A_226 = tpu.vector_load %arg18[%get3A_225] {strides = array<i32>} : memref<400xf32, #tpu.memory_space<vmem>>, vector<16xf32>,
        %slice3A_227 = vector.extract_strided_slice %get3A_226 {offsets = [0], sizes = [1], strides = [1]} : vector<16xf32> to vector<1xf32>
        %squeeze3A_228 = vector.extract %slice3A_227[0] : f32 from vector<1xf32>
        %broadcast_in_dim3A_229 = vector.broadcast %squeeze3A_228 : f32 to vector<16xf32>
        %slice3A_230 = vector.extract_strided_slice %get3A_226 {offsets = [1], sizes = [1], strides = [1]} : vector<16xf32> to vector<1xf32>
        %squeeze3A_231 = vector.extract %slice3A_230[0] : f32 from vector<1xf32>
        %broadcast_in_dim3A_232 = vector.broadcast %squeeze3A_231 : f32 to vector<16xf32>
        %slice3A_233 = vector.extract_strided_slice %get3A_226 {offsets = [2], sizes = [1], strides = [1]} : vector<16xf32> to vector<1xf32>
        %squeeze3A_234 = vector.extract %slice3A_233[0] : f32 from vector<1xf32>
        %broadcast_in_dim3A_235 = vector.broadcast %squeeze3A_234 : f32 to vector<16xf32>
        %mul3A_236 = arith.mulf %broadcast_in_dim3A_229, %broadcast_in_dim3A_229 : vector<16xf32>
        %mul3A_237 = arith.mulf %broadcast_in_dim3A_232, %broadcast_in_dim3A_232 : vector<16xf32>
        %add3A_238 = arith.addf %mul3A_236, %mul3A_237 : vector<16xf32>
        %mul3A_239 = arith.mulf %broadcast_in_dim3A_235, %broadcast_in_dim3A_235 : vector<16xf32>
        %add3A_240 = arith.addf %add3A_238, %mul3A_239 : vector<16xf32>
        %add3A_241 = arith.constant 3 : i32
        %add3A_242 = arith.addi %add3A_79, %add3A_241 : i32
        %mul3A_243 = arith.constant 3 : i32
        %mul3A_244 = arith.muli %mul3A_243, %add3A_242 : i32
        %get3A_245 = arith.index_cast %mul3A_244 : i32 to index
        %get3A_246 = tpu.vector_load %arg17[%get3A_245] {strides = array<i32>} : memref<400xf32, #tpu.memory_space<vmem>>, vector<16xf32>,
        %slice3A_247 = vector.extract_strided_slice %get3A_246 {offsets = [0], sizes = [1], strides = [1]} : vector<16xf32> to vector<1xf32>
        %squeeze3A_248 = vector.extract %slice3A_247[0] : f32 from vector<1xf32>
        %broadcast_in_dim3A_249 = vector.broadcast %squeeze3A_248 : f32 to vector<16xf32>
        %mul3A_250 = arith.constant -2.000000e+00 : f32
        %mul3A_251 = vector.broadcast %mul3A_250 : f32 to vector<16xf32>
        %mul3A_252 = arith.mulf %broadcast_in_dim3A_249, %mul3A_251 : vector<16xf32>
        %slice3A_253 = vector.extract_strided_slice %get3A_246 {offsets = [1], sizes = [1], strides = [1]} : vector<16xf32> to vector<1xf32>
        %squeeze3A_254 = vector.extract %slice3A_253[0] : f32 from vector<1xf32>
        %broadcast_in_dim3A_255 = vector.broadcast %squeeze3A_254 : f32 to vector<16xf32>
        %mul3A_256 = arith.constant -2.000000e+00 : f32
        %mul3A_257 = vector.broadcast %mul3A_256 : f32 to vector<16xf32>
        %mul3A_258 = arith.mulf %broadcast_in_dim3A_255, %mul3A_257 : vector<16xf32>
        %slice3A_259 = vector.extract_strided_slice %get3A_246 {offsets = [2], sizes = [1], strides = [1]} : vector<16xf32> to vector<1xf32>
        %squeeze3A_260 = vector.extract %slice3A_259[0] : f32 from vector<1xf32>
        %broadcast_in_dim3A_261 = vector.broadcast %squeeze3A_260 : f32 to vector<16xf32>
        %mul3A_262 = arith.constant -2.000000e+00 : f32
        %mul3A_263 = vector.broadcast %mul3A_262 : f32 to vector<16xf32>
        %mul3A_264 = arith.mulf %broadcast_in_dim3A_261, %mul3A_263 : vector<16xf32>
        %add3A_265 = arith.addi %mul3A_32, %add3A_79 : i32
        %add3A_266 = arith.constant 3 : i32
        %add3A_267 = arith.addi %add3A_265, %add3A_266 : i32
        %broadcast_in_dim3A_268 = vector.broadcast %add3A_267 : i32 to vector<16xi32>
        %add3A_269 = arith.constant 4 : i32
        %add3A_270 = arith.addi %add3A_79, %add3A_269 : i32
        %mul3A_271 = arith.constant 3 : i32
        %mul3A_272 = arith.muli %mul3A_271, %add3A_270 : i32
        %get3A_273 = arith.index_cast %mul3A_272 : i32 to index
        %get3A_274 = tpu.vector_load %arg18[%get3A_273] {strides = array<i32>} : memref<400xf32, #tpu.memory_space<vmem>>, vector<16xf32>,
        %slice3A_275 = vector.extract_strided_slice %get3A_274 {offsets = [0], sizes = [1], strides = [1]} : vector<16xf32> to vector<1xf32>
        %squeeze3A_276 = vector.extract %slice3A_275[0] : f32 from vector<1xf32>
        %broadcast_in_dim3A_277 = vector.broadcast %squeeze3A_276 : f32 to vector<16xf32>
        %slice3A_278 = vector.extract_strided_slice %get3A_274 {offsets = [1], sizes = [1], strides = [1]} : vector<16xf32> to vector<1xf32>
        %squeeze3A_279 = vector.extract %slice3A_278[0] : f32 from vector<1xf32>
        %broadcast_in_dim3A_280 = vector.broadcast %squeeze3A_279 : f32 to vector<16xf32>
        %slice3A_281 = vector.extract_strided_slice %get3A_274 {offsets = [2], sizes = [1], strides = [1]} : vector<16xf32> to vector<1xf32>
        %squeeze3A_282 = vector.extract %slice3A_281[0] : f32 from vector<1xf32>
        %broadcast_in_dim3A_283 = vector.broadcast %squeeze3A_282 : f32 to vector<16xf32>
        %mul3A_284 = arith.mulf %broadcast_in_dim3A_277, %broadcast_in_dim3A_277 : vector<16xf32>
        %mul3A_285 = arith.mulf %broadcast_in_dim3A_280, %broadcast_in_dim3A_280 : vector<16xf32>
        %add3A_286 = arith.addf %mul3A_284, %mul3A_285 : vector<16xf32>
        %mul3A_287 = arith.mulf %broadcast_in_dim3A_283, %broadcast_in_dim3A_283 : vector<16xf32>
        %add3A_288 = arith.addf %add3A_286, %mul3A_287 : vector<16xf32>
        %add3A_289 = arith.constant 4 : i32
        %add3A_290 = arith.addi %add3A_79, %add3A_289 : i32
        %mul3A_291 = arith.constant 3 : i32
        %mul3A_292 = arith.muli %mul3A_291, %add3A_290 : i32
        %get3A_293 = arith.index_cast %mul3A_292 : i32 to index
        %get3A_294 = tpu.vector_load %arg17[%get3A_293] {strides = array<i32>} : memref<400xf32, #tpu.memory_space<vmem>>, vector<16xf32>,
        %slice3A_295 = vector.extract_strided_slice %get3A_294 {offsets = [0], sizes = [1], strides = [1]} : vector<16xf32> to vector<1xf32>
        %squeeze3A_296 = vector.extract %slice3A_295[0] : f32 from vector<1xf32>
        %broadcast_in_dim3A_297 = vector.broadcast %squeeze3A_296 : f32 to vector<16xf32>
        %mul3A_298 = arith.constant -2.000000e+00 : f32
        %mul3A_299 = vector.broadcast %mul3A_298 : f32 to vector<16xf32>
        %mul3A_300 = arith.mulf %broadcast_in_dim3A_297, %mul3A_299 : vector<16xf32>
        %slice3A_301 = vector.extract_strided_slice %get3A_294 {offsets = [1], sizes = [1], strides = [1]} : vector<16xf32> to vector<1xf32>
        %squeeze3A_302 = vector.extract %slice3A_301[0] : f32 from vector<1xf32>
        %broadcast_in_dim3A_303 = vector.broadcast %squeeze3A_302 : f32 to vector<16xf32>
        %mul3A_304 = arith.constant -2.000000e+00 : f32
        %mul3A_305 = vector.broadcast %mul3A_304 : f32 to vector<16xf32>
        %mul3A_306 = arith.mulf %broadcast_in_dim3A_303, %mul3A_305 : vector<16xf32>
        %slice3A_307 = vector.extract_strided_slice %get3A_294 {offsets = [2], sizes = [1], strides = [1]} : vector<16xf32> to vector<1xf32>
        %squeeze3A_308 = vector.extract %slice3A_307[0] : f32 from vector<1xf32>
        %broadcast_in_dim3A_309 = vector.broadcast %squeeze3A_308 : f32 to vector<16xf32>
        %mul3A_310 = arith.constant -2.000000e+00 : f32
        %mul3A_311 = vector.broadcast %mul3A_310 : f32 to vector<16xf32>
        %mul3A_312 = arith.mulf %broadcast_in_dim3A_309, %mul3A_311 : vector<16xf32>
        %add3A_313 = arith.addi %mul3A_32, %add3A_79 : i32
        %add3A_314 = arith.constant 4 : i32
        %add3A_315 = arith.addi %add3A_313, %add3A_314 : i32
        %broadcast_in_dim3A_316 = vector.broadcast %add3A_315 : i32 to vector<16xi32>
        %add3A_317 = arith.constant 5 : i32
        %add3A_318 = arith.addi %add3A_79, %add3A_317 : i32
        %mul3A_319 = arith.constant 3 : i32
        %mul3A_320 = arith.muli %mul3A_319, %add3A_318 : i32
        %get3A_321 = arith.index_cast %mul3A_320 : i32 to index
        %get3A_322 = tpu.vector_load %arg18[%get3A_321] {strides = array<i32>} : memref<400xf32, #tpu.memory_space<vmem>>, vector<16xf32>,
        %slice3A_323 = vector.extract_strided_slice %get3A_322 {offsets = [0], sizes = [1], strides = [1]} : vector<16xf32> to vector<1xf32>
        %squeeze3A_324 = vector.extract %slice3A_323[0] : f32 from vector<1xf32>
        %broadcast_in_dim3A_325 = vector.broadcast %squeeze3A_324 : f32 to vector<16xf32>
        %slice3A_326 = vector.extract_strided_slice %get3A_322 {offsets = [1], sizes = [1], strides = [1]} : vector<16xf32> to vector<1xf32>
        %squeeze3A_327 = vector.extract %slice3A_326[0] : f32 from vector<1xf32>
        %broadcast_in_dim3A_328 = vector.broadcast %squeeze3A_327 : f32 to vector<16xf32>
        %slice3A_329 = vector.extract_strided_slice %get3A_322 {offsets = [2], sizes = [1], strides = [1]} : vector<16xf32> to vector<1xf32>
        %squeeze3A_330 = vector.extract %slice3A_329[0] : f32 from vector<1xf32>
        %broadcast_in_dim3A_331 = vector.broadcast %squeeze3A_330 : f32 to vector<16xf32>
        %mul3A_332 = arith.mulf %broadcast_in_dim3A_325, %broadcast_in_dim3A_325 : vector<16xf32>
        %mul3A_333 = arith.mulf %broadcast_in_dim3A_328, %broadcast_in_dim3A_328 : vector<16xf32>
        %add3A_334 = arith.addf %mul3A_332, %mul3A_333 : vector<16xf32>
        %mul3A_335 = arith.mulf %broadcast_in_dim3A_331, %broadcast_in_dim3A_331 : vector<16xf32>
        %add3A_336 = arith.addf %add3A_334, %mul3A_335 : vector<16xf32>
        %add3A_337 = arith.constant 5 : i32
        %add3A_338 = arith.addi %add3A_79, %add3A_337 : i32
        %mul3A_339 = arith.constant 3 : i32
        %mul3A_340 = arith.muli %mul3A_339, %add3A_338 : i32
        %get3A_341 = arith.index_cast %mul3A_340 : i32 to index
        %get3A_342 = tpu.vector_load %arg17[%get3A_341] {strides = array<i32>} : memref<400xf32, #tpu.memory_space<vmem>>, vector<16xf32>,
        %slice3A_343 = vector.extract_strided_slice %get3A_342 {offsets = [0], sizes = [1], strides = [1]} : vector<16xf32> to vector<1xf32>
        %squeeze3A_344 = vector.extract %slice3A_343[0] : f32 from vector<1xf32>
        %broadcast_in_dim3A_345 = vector.broadcast %squeeze3A_344 : f32 to vector<16xf32>
        %mul3A_346 = arith.constant -2.000000e+00 : f32
        %mul3A_347 = vector.broadcast %mul3A_346 : f32 to vector<16xf32>
        %mul3A_348 = arith.mulf %broadcast_in_dim3A_345, %mul3A_347 : vector<16xf32>
        %slice3A_349 = vector.extract_strided_slice %get3A_342 {offsets = [1], sizes = [1], strides = [1]} : vector<16xf32> to vector<1xf32>
        %squeeze3A_350 = vector.extract %slice3A_349[0] : f32 from vector<1xf32>
        %broadcast_in_dim3A_351 = vector.broadcast %squeeze3A_350 : f32 to vector<16xf32>
        %mul3A_352 = arith.constant -2.000000e+00 : f32
        %mul3A_353 = vector.broadcast %mul3A_352 : f32 to vector<16xf32>
        %mul3A_354 = arith.mulf %broadcast_in_dim3A_351, %mul3A_353 : vector<16xf32>
        %slice3A_355 = vector.extract_strided_slice %get3A_342 {offsets = [2], sizes = [1], strides = [1]} : vector<16xf32> to vector<1xf32>
        %squeeze3A_356 = vector.extract %slice3A_355[0] : f32 from vector<1xf32>
        %broadcast_in_dim3A_357 = vector.broadcast %squeeze3A_356 : f32 to vector<16xf32>
        %mul3A_358 = arith.constant -2.000000e+00 : f32
        %mul3A_359 = vector.broadcast %mul3A_358 : f32 to vector<16xf32>
        %mul3A_360 = arith.mulf %broadcast_in_dim3A_357, %mul3A_359 : vector<16xf32>
        %add3A_361 = arith.addi %mul3A_32, %add3A_79 : i32
        %add3A_362 = arith.constant 5 : i32
        %add3A_363 = arith.addi %add3A_361, %add3A_362 : i32
        %broadcast_in_dim3A_364 = vector.broadcast %add3A_363 : i32 to vector<16xi32>
        %add3A_365 = arith.constant 6 : i32
        %add3A_366 = arith.addi %add3A_79, %add3A_365 : i32
        %mul3A_367 = arith.constant 3 : i32
        %mul3A_368 = arith.muli %mul3A_367, %add3A_366 : i32
        %get3A_369 = arith.index_cast %mul3A_368 : i32 to index
        %get3A_370 = tpu.vector_load %arg18[%get3A_369] {strides = array<i32>} : memref<400xf32, #tpu.memory_space<vmem>>, vector<16xf32>,
        %slice3A_371 = vector.extract_strided_slice %get3A_370 {offsets = [0], sizes = [1], strides = [1]} : vector<16xf32> to vector<1xf32>
        %squeeze3A_372 = vector.extract %slice3A_371[0] : f32 from vector<1xf32>
        %broadcast_in_dim3A_373 = vector.broadcast %squeeze3A_372 : f32 to vector<16xf32>
        %slice3A_374 = vector.extract_strided_slice %get3A_370 {offsets = [1], sizes = [1], strides = [1]} : vector<16xf32> to vector<1xf32>
        %squeeze3A_375 = vector.extract %slice3A_374[0] : f32 from vector<1xf32>
        %broadcast_in_dim3A_376 = vector.broadcast %squeeze3A_375 : f32 to vector<16xf32>
        %slice3A_377 = vector.extract_strided_slice %get3A_370 {offsets = [2], sizes = [1], strides = [1]} : vector<16xf32> to vector<1xf32>
        %squeeze3A_378 = vector.extract %slice3A_377[0] : f32 from vector<1xf32>
        %broadcast_in_dim3A_379 = vector.broadcast %squeeze3A_378 : f32 to vector<16xf32>
        %mul3A_380 = arith.mulf %broadcast_in_dim3A_373, %broadcast_in_dim3A_373 : vector<16xf32>
        %mul3A_381 = arith.mulf %broadcast_in_dim3A_376, %broadcast_in_dim3A_376 : vector<16xf32>
        %add3A_382 = arith.addf %mul3A_380, %mul3A_381 : vector<16xf32>
        %mul3A_383 = arith.mulf %broadcast_in_dim3A_379, %broadcast_in_dim3A_379 : vector<16xf32>
        %add3A_384 = arith.addf %add3A_382, %mul3A_383 : vector<16xf32>
        %add3A_385 = arith.constant 6 : i32
        %add3A_386 = arith.addi %add3A_79, %add3A_385 : i32
        %mul3A_387 = arith.constant 3 : i32
        %mul3A_388 = arith.muli %mul3A_387, %add3A_386 : i32
        %get3A_389 = arith.index_cast %mul3A_388 : i32 to index
        %get3A_390 = tpu.vector_load %arg17[%get3A_389] {strides = array<i32>} : memref<400xf32, #tpu.memory_space<vmem>>, vector<16xf32>,
        %slice3A_391 = vector.extract_strided_slice %get3A_390 {offsets = [0], sizes = [1], strides = [1]} : vector<16xf32> to vector<1xf32>
        %squeeze3A_392 = vector.extract %slice3A_391[0] : f32 from vector<1xf32>
        %broadcast_in_dim3A_393 = vector.broadcast %squeeze3A_392 : f32 to vector<16xf32>
        %mul3A_394 = arith.constant -2.000000e+00 : f32
        %mul3A_395 = vector.broadcast %mul3A_394 : f32 to vector<16xf32>
        %mul3A_396 = arith.mulf %broadcast_in_dim3A_393, %mul3A_395 : vector<16xf32>
        %slice3A_397 = vector.extract_strided_slice %get3A_390 {offsets = [1], sizes = [1], strides = [1]} : vector<16xf32> to vector<1xf32>
        %squeeze3A_398 = vector.extract %slice3A_397[0] : f32 from vector<1xf32>
        %broadcast_in_dim3A_399 = vector.broadcast %squeeze3A_398 : f32 to vector<16xf32>
        %mul3A_400 = arith.constant -2.000000e+00 : f32
        %mul3A_401 = vector.broadcast %mul3A_400 : f32 to vector<16xf32>
        %mul3A_402 = arith.mulf %broadcast_in_dim3A_399, %mul3A_401 : vector<16xf32>
        %slice3A_403 = vector.extract_strided_slice %get3A_390 {offsets = [2], sizes = [1], strides = [1]} : vector<16xf32> to vector<1xf32>
        %squeeze3A_404 = vector.extract %slice3A_403[0] : f32 from vector<1xf32>
        %broadcast_in_dim3A_405 = vector.broadcast %squeeze3A_404 : f32 to vector<16xf32>
        %mul3A_406 = arith.constant -2.000000e+00 : f32
        %mul3A_407 = vector.broadcast %mul3A_406 : f32 to vector<16xf32>
        %mul3A_408 = arith.mulf %broadcast_in_dim3A_405, %mul3A_407 : vector<16xf32>
        %add3A_409 = arith.addi %mul3A_32, %add3A_79 : i32
        %add3A_410 = arith.constant 6 : i32
        %add3A_411 = arith.addi %add3A_409, %add3A_410 : i32
        %broadcast_in_dim3A_412 = vector.broadcast %add3A_411 : i32 to vector<16xi32>
        %add3A_413 = arith.constant 7 : i32
        %add3A_414 = arith.addi %add3A_79, %add3A_413 : i32
        %mul3A_415 = arith.constant 3 : i32
        %mul3A_416 = arith.muli %mul3A_415, %add3A_414 : i32
        %get3A_417 = arith.index_cast %mul3A_416 : i32 to index
        %get3A_418 = tpu.vector_load %arg18[%get3A_417] {strides = array<i32>} : memref<400xf32, #tpu.memory_space<vmem>>, vector<16xf32>,
        %slice3A_419 = vector.extract_strided_slice %get3A_418 {offsets = [0], sizes = [1], strides = [1]} : vector<16xf32> to vector<1xf32>
        %squeeze3A_420 = vector.extract %slice3A_419[0] : f32 from vector<1xf32>
        %broadcast_in_dim3A_421 = vector.broadcast %squeeze3A_420 : f32 to vector<16xf32>
        %slice3A_422 = vector.extract_strided_slice %get3A_418 {offsets = [1], sizes = [1], strides = [1]} : vector<16xf32> to vector<1xf32>
        %squeeze3A_423 = vector.extract %slice3A_422[0] : f32 from vector<1xf32>
        %broadcast_in_dim3A_424 = vector.broadcast %squeeze3A_423 : f32 to vector<16xf32>
        %slice3A_425 = vector.extract_strided_slice %get3A_418 {offsets = [2], sizes = [1], strides = [1]} : vector<16xf32> to vector<1xf32>
        %squeeze3A_426 = vector.extract %slice3A_425[0] : f32 from vector<1xf32>
        %broadcast_in_dim3A_427 = vector.broadcast %squeeze3A_426 : f32 to vector<16xf32>
        %mul3A_428 = arith.mulf %broadcast_in_dim3A_421, %broadcast_in_dim3A_421 : vector<16xf32>
        %mul3A_429 = arith.mulf %broadcast_in_dim3A_424, %broadcast_in_dim3A_424 : vector<16xf32>
        %add3A_430 = arith.addf %mul3A_428, %mul3A_429 : vector<16xf32>
        %mul3A_431 = arith.mulf %broadcast_in_dim3A_427, %broadcast_in_dim3A_427 : vector<16xf32>
        %add3A_432 = arith.addf %add3A_430, %mul3A_431 : vector<16xf32>
        %add3A_433 = arith.constant 7 : i32
        %add3A_434 = arith.addi %add3A_79, %add3A_433 : i32
        %mul3A_435 = arith.constant 3 : i32
        %mul3A_436 = arith.muli %mul3A_435, %add3A_434 : i32
        %get3A_437 = arith.index_cast %mul3A_436 : i32 to index
        %get3A_438 = tpu.vector_load %arg17[%get3A_437] {strides = array<i32>} : memref<400xf32, #tpu.memory_space<vmem>>, vector<16xf32>,
        %slice3A_439 = vector.extract_strided_slice %get3A_438 {offsets = [0], sizes = [1], strides = [1]} : vector<16xf32> to vector<1xf32>
        %squeeze3A_440 = vector.extract %slice3A_439[0] : f32 from vector<1xf32>
        %broadcast_in_dim3A_441 = vector.broadcast %squeeze3A_440 : f32 to vector<16xf32>
        %mul3A_442 = arith.constant -2.000000e+00 : f32
        %mul3A_443 = vector.broadcast %mul3A_442 : f32 to vector<16xf32>
        %mul3A_444 = arith.mulf %broadcast_in_dim3A_441, %mul3A_443 : vector<16xf32>
        %slice3A_445 = vector.extract_strided_slice %get3A_438 {offsets = [1], sizes = [1], strides = [1]} : vector<16xf32> to vector<1xf32>
        %squeeze3A_446 = vector.extract %slice3A_445[0] : f32 from vector<1xf32>
        %broadcast_in_dim3A_447 = vector.broadcast %squeeze3A_446 : f32 to vector<16xf32>
        %mul3A_448 = arith.constant -2.000000e+00 : f32
        %mul3A_449 = vector.broadcast %mul3A_448 : f32 to vector<16xf32>
        %mul3A_450 = arith.mulf %broadcast_in_dim3A_447, %mul3A_449 : vector<16xf32>
        %slice3A_451 = vector.extract_strided_slice %get3A_438 {offsets = [2], sizes = [1], strides = [1]} : vector<16xf32> to vector<1xf32>
        %squeeze3A_452 = vector.extract %slice3A_451[0] : f32 from vector<1xf32>
        %broadcast_in_dim3A_453 = vector.broadcast %squeeze3A_452 : f32 to vector<16xf32>
        %mul3A_454 = arith.constant -2.000000e+00 : f32
        %mul3A_455 = vector.broadcast %mul3A_454 : f32 to vector<16xf32>
        %mul3A_456 = arith.mulf %broadcast_in_dim3A_453, %mul3A_455 : vector<16xf32>
        %add3A_457 = arith.addi %mul3A_32, %add3A_79 : i32
        %add3A_458 = arith.constant 7 : i32
        %add3A_459 = arith.addi %add3A_457, %add3A_458 : i32
        %broadcast_in_dim3A_460 = vector.broadcast %add3A_459 : i32 to vector<16xi32>
        %parallel_loop3A_461 = arith.constant 0 : i32
        %parallel_loop3A_462 = arith.constant 128 : i32
        %parallel_loop3A_463 = arith.constant 1 : i32
        %parallel_loop3A_464:16 = scf.for %parallel_loop3A_680 = %parallel_loop3A_461 to %parallel_loop3A_462 step %parallel_loop3A_463 iter_args(%parallel_loop3A_681 = %broadcast_in_dim3A_35, %parallel_loop3A_682 = %broadcast_in_dim3A_35, %parallel_loop3A_683 = %broadcast_in_dim3A_35, %parallel_loop3A_684 = %broadcast_in_dim3A_35, %parallel_loop3A_685 = %broadcast_in_dim3A_35, %parallel_loop3A_686 = %broadcast_in_dim3A_35, %parallel_loop3A_687 = %broadcast_in_dim3A_35, %parallel_loop3A_688 = %broadcast_in_dim3A_35, %parallel_loop3A_689 = %broadcast_in_dim3A_37, %parallel_loop3A_690 = %broadcast_in_dim3A_37, %parallel_loop3A_691 = %broadcast_in_dim3A_37, %parallel_loop3A_692 = %broadcast_in_dim3A_37, %parallel_loop3A_693 = %broadcast_in_dim3A_37, %parallel_loop3A_694 = %broadcast_in_dim3A_37, %parallel_loop3A_695 = %broadcast_in_dim3A_37, %parallel_loop3A_696 = %broadcast_in_dim3A_37) -> (vector<16xf32>, vector<16xf32>, vector<16xf32>, vector<16xf32>, vector<16xf32>, vector<16xf32>, vector<16xf32>, vector<16xf32>, vector<16xi32>, vector<16xi32>, vector<16xi32>, vector<16xi32>, vector<16xi32>, vector<16xi32>, vector<16xi32>, vector<16xi32>)  : i32 {
          %parallel_loop3A_697 = arith.constant 16 : i32
          %parallel_loop3A_698 = arith.muli %parallel_loop3A_680, %parallel_loop3A_697 : i32
          %parallel_loop3A_699 = arith.index_cast %parallel_loop3A_698 : i32 to index
          %parallel_loop3A_700 = tpu.vector_load %arg19[%parallel_loop3A_699] {strides = array<i32>} : memref<6144xf32, #tpu.memory_space<vmem>>, vector<16xf32>,
          %parallel_loop3A_701 = arith.constant 2048 : i32
          %parallel_loop3A_702 = arith.addi %parallel_loop3A_701, %parallel_loop3A_698 : i32
          %parallel_loop3A_703 = arith.index_cast %parallel_loop3A_702 : i32 to index
          %parallel_loop3A_704 = tpu.vector_load %arg19[%parallel_loop3A_703] {strides = array<i32>} : memref<6144xf32, #tpu.memory_space<vmem>>, vector<16xf32>,
          %parallel_loop3A_705 = arith.constant 4096 : i32
          %parallel_loop3A_706 = arith.addi %parallel_loop3A_705, %parallel_loop3A_698 : i32
          %parallel_loop3A_707 = arith.index_cast %parallel_loop3A_706 : i32 to index
          %parallel_loop3A_708 = tpu.vector_load %arg19[%parallel_loop3A_707] {strides = array<i32>} : memref<6144xf32, #tpu.memory_space<vmem>>, vector<16xf32>,
          %parallel_loop3A_709 = arith.index_cast %parallel_loop3A_698 : i32 to index
          %parallel_loop3A_710 = tpu.vector_load %arg14[%parallel_loop3A_709] {strides = array<i32>} : memref<2048xf32, #tpu.memory_space<vmem>>, vector<16xf32>,
          %parallel_loop3A_711 = vector.broadcast %parallel_loop3A_698 : i32 to vector<16xi32>
          %parallel_loop3A_712 = arith.addi %iota3A, %parallel_loop3A_711 : vector<16xi32>
          %parallel_loop3A_713 = arith.index_cast %parallel_loop3A_698 : i32 to index
          %parallel_loop3A_714 = tpu.vector_load %arg9[%parallel_loop3A_713] {strides = array<i32>} : memref<2048xf32, #tpu.memory_space<vmem>>, vector<16xf32>,
          %parallel_loop3A_715 = arith.index_cast %parallel_loop3A_698 : i32 to index
          %parallel_loop3A_716 = tpu.vector_load %arg8[%parallel_loop3A_715] {strides = array<i32>} : memref<2048xi32, #tpu.memory_space<vmem>>, vector<16xi32>,
          %parallel_loop3A_717 = arith.mulf %mul3A_108, %parallel_loop3A_700 : vector<16xf32>
          %parallel_loop3A_718 = arith.mulf %mul3A_114, %parallel_loop3A_704 : vector<16xf32>
          %parallel_loop3A_719 = arith.addf %parallel_loop3A_717, %parallel_loop3A_718 : vector<16xf32>
          %parallel_loop3A_720 = arith.mulf %mul3A_120, %parallel_loop3A_708 : vector<16xf32>
          %parallel_loop3A_721 = arith.addf %parallel_loop3A_719, %parallel_loop3A_720 : vector<16xf32>
          %parallel_loop3A_722 = arith.addf %add3A_96, %parallel_loop3A_710 : vector<16xf32>
          %parallel_loop3A_723 = arith.addf %parallel_loop3A_722, %parallel_loop3A_721 : vector<16xf32>
          %parallel_loop3A_724 = arith.cmpf olt, %parallel_loop3A_723, %parallel_loop3A_681 : vector<16xf32>
          %parallel_loop3A_725 = arith.select %parallel_loop3A_724, %parallel_loop3A_723, %parallel_loop3A_681 : vector<16xi1>, vector<16xf32>
          %parallel_loop3A_726 = arith.select %parallel_loop3A_724, %parallel_loop3A_712, %parallel_loop3A_689 : vector<16xi1>, vector<16xi32>
          %parallel_loop3A_727 = arith.cmpf olt, %parallel_loop3A_723, %parallel_loop3A_714 : vector<16xf32>
          %parallel_loop3A_728 = arith.select %parallel_loop3A_727, %parallel_loop3A_723, %parallel_loop3A_714 : vector<16xi1>, vector<16xf32>
          %parallel_loop3A_729 = arith.select %parallel_loop3A_727, %broadcast_in_dim3A_124, %parallel_loop3A_716 : vector<16xi1>, vector<16xi32>
          %parallel_loop3A_730 = arith.mulf %mul3A_156, %parallel_loop3A_700 : vector<16xf32>
          %parallel_loop3A_731 = arith.mulf %mul3A_162, %parallel_loop3A_704 : vector<16xf32>
          %parallel_loop3A_732 = arith.addf %parallel_loop3A_730, %parallel_loop3A_731 : vector<16xf32>
          %parallel_loop3A_733 = arith.mulf %mul3A_168, %parallel_loop3A_708 : vector<16xf32>
          %parallel_loop3A_734 = arith.addf %parallel_loop3A_732, %parallel_loop3A_733 : vector<16xf32>
          %parallel_loop3A_735 = arith.addf %add3A_144, %parallel_loop3A_710 : vector<16xf32>
          %parallel_loop3A_736 = arith.addf %parallel_loop3A_735, %parallel_loop3A_734 : vector<16xf32>
          %parallel_loop3A_737 = arith.cmpf olt, %parallel_loop3A_736, %parallel_loop3A_682 : vector<16xf32>
          %parallel_loop3A_738 = arith.select %parallel_loop3A_737, %parallel_loop3A_736, %parallel_loop3A_682 : vector<16xi1>, vector<16xf32>
          %parallel_loop3A_739 = arith.select %parallel_loop3A_737, %parallel_loop3A_712, %parallel_loop3A_690 : vector<16xi1>, vector<16xi32>
          %parallel_loop3A_740 = arith.cmpf olt, %parallel_loop3A_736, %parallel_loop3A_728 : vector<16xf32>
          %parallel_loop3A_741 = arith.select %parallel_loop3A_740, %parallel_loop3A_736, %parallel_loop3A_728 : vector<16xi1>, vector<16xf32>
          %parallel_loop3A_742 = arith.select %parallel_loop3A_740, %broadcast_in_dim3A_172, %parallel_loop3A_729 : vector<16xi1>, vector<16xi32>
          %parallel_loop3A_743 = arith.mulf %mul3A_204, %parallel_loop3A_700 : vector<16xf32>
          %parallel_loop3A_744 = arith.mulf %mul3A_210, %parallel_loop3A_704 : vector<16xf32>
          %parallel_loop3A_745 = arith.addf %parallel_loop3A_743, %parallel_loop3A_744 : vector<16xf32>
          %parallel_loop3A_746 = arith.mulf %mul3A_216, %parallel_loop3A_708 : vector<16xf32>
          %parallel_loop3A_747 = arith.addf %parallel_loop3A_745, %parallel_loop3A_746 : vector<16xf32>
          %parallel_loop3A_748 = arith.addf %add3A_192, %parallel_loop3A_710 : vector<16xf32>
          %parallel_loop3A_749 = arith.addf %parallel_loop3A_748, %parallel_loop3A_747 : vector<16xf32>
          %parallel_loop3A_750 = arith.cmpf olt, %parallel_loop3A_749, %parallel_loop3A_683 : vector<16xf32>
          %parallel_loop3A_751 = arith.select %parallel_loop3A_750, %parallel_loop3A_749, %parallel_loop3A_683 : vector<16xi1>, vector<16xf32>
          %parallel_loop3A_752 = arith.select %parallel_loop3A_750, %parallel_loop3A_712, %parallel_loop3A_691 : vector<16xi1>, vector<16xi32>
          %parallel_loop3A_753 = arith.cmpf olt, %parallel_loop3A_749, %parallel_loop3A_741 : vector<16xf32>
          %parallel_loop3A_754 = arith.select %parallel_loop3A_753, %parallel_loop3A_749, %parallel_loop3A_741 : vector<16xi1>, vector<16xf32>
          %parallel_loop3A_755 = arith.select %parallel_loop3A_753, %broadcast_in_dim3A_220, %parallel_loop3A_742 : vector<16xi1>, vector<16xi32>
          %parallel_loop3A_756 = arith.mulf %mul3A_252, %parallel_loop3A_700 : vector<16xf32>
          %parallel_loop3A_757 = arith.mulf %mul3A_258, %parallel_loop3A_704 : vector<16xf32>
          %parallel_loop3A_758 = arith.addf %parallel_loop3A_756, %parallel_loop3A_757 : vector<16xf32>
          %parallel_loop3A_759 = arith.mulf %mul3A_264, %parallel_loop3A_708 : vector<16xf32>
          %parallel_loop3A_760 = arith.addf %parallel_loop3A_758, %parallel_loop3A_759 : vector<16xf32>
          %parallel_loop3A_761 = arith.addf %add3A_240, %parallel_loop3A_710 : vector<16xf32>
          %parallel_loop3A_762 = arith.addf %parallel_loop3A_761, %parallel_loop3A_760 : vector<16xf32>
          %parallel_loop3A_763 = arith.cmpf olt, %parallel_loop3A_762, %parallel_loop3A_684 : vector<16xf32>
          %parallel_loop3A_764 = arith.select %parallel_loop3A_763, %parallel_loop3A_762, %parallel_loop3A_684 : vector<16xi1>, vector<16xf32>
          %parallel_loop3A_765 = arith.select %parallel_loop3A_763, %parallel_loop3A_712, %parallel_loop3A_692 : vector<16xi1>, vector<16xi32>
          %parallel_loop3A_766 = arith.cmpf olt, %parallel_loop3A_762, %parallel_loop3A_754 : vector<16xf32>
          %parallel_loop3A_767 = arith.select %parallel_loop3A_766, %parallel_loop3A_762, %parallel_loop3A_754 : vector<16xi1>, vector<16xf32>
          %parallel_loop3A_768 = arith.select %parallel_loop3A_766, %broadcast_in_dim3A_268, %parallel_loop3A_755 : vector<16xi1>, vector<16xi32>
          %parallel_loop3A_769 = arith.mulf %mul3A_300, %parallel_loop3A_700 : vector<16xf32>
          %parallel_loop3A_770 = arith.mulf %mul3A_306, %parallel_loop3A_704 : vector<16xf32>
          %parallel_loop3A_771 = arith.addf %parallel_loop3A_769, %parallel_loop3A_770 : vector<16xf32>
          %parallel_loop3A_772 = arith.mulf %mul3A_312, %parallel_loop3A_708 : vector<16xf32>
          %parallel_loop3A_773 = arith.addf %parallel_loop3A_771, %parallel_loop3A_772 : vector<16xf32>
          %parallel_loop3A_774 = arith.addf %add3A_288, %parallel_loop3A_710 : vector<16xf32>
          %parallel_loop3A_775 = arith.addf %parallel_loop3A_774, %parallel_loop3A_773 : vector<16xf32>
          %parallel_loop3A_776 = arith.cmpf olt, %parallel_loop3A_775, %parallel_loop3A_685 : vector<16xf32>
          %parallel_loop3A_777 = arith.select %parallel_loop3A_776, %parallel_loop3A_775, %parallel_loop3A_685 : vector<16xi1>, vector<16xf32>
          %parallel_loop3A_778 = arith.select %parallel_loop3A_776, %parallel_loop3A_712, %parallel_loop3A_693 : vector<16xi1>, vector<16xi32>
          %parallel_loop3A_779 = arith.cmpf olt, %parallel_loop3A_775, %parallel_loop3A_767 : vector<16xf32>
          %parallel_loop3A_780 = arith.select %parallel_loop3A_779, %parallel_loop3A_775, %parallel_loop3A_767 : vector<16xi1>, vector<16xf32>
          %parallel_loop3A_781 = arith.select %parallel_loop3A_779, %broadcast_in_dim3A_316, %parallel_loop3A_768 : vector<16xi1>, vector<16xi32>
          %parallel_loop3A_782 = arith.mulf %mul3A_348, %parallel_loop3A_700 : vector<16xf32>
          %parallel_loop3A_783 = arith.mulf %mul3A_354, %parallel_loop3A_704 : vector<16xf32>
          %parallel_loop3A_784 = arith.addf %parallel_loop3A_782, %parallel_loop3A_783 : vector<16xf32>
          %parallel_loop3A_785 = arith.mulf %mul3A_360, %parallel_loop3A_708 : vector<16xf32>
          %parallel_loop3A_786 = arith.addf %parallel_loop3A_784, %parallel_loop3A_785 : vector<16xf32>
          %parallel_loop3A_787 = arith.addf %add3A_336, %parallel_loop3A_710 : vector<16xf32>
          %parallel_loop3A_788 = arith.addf %parallel_loop3A_787, %parallel_loop3A_786 : vector<16xf32>
          %parallel_loop3A_789 = arith.cmpf olt, %parallel_loop3A_788, %parallel_loop3A_686 : vector<16xf32>
          %parallel_loop3A_790 = arith.select %parallel_loop3A_789, %parallel_loop3A_788, %parallel_loop3A_686 : vector<16xi1>, vector<16xf32>
          %parallel_loop3A_791 = arith.select %parallel_loop3A_789, %parallel_loop3A_712, %parallel_loop3A_694 : vector<16xi1>, vector<16xi32>
          %parallel_loop3A_792 = arith.cmpf olt, %parallel_loop3A_788, %parallel_loop3A_780 : vector<16xf32>
          %parallel_loop3A_793 = arith.select %parallel_loop3A_792, %parallel_loop3A_788, %parallel_loop3A_780 : vector<16xi1>, vector<16xf32>
          %parallel_loop3A_794 = arith.select %parallel_loop3A_792, %broadcast_in_dim3A_364, %parallel_loop3A_781 : vector<16xi1>, vector<16xi32>
          %parallel_loop3A_795 = arith.mulf %mul3A_396, %parallel_loop3A_700 : vector<16xf32>
          %parallel_loop3A_796 = arith.mulf %mul3A_402, %parallel_loop3A_704 : vector<16xf32>
          %parallel_loop3A_797 = arith.addf %parallel_loop3A_795, %parallel_loop3A_796 : vector<16xf32>
          %parallel_loop3A_798 = arith.mulf %mul3A_408, %parallel_loop3A_708 : vector<16xf32>
          %parallel_loop3A_799 = arith.addf %parallel_loop3A_797, %parallel_loop3A_798 : vector<16xf32>
          %parallel_loop3A_800 = arith.addf %add3A_384, %parallel_loop3A_710 : vector<16xf32>
          %parallel_loop3A_801 = arith.addf %parallel_loop3A_800, %parallel_loop3A_799 : vector<16xf32>
          %parallel_loop3A_802 = arith.cmpf olt, %parallel_loop3A_801, %parallel_loop3A_687 : vector<16xf32>
          %parallel_loop3A_803 = arith.select %parallel_loop3A_802, %parallel_loop3A_801, %parallel_loop3A_687 : vector<16xi1>, vector<16xf32>
          %parallel_loop3A_804 = arith.select %parallel_loop3A_802, %parallel_loop3A_712, %parallel_loop3A_695 : vector<16xi1>, vector<16xi32>
          %parallel_loop3A_805 = arith.cmpf olt, %parallel_loop3A_801, %parallel_loop3A_793 : vector<16xf32>
          %parallel_loop3A_806 = arith.select %parallel_loop3A_805, %parallel_loop3A_801, %parallel_loop3A_793 : vector<16xi1>, vector<16xf32>
          %parallel_loop3A_807 = arith.select %parallel_loop3A_805, %broadcast_in_dim3A_412, %parallel_loop3A_794 : vector<16xi1>, vector<16xi32>
          %parallel_loop3A_808 = arith.mulf %mul3A_444, %parallel_loop3A_700 : vector<16xf32>
          %parallel_loop3A_809 = arith.mulf %mul3A_450, %parallel_loop3A_704 : vector<16xf32>
          %parallel_loop3A_810 = arith.addf %parallel_loop3A_808, %parallel_loop3A_809 : vector<16xf32>
          %parallel_loop3A_811 = arith.mulf %mul3A_456, %parallel_loop3A_708 : vector<16xf32>
          %parallel_loop3A_812 = arith.addf %parallel_loop3A_810, %parallel_loop3A_811 : vector<16xf32>
          %parallel_loop3A_813 = arith.addf %add3A_432, %parallel_loop3A_710 : vector<16xf32>
          %parallel_loop3A_814 = arith.addf %parallel_loop3A_813, %parallel_loop3A_812 : vector<16xf32>
          %parallel_loop3A_815 = arith.cmpf olt, %parallel_loop3A_814, %parallel_loop3A_688 : vector<16xf32>
          %parallel_loop3A_816 = arith.select %parallel_loop3A_815, %parallel_loop3A_814, %parallel_loop3A_688 : vector<16xi1>, vector<16xf32>
          %parallel_loop3A_817 = arith.select %parallel_loop3A_815, %parallel_loop3A_712, %parallel_loop3A_696 : vector<16xi1>, vector<16xi32>
          %parallel_loop3A_818 = arith.cmpf olt, %parallel_loop3A_814, %parallel_loop3A_806 : vector<16xf32>
          %parallel_loop3A_819 = arith.select %parallel_loop3A_818, %parallel_loop3A_814, %parallel_loop3A_806 : vector<16xi1>, vector<16xf32>
          %parallel_loop3A_820 = arith.select %parallel_loop3A_818, %broadcast_in_dim3A_460, %parallel_loop3A_807 : vector<16xi1>, vector<16xi32>
          %parallel_loop3A_821 = arith.index_cast %parallel_loop3A_698 : i32 to index
          %parallel_loop3A_822 = tpu.vector_load %arg9[%parallel_loop3A_821] {strides = array<i32>} : memref<2048xf32, #tpu.memory_space<vmem>>, vector<16xf32>,
          tpu.vector_store %arg9[%parallel_loop3A_821], %parallel_loop3A_819 {strides = array<i32>} : memref<2048xf32, #tpu.memory_space<vmem>>, vector<16xf32>,
          %parallel_loop3A_823 = arith.index_cast %parallel_loop3A_698 : i32 to index
          %parallel_loop3A_824 = tpu.vector_load %arg8[%parallel_loop3A_823] {strides = array<i32>} : memref<2048xi32, #tpu.memory_space<vmem>>, vector<16xi32>,
          tpu.vector_store %arg8[%parallel_loop3A_823], %parallel_loop3A_820 {strides = array<i32>} : memref<2048xi32, #tpu.memory_space<vmem>>, vector<16xi32>,
          scf.yield %parallel_loop3A_725, %parallel_loop3A_738, %parallel_loop3A_751, %parallel_loop3A_764, %parallel_loop3A_777, %parallel_loop3A_790, %parallel_loop3A_803, %parallel_loop3A_816, %parallel_loop3A_726, %parallel_loop3A_739, %parallel_loop3A_752, %parallel_loop3A_765, %parallel_loop3A_778, %parallel_loop3A_791, %parallel_loop3A_804, %parallel_loop3A_817 : vector<16xf32>, vector<16xf32>, vector<16xf32>, vector<16xf32>, vector<16xf32>, vector<16xf32>, vector<16xf32>, vector<16xf32>, vector<16xi32>, vector<16xi32>, vector<16xi32>, vector<16xi32>, vector<16xi32>, vector<16xi32>, vector<16xi32>, vector<16xi32>
        } {sc.loop_unroll_factor = 1 : i64, sc.parallel_access}
        %reduce_min3A = arith.constant true
        %reduce_min3A_465 = vector.broadcast %reduce_min3A : i1 to vector<16xi1>
        %reduce_min3A_466 = tpu.scan <min>, %parallel_loop3A_464#0 masked %reduce_min3A_465 : vector<16xf32>, vector<16xi1> -> vector<16xf32>
        %reduce_min3A_467 = vector.extract %reduce_min3A_466[15] : f32 from vector<16xf32>
        %eq3A_468 = vector.broadcast %reduce_min3A_467 : f32 to vector<16xf32>
        %eq3A_469 = arith.cmpf oeq, %parallel_loop3A_464#0, %eq3A_468 : vector<16xf32>
        %jit3A_470 = arith.constant 2048 : i32
        %broadcast_in_dim3A_471 = vector.broadcast %jit3A_470 : i32 to vector<16xi32>
        %select_n3A_472 = arith.select %eq3A_469, %parallel_loop3A_464#8, %broadcast_in_dim3A_471 : vector<16xi1>, vector<16xi32>
        %reduce_min3A_473 = arith.constant true
        %reduce_min3A_474 = vector.broadcast %reduce_min3A_473 : i1 to vector<16xi1>
        %reduce_min3A_475 = arith.constant -2147483648 : i32
        %reduce_min3A_476 = vector.broadcast %reduce_min3A_475 : i32 to vector<16xi32>
        %reduce_min3A_477 = arith.xori %select_n3A_472, %reduce_min3A_476 : vector<16xi32>
        %reduce_min3A_478 = tpu.scan <min>, %reduce_min3A_477 masked %reduce_min3A_474 : vector<16xi32>, vector<16xi1> -> vector<16xi32>
        %reduce_min3A_479 = arith.xori %reduce_min3A_478, %reduce_min3A_476 : vector<16xi32>
        %reduce_min3A_480 = vector.extract %reduce_min3A_479[15] : i32 from vector<16xi32>
        %mul3A_481 = arith.constant 8 : i32
        %mul3A_482 = arith.muli %scan3A_72, %mul3A_481 : i32
        %add3A_483 = arith.constant 0 : i32
        %add3A_484 = arith.addi %mul3A_482, %add3A_483 : i32
        %eq3A_485 = vector.broadcast %add3A_484 : i32 to vector<16xi32>
        %eq3A_486 = arith.cmpi eq, %iota3A, %eq3A_485 : vector<16xi32>
        %broadcast_in_dim3A_487 = vector.broadcast %reduce_min3A_467 : f32 to vector<16xf32>
        %select_n3A_488 = arith.select %eq3A_486, %broadcast_in_dim3A_487, %scan3A_73 : vector<16xi1>, vector<16xf32>
        %broadcast_in_dim3A_489 = vector.broadcast %reduce_min3A_480 : i32 to vector<16xi32>
        %select_n3A_490 = arith.select %eq3A_486, %broadcast_in_dim3A_489, %scan3A_74 : vector<16xi1>, vector<16xi32>
        %reduce_min3A_491 = arith.constant true
        %reduce_min3A_492 = vector.broadcast %reduce_min3A_491 : i1 to vector<16xi1>
        %reduce_min3A_493 = tpu.scan <min>, %parallel_loop3A_464#1 masked %reduce_min3A_492 : vector<16xf32>, vector<16xi1> -> vector<16xf32>
        %reduce_min3A_494 = vector.extract %reduce_min3A_493[15] : f32 from vector<16xf32>
        %eq3A_495 = vector.broadcast %reduce_min3A_494 : f32 to vector<16xf32>
        %eq3A_496 = arith.cmpf oeq, %parallel_loop3A_464#1, %eq3A_495 : vector<16xf32>
        %jit3A_497 = arith.constant 2048 : i32
        %broadcast_in_dim3A_498 = vector.broadcast %jit3A_497 : i32 to vector<16xi32>
        %select_n3A_499 = arith.select %eq3A_496, %parallel_loop3A_464#9, %broadcast_in_dim3A_498 : vector<16xi1>, vector<16xi32>
        %reduce_min3A_500 = arith.constant true
        %reduce_min3A_501 = vector.broadcast %reduce_min3A_500 : i1 to vector<16xi1>
        %reduce_min3A_502 = arith.constant -2147483648 : i32
        %reduce_min3A_503 = vector.broadcast %reduce_min3A_502 : i32 to vector<16xi32>
        %reduce_min3A_504 = arith.xori %select_n3A_499, %reduce_min3A_503 : vector<16xi32>
        %reduce_min3A_505 = tpu.scan <min>, %reduce_min3A_504 masked %reduce_min3A_501 : vector<16xi32>, vector<16xi1> -> vector<16xi32>
        %reduce_min3A_506 = arith.xori %reduce_min3A_505, %reduce_min3A_503 : vector<16xi32>
        %reduce_min3A_507 = vector.extract %reduce_min3A_506[15] : i32 from vector<16xi32>
        %mul3A_508 = arith.constant 8 : i32
        %mul3A_509 = arith.muli %scan3A_72, %mul3A_508 : i32
        %add3A_510 = arith.constant 1 : i32
        %add3A_511 = arith.addi %mul3A_509, %add3A_510 : i32
        %eq3A_512 = vector.broadcast %add3A_511 : i32 to vector<16xi32>
        %eq3A_513 = arith.cmpi eq, %iota3A, %eq3A_512 : vector<16xi32>
        %broadcast_in_dim3A_514 = vector.broadcast %reduce_min3A_494 : f32 to vector<16xf32>
        %select_n3A_515 = arith.select %eq3A_513, %broadcast_in_dim3A_514, %select_n3A_488 : vector<16xi1>, vector<16xf32>
        %broadcast_in_dim3A_516 = vector.broadcast %reduce_min3A_507 : i32 to vector<16xi32>
        %select_n3A_517 = arith.select %eq3A_513, %broadcast_in_dim3A_516, %select_n3A_490 : vector<16xi1>, vector<16xi32>
        %reduce_min3A_518 = arith.constant true
        %reduce_min3A_519 = vector.broadcast %reduce_min3A_518 : i1 to vector<16xi1>
        %reduce_min3A_520 = tpu.scan <min>, %parallel_loop3A_464#2 masked %reduce_min3A_519 : vector<16xf32>, vector<16xi1> -> vector<16xf32>
        %reduce_min3A_521 = vector.extract %reduce_min3A_520[15] : f32 from vector<16xf32>
        %eq3A_522 = vector.broadcast %reduce_min3A_521 : f32 to vector<16xf32>
        %eq3A_523 = arith.cmpf oeq, %parallel_loop3A_464#2, %eq3A_522 : vector<16xf32>
        %jit3A_524 = arith.constant 2048 : i32
        %broadcast_in_dim3A_525 = vector.broadcast %jit3A_524 : i32 to vector<16xi32>
        %select_n3A_526 = arith.select %eq3A_523, %parallel_loop3A_464#10, %broadcast_in_dim3A_525 : vector<16xi1>, vector<16xi32>
        %reduce_min3A_527 = arith.constant true
        %reduce_min3A_528 = vector.broadcast %reduce_min3A_527 : i1 to vector<16xi1>
        %reduce_min3A_529 = arith.constant -2147483648 : i32
        %reduce_min3A_530 = vector.broadcast %reduce_min3A_529 : i32 to vector<16xi32>
        %reduce_min3A_531 = arith.xori %select_n3A_526, %reduce_min3A_530 : vector<16xi32>
        %reduce_min3A_532 = tpu.scan <min>, %reduce_min3A_531 masked %reduce_min3A_528 : vector<16xi32>, vector<16xi1> -> vector<16xi32>
        %reduce_min3A_533 = arith.xori %reduce_min3A_532, %reduce_min3A_530 : vector<16xi32>
        %reduce_min3A_534 = vector.extract %reduce_min3A_533[15] : i32 from vector<16xi32>
        %mul3A_535 = arith.constant 8 : i32
        %mul3A_536 = arith.muli %scan3A_72, %mul3A_535 : i32
        %add3A_537 = arith.constant 2 : i32
        %add3A_538 = arith.addi %mul3A_536, %add3A_537 : i32
        %eq3A_539 = vector.broadcast %add3A_538 : i32 to vector<16xi32>
        %eq3A_540 = arith.cmpi eq, %iota3A, %eq3A_539 : vector<16xi32>
        %broadcast_in_dim3A_541 = vector.broadcast %reduce_min3A_521 : f32 to vector<16xf32>
        %select_n3A_542 = arith.select %eq3A_540, %broadcast_in_dim3A_541, %select_n3A_515 : vector<16xi1>, vector<16xf32>
        %broadcast_in_dim3A_543 = vector.broadcast %reduce_min3A_534 : i32 to vector<16xi32>
        %select_n3A_544 = arith.select %eq3A_540, %broadcast_in_dim3A_543, %select_n3A_517 : vector<16xi1>, vector<16xi32>
        %reduce_min3A_545 = arith.constant true
        %reduce_min3A_546 = vector.broadcast %reduce_min3A_545 : i1 to vector<16xi1>
        %reduce_min3A_547 = tpu.scan <min>, %parallel_loop3A_464#3 masked %reduce_min3A_546 : vector<16xf32>, vector<16xi1> -> vector<16xf32>
        %reduce_min3A_548 = vector.extract %reduce_min3A_547[15] : f32 from vector<16xf32>
        %eq3A_549 = vector.broadcast %reduce_min3A_548 : f32 to vector<16xf32>
        %eq3A_550 = arith.cmpf oeq, %parallel_loop3A_464#3, %eq3A_549 : vector<16xf32>
        %jit3A_551 = arith.constant 2048 : i32
        %broadcast_in_dim3A_552 = vector.broadcast %jit3A_551 : i32 to vector<16xi32>
        %select_n3A_553 = arith.select %eq3A_550, %parallel_loop3A_464#11, %broadcast_in_dim3A_552 : vector<16xi1>, vector<16xi32>
        %reduce_min3A_554 = arith.constant true
        %reduce_min3A_555 = vector.broadcast %reduce_min3A_554 : i1 to vector<16xi1>
        %reduce_min3A_556 = arith.constant -2147483648 : i32
        %reduce_min3A_557 = vector.broadcast %reduce_min3A_556 : i32 to vector<16xi32>
        %reduce_min3A_558 = arith.xori %select_n3A_553, %reduce_min3A_557 : vector<16xi32>
        %reduce_min3A_559 = tpu.scan <min>, %reduce_min3A_558 masked %reduce_min3A_555 : vector<16xi32>, vector<16xi1> -> vector<16xi32>
        %reduce_min3A_560 = arith.xori %reduce_min3A_559, %reduce_min3A_557 : vector<16xi32>
        %reduce_min3A_561 = vector.extract %reduce_min3A_560[15] : i32 from vector<16xi32>
        %mul3A_562 = arith.constant 8 : i32
        %mul3A_563 = arith.muli %scan3A_72, %mul3A_562 : i32
        %add3A_564 = arith.constant 3 : i32
        %add3A_565 = arith.addi %mul3A_563, %add3A_564 : i32
        %eq3A_566 = vector.broadcast %add3A_565 : i32 to vector<16xi32>
        %eq3A_567 = arith.cmpi eq, %iota3A, %eq3A_566 : vector<16xi32>
        %broadcast_in_dim3A_568 = vector.broadcast %reduce_min3A_548 : f32 to vector<16xf32>
        %select_n3A_569 = arith.select %eq3A_567, %broadcast_in_dim3A_568, %select_n3A_542 : vector<16xi1>, vector<16xf32>
        %broadcast_in_dim3A_570 = vector.broadcast %reduce_min3A_561 : i32 to vector<16xi32>
        %select_n3A_571 = arith.select %eq3A_567, %broadcast_in_dim3A_570, %select_n3A_544 : vector<16xi1>, vector<16xi32>
        %reduce_min3A_572 = arith.constant true
        %reduce_min3A_573 = vector.broadcast %reduce_min3A_572 : i1 to vector<16xi1>
        %reduce_min3A_574 = tpu.scan <min>, %parallel_loop3A_464#4 masked %reduce_min3A_573 : vector<16xf32>, vector<16xi1> -> vector<16xf32>
        %reduce_min3A_575 = vector.extract %reduce_min3A_574[15] : f32 from vector<16xf32>
        %eq3A_576 = vector.broadcast %reduce_min3A_575 : f32 to vector<16xf32>
        %eq3A_577 = arith.cmpf oeq, %parallel_loop3A_464#4, %eq3A_576 : vector<16xf32>
        %jit3A_578 = arith.constant 2048 : i32
        %broadcast_in_dim3A_579 = vector.broadcast %jit3A_578 : i32 to vector<16xi32>
        %select_n3A_580 = arith.select %eq3A_577, %parallel_loop3A_464#12, %broadcast_in_dim3A_579 : vector<16xi1>, vector<16xi32>
        %reduce_min3A_581 = arith.constant true
        %reduce_min3A_582 = vector.broadcast %reduce_min3A_581 : i1 to vector<16xi1>
        %reduce_min3A_583 = arith.constant -2147483648 : i32
        %reduce_min3A_584 = vector.broadcast %reduce_min3A_583 : i32 to vector<16xi32>
        %reduce_min3A_585 = arith.xori %select_n3A_580, %reduce_min3A_584 : vector<16xi32>
        %reduce_min3A_586 = tpu.scan <min>, %reduce_min3A_585 masked %reduce_min3A_582 : vector<16xi32>, vector<16xi1> -> vector<16xi32>
        %reduce_min3A_587 = arith.xori %reduce_min3A_586, %reduce_min3A_584 : vector<16xi32>
        %reduce_min3A_588 = vector.extract %reduce_min3A_587[15] : i32 from vector<16xi32>
        %mul3A_589 = arith.constant 8 : i32
        %mul3A_590 = arith.muli %scan3A_72, %mul3A_589 : i32
        %add3A_591 = arith.constant 4 : i32
        %add3A_592 = arith.addi %mul3A_590, %add3A_591 : i32
        %eq3A_593 = vector.broadcast %add3A_592 : i32 to vector<16xi32>
        %eq3A_594 = arith.cmpi eq, %iota3A, %eq3A_593 : vector<16xi32>
        %broadcast_in_dim3A_595 = vector.broadcast %reduce_min3A_575 : f32 to vector<16xf32>
        %select_n3A_596 = arith.select %eq3A_594, %broadcast_in_dim3A_595, %select_n3A_569 : vector<16xi1>, vector<16xf32>
        %broadcast_in_dim3A_597 = vector.broadcast %reduce_min3A_588 : i32 to vector<16xi32>
        %select_n3A_598 = arith.select %eq3A_594, %broadcast_in_dim3A_597, %select_n3A_571 : vector<16xi1>, vector<16xi32>
        %reduce_min3A_599 = arith.constant true
        %reduce_min3A_600 = vector.broadcast %reduce_min3A_599 : i1 to vector<16xi1>
        %reduce_min3A_601 = tpu.scan <min>, %parallel_loop3A_464#5 masked %reduce_min3A_600 : vector<16xf32>, vector<16xi1> -> vector<16xf32>
        %reduce_min3A_602 = vector.extract %reduce_min3A_601[15] : f32 from vector<16xf32>
        %eq3A_603 = vector.broadcast %reduce_min3A_602 : f32 to vector<16xf32>
        %eq3A_604 = arith.cmpf oeq, %parallel_loop3A_464#5, %eq3A_603 : vector<16xf32>
        %jit3A_605 = arith.constant 2048 : i32
        %broadcast_in_dim3A_606 = vector.broadcast %jit3A_605 : i32 to vector<16xi32>
        %select_n3A_607 = arith.select %eq3A_604, %parallel_loop3A_464#13, %broadcast_in_dim3A_606 : vector<16xi1>, vector<16xi32>
        %reduce_min3A_608 = arith.constant true
        %reduce_min3A_609 = vector.broadcast %reduce_min3A_608 : i1 to vector<16xi1>
        %reduce_min3A_610 = arith.constant -2147483648 : i32
        %reduce_min3A_611 = vector.broadcast %reduce_min3A_610 : i32 to vector<16xi32>
        %reduce_min3A_612 = arith.xori %select_n3A_607, %reduce_min3A_611 : vector<16xi32>
        %reduce_min3A_613 = tpu.scan <min>, %reduce_min3A_612 masked %reduce_min3A_609 : vector<16xi32>, vector<16xi1> -> vector<16xi32>
        %reduce_min3A_614 = arith.xori %reduce_min3A_613, %reduce_min3A_611 : vector<16xi32>
        %reduce_min3A_615 = vector.extract %reduce_min3A_614[15] : i32 from vector<16xi32>
        %mul3A_616 = arith.constant 8 : i32
        %mul3A_617 = arith.muli %scan3A_72, %mul3A_616 : i32
        %add3A_618 = arith.constant 5 : i32
        %add3A_619 = arith.addi %mul3A_617, %add3A_618 : i32
        %eq3A_620 = vector.broadcast %add3A_619 : i32 to vector<16xi32>
        %eq3A_621 = arith.cmpi eq, %iota3A, %eq3A_620 : vector<16xi32>
        %broadcast_in_dim3A_622 = vector.broadcast %reduce_min3A_602 : f32 to vector<16xf32>
        %select_n3A_623 = arith.select %eq3A_621, %broadcast_in_dim3A_622, %select_n3A_596 : vector<16xi1>, vector<16xf32>
        %broadcast_in_dim3A_624 = vector.broadcast %reduce_min3A_615 : i32 to vector<16xi32>
        %select_n3A_625 = arith.select %eq3A_621, %broadcast_in_dim3A_624, %select_n3A_598 : vector<16xi1>, vector<16xi32>
        %reduce_min3A_626 = arith.constant true
        %reduce_min3A_627 = vector.broadcast %reduce_min3A_626 : i1 to vector<16xi1>
        %reduce_min3A_628 = tpu.scan <min>, %parallel_loop3A_464#6 masked %reduce_min3A_627 : vector<16xf32>, vector<16xi1> -> vector<16xf32>
        %reduce_min3A_629 = vector.extract %reduce_min3A_628[15] : f32 from vector<16xf32>
        %eq3A_630 = vector.broadcast %reduce_min3A_629 : f32 to vector<16xf32>
        %eq3A_631 = arith.cmpf oeq, %parallel_loop3A_464#6, %eq3A_630 : vector<16xf32>
        %jit3A_632 = arith.constant 2048 : i32
        %broadcast_in_dim3A_633 = vector.broadcast %jit3A_632 : i32 to vector<16xi32>
        %select_n3A_634 = arith.select %eq3A_631, %parallel_loop3A_464#14, %broadcast_in_dim3A_633 : vector<16xi1>, vector<16xi32>
        %reduce_min3A_635 = arith.constant true
        %reduce_min3A_636 = vector.broadcast %reduce_min3A_635 : i1 to vector<16xi1>
        %reduce_min3A_637 = arith.constant -2147483648 : i32
        %reduce_min3A_638 = vector.broadcast %reduce_min3A_637 : i32 to vector<16xi32>
        %reduce_min3A_639 = arith.xori %select_n3A_634, %reduce_min3A_638 : vector<16xi32>
        %reduce_min3A_640 = tpu.scan <min>, %reduce_min3A_639 masked %reduce_min3A_636 : vector<16xi32>, vector<16xi1> -> vector<16xi32>
        %reduce_min3A_641 = arith.xori %reduce_min3A_640, %reduce_min3A_638 : vector<16xi32>
        %reduce_min3A_642 = vector.extract %reduce_min3A_641[15] : i32 from vector<16xi32>
        %mul3A_643 = arith.constant 8 : i32
        %mul3A_644 = arith.muli %scan3A_72, %mul3A_643 : i32
        %add3A_645 = arith.constant 6 : i32
        %add3A_646 = arith.addi %mul3A_644, %add3A_645 : i32
        %eq3A_647 = vector.broadcast %add3A_646 : i32 to vector<16xi32>
        %eq3A_648 = arith.cmpi eq, %iota3A, %eq3A_647 : vector<16xi32>
        %broadcast_in_dim3A_649 = vector.broadcast %reduce_min3A_629 : f32 to vector<16xf32>
        %select_n3A_650 = arith.select %eq3A_648, %broadcast_in_dim3A_649, %select_n3A_623 : vector<16xi1>, vector<16xf32>
        %broadcast_in_dim3A_651 = vector.broadcast %reduce_min3A_642 : i32 to vector<16xi32>
        %select_n3A_652 = arith.select %eq3A_648, %broadcast_in_dim3A_651, %select_n3A_625 : vector<16xi1>, vector<16xi32>
        %reduce_min3A_653 = arith.constant true
        %reduce_min3A_654 = vector.broadcast %reduce_min3A_653 : i1 to vector<16xi1>
        %reduce_min3A_655 = tpu.scan <min>, %parallel_loop3A_464#7 masked %reduce_min3A_654 : vector<16xf32>, vector<16xi1> -> vector<16xf32>
        %reduce_min3A_656 = vector.extract %reduce_min3A_655[15] : f32 from vector<16xf32>
        %eq3A_657 = vector.broadcast %reduce_min3A_656 : f32 to vector<16xf32>
        %eq3A_658 = arith.cmpf oeq, %parallel_loop3A_464#7, %eq3A_657 : vector<16xf32>
        %jit3A_659 = arith.constant 2048 : i32
        %broadcast_in_dim3A_660 = vector.broadcast %jit3A_659 : i32 to vector<16xi32>
        %select_n3A_661 = arith.select %eq3A_658, %parallel_loop3A_464#15, %broadcast_in_dim3A_660 : vector<16xi1>, vector<16xi32>
        %reduce_min3A_662 = arith.constant true
        %reduce_min3A_663 = vector.broadcast %reduce_min3A_662 : i1 to vector<16xi1>
        %reduce_min3A_664 = arith.constant -2147483648 : i32
        %reduce_min3A_665 = vector.broadcast %reduce_min3A_664 : i32 to vector<16xi32>
        %reduce_min3A_666 = arith.xori %select_n3A_661, %reduce_min3A_665 : vector<16xi32>
        %reduce_min3A_667 = tpu.scan <min>, %reduce_min3A_666 masked %reduce_min3A_663 : vector<16xi32>, vector<16xi1> -> vector<16xi32>
        %reduce_min3A_668 = arith.xori %reduce_min3A_667, %reduce_min3A_665 : vector<16xi32>
        %reduce_min3A_669 = vector.extract %reduce_min3A_668[15] : i32 from vector<16xi32>
        %mul3A_670 = arith.constant 8 : i32
        %mul3A_671 = arith.muli %scan3A_72, %mul3A_670 : i32
        %add3A_672 = arith.constant 7 : i32
        %add3A_673 = arith.addi %mul3A_671, %add3A_672 : i32
        %eq3A_674 = vector.broadcast %add3A_673 : i32 to vector<16xi32>
        %eq3A_675 = arith.cmpi eq, %iota3A, %eq3A_674 : vector<16xi32>
        %broadcast_in_dim3A_676 = vector.broadcast %reduce_min3A_656 : f32 to vector<16xf32>
        %select_n3A_677 = arith.select %eq3A_675, %broadcast_in_dim3A_676, %select_n3A_650 : vector<16xi1>, vector<16xf32>
        %broadcast_in_dim3A_678 = vector.broadcast %reduce_min3A_669 : i32 to vector<16xi32>
        %select_n3A_679 = arith.select %eq3A_675, %broadcast_in_dim3A_678, %select_n3A_652 : vector<16xi1>, vector<16xi32>
        scf.yield %select_n3A_677, %select_n3A_679 : vector<16xf32>, vector<16xi32>
      }
      %scan3A_63 = arith.constant 2 : i32
      %mul3A_64 = arith.constant 16 : i32
      %mul3A_65 = arith.muli %scan3A_56, %mul3A_64 : i32
      %swap3A = arith.index_cast %mul3A_65 : i32 to index
      %swap3A_66 = tpu.vector_load %arg13[%swap3A] {strides = array<i32>} : memref<128xf32, #tpu.memory_space<vmem>>, vector<16xf32>,
      tpu.vector_store %arg13[%swap3A], %scan3A_62#0 {strides = array<i32>} : memref<128xf32, #tpu.memory_space<vmem>>, vector<16xf32>,
      %mul3A_67 = arith.constant 16 : i32
      %mul3A_68 = arith.muli %scan3A_56, %mul3A_67 : i32
      %swap3A_69 = arith.index_cast %mul3A_68 : i32 to index
      %swap3A_70 = tpu.vector_load %arg12[%swap3A_69] {strides = array<i32>} : memref<128xi32, #tpu.memory_space<vmem>>, vector<16xi32>,
      tpu.vector_store %arg12[%swap3A_69], %scan3A_62#1 {strides = array<i32>} : memref<128xi32, #tpu.memory_space<vmem>>, vector<16xi32>,
      %scan3A_71 = arith.constant 0 : i32
      scf.yield %scan3A_71 : i32
    }
    %scan3A_48 = arith.constant 8 : i32
    "tpu.region"() ({
      %run_scoped3A = tpu.sem_alloc : memref<!tpu.dma_semaphore, #tpu.memory_space<semaphore_mem>>
      %dma_start3A = tpu.memref_slice %arg4[%select_n3A, %mul3A_32] : memref<2x2048xf32, #tpu.memory_space<hbm>> -> memref<1x128xf32, #tpu.memory_space<hbm>>
      %dma_start3A_56 = tpu.memref_squeeze %dma_start3A : memref<1x128xf32, #tpu.memory_space<hbm>> -> memref<128xf32, #tpu.memory_space<hbm>>
      %dma_start3A_57 = tpu.memref_slice %arg4[%select_n3A, %mul3A_32] : memref<2x2048xf32, #tpu.memory_space<hbm>> -> memref<1x128xf32, #tpu.memory_space<hbm>>
      %dma_start3A_58 = tpu.memref_squeeze %dma_start3A_57 : memref<1x128xf32, #tpu.memory_space<hbm>> -> memref<128xf32, #tpu.memory_space<hbm>>
      tpu.enqueue_dma source(%arg13 : memref<128xf32, #tpu.memory_space<vmem>>) target(%dma_start3A_58 : memref<128xf32, #tpu.memory_space<hbm>>) target_semaphore(%run_scoped3A : memref<!tpu.dma_semaphore, #tpu.memory_space<semaphore_mem>>)
      %dma_wait3A = tpu.memref_slice %arg4[%select_n3A, %mul3A_32] : memref<2x2048xf32, #tpu.memory_space<hbm>> -> memref<1x128xf32, #tpu.memory_space<hbm>>
      %dma_wait3A_59 = tpu.memref_squeeze %dma_wait3A : memref<1x128xf32, #tpu.memory_space<hbm>> -> memref<128xf32, #tpu.memory_space<hbm>>
      %dma_wait3A_60 = tpu.memref_slice %arg4[%select_n3A, %mul3A_32] : memref<2x2048xf32, #tpu.memory_space<hbm>> -> memref<1x128xf32, #tpu.memory_space<hbm>>
      %dma_wait3A_61 = tpu.memref_squeeze %dma_wait3A_60 : memref<1x128xf32, #tpu.memory_space<hbm>> -> memref<128xf32, #tpu.memory_space<hbm>>
      tpu.wait_dma2 semaphore(%run_scoped3A : memref<!tpu.dma_semaphore, #tpu.memory_space<semaphore_mem>>) src(%arg13 : memref<128xf32, #tpu.memory_space<vmem>>) dst(%dma_wait3A_61 : memref<128xf32, #tpu.memory_space<hbm>>)
      tpu.yield
    }) : () -> ()
    "tpu.region"() ({
      %run_scoped3A = tpu.sem_alloc : memref<!tpu.dma_semaphore, #tpu.memory_space<semaphore_mem>>
      %dma_start3A = tpu.memref_slice %arg6[%select_n3A, %mul3A_32] : memref<2x2048xi32, #tpu.memory_space<hbm>> -> memref<1x128xi32, #tpu.memory_space<hbm>>
      %dma_start3A_56 = tpu.memref_squeeze %dma_start3A : memref<1x128xi32, #tpu.memory_space<hbm>> -> memref<128xi32, #tpu.memory_space<hbm>>
      %dma_start3A_57 = tpu.memref_slice %arg6[%select_n3A, %mul3A_32] : memref<2x2048xi32, #tpu.memory_space<hbm>> -> memref<1x128xi32, #tpu.memory_space<hbm>>
      %dma_start3A_58 = tpu.memref_squeeze %dma_start3A_57 : memref<1x128xi32, #tpu.memory_space<hbm>> -> memref<128xi32, #tpu.memory_space<hbm>>
      tpu.enqueue_dma source(%arg12 : memref<128xi32, #tpu.memory_space<vmem>>) target(%dma_start3A_58 : memref<128xi32, #tpu.memory_space<hbm>>) target_semaphore(%run_scoped3A : memref<!tpu.dma_semaphore, #tpu.memory_space<semaphore_mem>>)
      %dma_wait3A = tpu.memref_slice %arg6[%select_n3A, %mul3A_32] : memref<2x2048xi32, #tpu.memory_space<hbm>> -> memref<1x128xi32, #tpu.memory_space<hbm>>
      %dma_wait3A_59 = tpu.memref_squeeze %dma_wait3A : memref<1x128xi32, #tpu.memory_space<hbm>> -> memref<128xi32, #tpu.memory_space<hbm>>
      %dma_wait3A_60 = tpu.memref_slice %arg6[%select_n3A, %mul3A_32] : memref<2x2048xi32, #tpu.memory_space<hbm>> -> memref<1x128xi32, #tpu.memory_space<hbm>>
      %dma_wait3A_61 = tpu.memref_squeeze %dma_wait3A_60 : memref<1x128xi32, #tpu.memory_space<hbm>> -> memref<128xi32, #tpu.memory_space<hbm>>
      tpu.wait_dma2 semaphore(%run_scoped3A : memref<!tpu.dma_semaphore, #tpu.memory_space<semaphore_mem>>) src(%arg12 : memref<128xi32, #tpu.memory_space<vmem>>) dst(%dma_wait3A_61 : memref<128xi32, #tpu.memory_space<hbm>>)
      tpu.yield
    }) : () -> ()
    %mul3A_49 = arith.constant 2048 : i32
    %mul3A_50 = arith.muli %arg1, %mul3A_49 : i32
    "tpu.region"() ({
      %run_scoped3A = tpu.sem_alloc : memref<!tpu.dma_semaphore, #tpu.memory_space<semaphore_mem>>
      %dma_start3A = tpu.memref_slice %arg16[%mul3A_50] : memref<32768xf32, #tpu.memory_space<vmem_shared>> -> memref<2048xf32, #tpu.memory_space<vmem_shared>>
      %dma_start3A_56 = tpu.memref_slice %arg16[%mul3A_50] : memref<32768xf32, #tpu.memory_space<vmem_shared>> -> memref<2048xf32, #tpu.memory_space<vmem_shared>>
      tpu.enqueue_dma source(%arg9 : memref<2048xf32, #tpu.memory_space<vmem>>) target(%dma_start3A_56 : memref<2048xf32, #tpu.memory_space<vmem_shared>>) target_semaphore(%run_scoped3A : memref<!tpu.dma_semaphore, #tpu.memory_space<semaphore_mem>>)
      %dma_wait3A = tpu.memref_slice %arg16[%mul3A_50] : memref<32768xf32, #tpu.memory_space<vmem_shared>> -> memref<2048xf32, #tpu.memory_space<vmem_shared>>
      %dma_wait3A_57 = tpu.memref_slice %arg16[%mul3A_50] : memref<32768xf32, #tpu.memory_space<vmem_shared>> -> memref<2048xf32, #tpu.memory_space<vmem_shared>>
      tpu.wait_dma2 semaphore(%run_scoped3A : memref<!tpu.dma_semaphore, #tpu.memory_space<semaphore_mem>>) src(%arg9 : memref<2048xf32, #tpu.memory_space<vmem>>) dst(%dma_wait3A_57 : memref<2048xf32, #tpu.memory_space<vmem_shared>>)
      tpu.yield
    }) : () -> ()
    %mul3A_51 = arith.constant 2048 : i32
    %mul3A_52 = arith.muli %arg1, %mul3A_51 : i32
    "tpu.region"() ({
      %run_scoped3A = tpu.sem_alloc : memref<!tpu.dma_semaphore, #tpu.memory_space<semaphore_mem>>
      %dma_start3A = tpu.memref_slice %arg15[%mul3A_52] : memref<32768xi32, #tpu.memory_space<vmem_shared>> -> memref<2048xi32, #tpu.memory_space<vmem_shared>>
      %dma_start3A_56 = tpu.memref_slice %arg15[%mul3A_52] : memref<32768xi32, #tpu.memory_space<vmem_shared>> -> memref<2048xi32, #tpu.memory_space<vmem_shared>>
      tpu.enqueue_dma source(%arg8 : memref<2048xi32, #tpu.memory_space<vmem>>) target(%dma_start3A_56 : memref<2048xi32, #tpu.memory_space<vmem_shared>>) target_semaphore(%run_scoped3A : memref<!tpu.dma_semaphore, #tpu.memory_space<semaphore_mem>>)
      %dma_wait3A = tpu.memref_slice %arg15[%mul3A_52] : memref<32768xi32, #tpu.memory_space<vmem_shared>> -> memref<2048xi32, #tpu.memory_space<vmem_shared>>
      %dma_wait3A_57 = tpu.memref_slice %arg15[%mul3A_52] : memref<32768xi32, #tpu.memory_space<vmem_shared>> -> memref<2048xi32, #tpu.memory_space<vmem_shared>>
      tpu.wait_dma2 semaphore(%run_scoped3A : memref<!tpu.dma_semaphore, #tpu.memory_space<semaphore_mem>>) src(%arg8 : memref<2048xi32, #tpu.memory_space<vmem>>) dst(%dma_wait3A_57 : memref<2048xi32, #tpu.memory_space<vmem_shared>>)
      tpu.yield
    }) : () -> ()
    %barrier3A = arith.constant 0 : index
    tpu.barrier barrier_id(%barrier3A)
    %eq3A_53 = arith.constant 0 : i32
    %eq3A_54 = arith.cmpi eq, %select_n3A_30, %eq3A_53 : i32
    %convert_element_type3A = arith.extui %eq3A_54 : i1 to i32
    %cond3A = arith.constant 0 : i32
    %cond3A_55 = arith.cmpi ne, %convert_element_type3A, %cond3A : i32
    scf.if %cond3A_55 {
      %mul3A_56 = arith.constant 2048 : i32
      %mul3A_57 = arith.muli %arg1, %mul3A_56 : i32
      "tpu.region"() ({
        %run_scoped3A = tpu.sem_alloc : memref<!tpu.dma_semaphore, #tpu.memory_space<semaphore_mem>>
        %dma_start3A = tpu.memref_slice %arg16[%mul3A_57] : memref<32768xf32, #tpu.memory_space<vmem_shared>> -> memref<32768xf32, #tpu.memory_space<vmem_shared>>
        %dma_start3A_63 = tpu.memref_slice %arg16[%mul3A_57] : memref<32768xf32, #tpu.memory_space<vmem_shared>> -> memref<32768xf32, #tpu.memory_space<vmem_shared>>
        tpu.enqueue_dma source(%dma_start3A_63 : memref<32768xf32, #tpu.memory_space<vmem_shared>>) target(%arg11 : memref<32768xf32, #tpu.memory_space<vmem>>) target_semaphore(%run_scoped3A : memref<!tpu.dma_semaphore, #tpu.memory_space<semaphore_mem>>)
        %dma_wait3A = tpu.memref_slice %arg16[%mul3A_57] : memref<32768xf32, #tpu.memory_space<vmem_shared>> -> memref<32768xf32, #tpu.memory_space<vmem_shared>>
        %dma_wait3A_64 = tpu.memref_slice %arg16[%mul3A_57] : memref<32768xf32, #tpu.memory_space<vmem_shared>> -> memref<32768xf32, #tpu.memory_space<vmem_shared>>
        tpu.wait_dma2 semaphore(%run_scoped3A : memref<!tpu.dma_semaphore, #tpu.memory_space<semaphore_mem>>) src(%dma_wait3A_64 : memref<32768xf32, #tpu.memory_space<vmem_shared>>) dst(%arg11 : memref<32768xf32, #tpu.memory_space<vmem>>)
        tpu.yield
      }) : () -> ()
      %mul3A_58 = arith.constant 2048 : i32
      %mul3A_59 = arith.muli %arg1, %mul3A_58 : i32
      "tpu.region"() ({
        %run_scoped3A = tpu.sem_alloc : memref<!tpu.dma_semaphore, #tpu.memory_space<semaphore_mem>>
        %dma_start3A = tpu.memref_slice %arg15[%mul3A_59] : memref<32768xi32, #tpu.memory_space<vmem_shared>> -> memref<32768xi32, #tpu.memory_space<vmem_shared>>
        %dma_start3A_63 = tpu.memref_slice %arg15[%mul3A_59] : memref<32768xi32, #tpu.memory_space<vmem_shared>> -> memref<32768xi32, #tpu.memory_space<vmem_shared>>
        tpu.enqueue_dma source(%dma_start3A_63 : memref<32768xi32, #tpu.memory_space<vmem_shared>>) target(%arg10 : memref<32768xi32, #tpu.memory_space<vmem>>) target_semaphore(%run_scoped3A : memref<!tpu.dma_semaphore, #tpu.memory_space<semaphore_mem>>)
        %dma_wait3A = tpu.memref_slice %arg15[%mul3A_59] : memref<32768xi32, #tpu.memory_space<vmem_shared>> -> memref<32768xi32, #tpu.memory_space<vmem_shared>>
        %dma_wait3A_64 = tpu.memref_slice %arg15[%mul3A_59] : memref<32768xi32, #tpu.memory_space<vmem_shared>> -> memref<32768xi32, #tpu.memory_space<vmem_shared>>
        tpu.wait_dma2 semaphore(%run_scoped3A : memref<!tpu.dma_semaphore, #tpu.memory_space<semaphore_mem>>) src(%dma_wait3A_64 : memref<32768xi32, #tpu.memory_space<vmem_shared>>) dst(%arg10 : memref<32768xi32, #tpu.memory_space<vmem>>)
        tpu.yield
      }) : () -> ()
      %parallel_loop3A_60 = arith.constant 0 : i32
      %parallel_loop3A_61 = arith.constant 128 : i32
      %parallel_loop3A_62 = arith.constant 1 : i32
      scf.for %parallel_loop3A_63 = %parallel_loop3A_60 to %parallel_loop3A_61 step %parallel_loop3A_62  : i32 {
        %parallel_loop3A_64 = arith.constant 16 : i32
        %parallel_loop3A_65 = arith.muli %parallel_loop3A_63, %parallel_loop3A_64 : i32
        %parallel_loop3A_66 = arith.index_cast %parallel_loop3A_65 : i32 to index
        %parallel_loop3A_67 = tpu.vector_load %arg11[%parallel_loop3A_66] {strides = array<i32>} : memref<32768xf32, #tpu.memory_space<vmem>>, vector<16xf32>,
        %parallel_loop3A_68 = arith.index_cast %parallel_loop3A_65 : i32 to index
        %parallel_loop3A_69 = tpu.vector_load %arg10[%parallel_loop3A_68] {strides = array<i32>} : memref<32768xi32, #tpu.memory_space<vmem>>, vector<16xi32>,
        %parallel_loop3A_70 = arith.constant 2048 : i32
        %parallel_loop3A_71 = arith.addi %parallel_loop3A_70, %parallel_loop3A_65 : i32
        %parallel_loop3A_72 = arith.index_cast %parallel_loop3A_71 : i32 to index
        %parallel_loop3A_73 = tpu.vector_load %arg11[%parallel_loop3A_72] {strides = array<i32>} : memref<32768xf32, #tpu.memory_space<vmem>>, vector<16xf32>,
        %parallel_loop3A_74 = arith.constant 2048 : i32
        %parallel_loop3A_75 = arith.addi %parallel_loop3A_74, %parallel_loop3A_65 : i32
        %parallel_loop3A_76 = arith.index_cast %parallel_loop3A_75 : i32 to index
        %parallel_loop3A_77 = tpu.vector_load %arg10[%parallel_loop3A_76] {strides = array<i32>} : memref<32768xi32, #tpu.memory_space<vmem>>, vector<16xi32>,
        %parallel_loop3A_78 = arith.cmpf olt, %parallel_loop3A_73, %parallel_loop3A_67 : vector<16xf32>
        %parallel_loop3A_79 = arith.select %parallel_loop3A_78, %parallel_loop3A_73, %parallel_loop3A_67 : vector<16xi1>, vector<16xf32>
        %parallel_loop3A_80 = arith.select %parallel_loop3A_78, %parallel_loop3A_77, %parallel_loop3A_69 : vector<16xi1>, vector<16xi32>
        %parallel_loop3A_81 = arith.constant 4096 : i32
        %parallel_loop3A_82 = arith.addi %parallel_loop3A_81, %parallel_loop3A_65 : i32
        %parallel_loop3A_83 = arith.index_cast %parallel_loop3A_82 : i32 to index
        %parallel_loop3A_84 = tpu.vector_load %arg11[%parallel_loop3A_83] {strides = array<i32>} : memref<32768xf32, #tpu.memory_space<vmem>>, vector<16xf32>,
        %parallel_loop3A_85 = arith.constant 4096 : i32
        %parallel_loop3A_86 = arith.addi %parallel_loop3A_85, %parallel_loop3A_65 : i32
        %parallel_loop3A_87 = arith.index_cast %parallel_loop3A_86 : i32 to index
        %parallel_loop3A_88 = tpu.vector_load %arg10[%parallel_loop3A_87] {strides = array<i32>} : memref<32768xi32, #tpu.memory_space<vmem>>, vector<16xi32>,
        %parallel_loop3A_89 = arith.cmpf olt, %parallel_loop3A_84, %parallel_loop3A_79 : vector<16xf32>
        %parallel_loop3A_90 = arith.select %parallel_loop3A_89, %parallel_loop3A_84, %parallel_loop3A_79 : vector<16xi1>, vector<16xf32>
        %parallel_loop3A_91 = arith.select %parallel_loop3A_89, %parallel_loop3A_88, %parallel_loop3A_80 : vector<16xi1>, vector<16xi32>
        %parallel_loop3A_92 = arith.constant 6144 : i32
        %parallel_loop3A_93 = arith.addi %parallel_loop3A_92, %parallel_loop3A_65 : i32
        %parallel_loop3A_94 = arith.index_cast %parallel_loop3A_93 : i32 to index
        %parallel_loop3A_95 = tpu.vector_load %arg11[%parallel_loop3A_94] {strides = array<i32>} : memref<32768xf32, #tpu.memory_space<vmem>>, vector<16xf32>,
        %parallel_loop3A_96 = arith.constant 6144 : i32
        %parallel_loop3A_97 = arith.addi %parallel_loop3A_96, %parallel_loop3A_65 : i32
        %parallel_loop3A_98 = arith.index_cast %parallel_loop3A_97 : i32 to index
        %parallel_loop3A_99 = tpu.vector_load %arg10[%parallel_loop3A_98] {strides = array<i32>} : memref<32768xi32, #tpu.memory_space<vmem>>, vector<16xi32>,
        %parallel_loop3A_100 = arith.cmpf olt, %parallel_loop3A_95, %parallel_loop3A_90 : vector<16xf32>
        %parallel_loop3A_101 = arith.select %parallel_loop3A_100, %parallel_loop3A_95, %parallel_loop3A_90 : vector<16xi1>, vector<16xf32>
        %parallel_loop3A_102 = arith.select %parallel_loop3A_100, %parallel_loop3A_99, %parallel_loop3A_91 : vector<16xi1>, vector<16xi32>
        %parallel_loop3A_103 = arith.constant 8192 : i32
        %parallel_loop3A_104 = arith.addi %parallel_loop3A_103, %parallel_loop3A_65 : i32
        %parallel_loop3A_105 = arith.index_cast %parallel_loop3A_104 : i32 to index
        %parallel_loop3A_106 = tpu.vector_load %arg11[%parallel_loop3A_105] {strides = array<i32>} : memref<32768xf32, #tpu.memory_space<vmem>>, vector<16xf32>,
        %parallel_loop3A_107 = arith.constant 8192 : i32
        %parallel_loop3A_108 = arith.addi %parallel_loop3A_107, %parallel_loop3A_65 : i32
        %parallel_loop3A_109 = arith.index_cast %parallel_loop3A_108 : i32 to index
        %parallel_loop3A_110 = tpu.vector_load %arg10[%parallel_loop3A_109] {strides = array<i32>} : memref<32768xi32, #tpu.memory_space<vmem>>, vector<16xi32>,
        %parallel_loop3A_111 = arith.cmpf olt, %parallel_loop3A_106, %parallel_loop3A_101 : vector<16xf32>
        %parallel_loop3A_112 = arith.select %parallel_loop3A_111, %parallel_loop3A_106, %parallel_loop3A_101 : vector<16xi1>, vector<16xf32>
        %parallel_loop3A_113 = arith.select %parallel_loop3A_111, %parallel_loop3A_110, %parallel_loop3A_102 : vector<16xi1>, vector<16xi32>
        %parallel_loop3A_114 = arith.constant 10240 : i32
        %parallel_loop3A_115 = arith.addi %parallel_loop3A_114, %parallel_loop3A_65 : i32
        %parallel_loop3A_116 = arith.index_cast %parallel_loop3A_115 : i32 to index
        %parallel_loop3A_117 = tpu.vector_load %arg11[%parallel_loop3A_116] {strides = array<i32>} : memref<32768xf32, #tpu.memory_space<vmem>>, vector<16xf32>,
        %parallel_loop3A_118 = arith.constant 10240 : i32
        %parallel_loop3A_119 = arith.addi %parallel_loop3A_118, %parallel_loop3A_65 : i32
        %parallel_loop3A_120 = arith.index_cast %parallel_loop3A_119 : i32 to index
        %parallel_loop3A_121 = tpu.vector_load %arg10[%parallel_loop3A_120] {strides = array<i32>} : memref<32768xi32, #tpu.memory_space<vmem>>, vector<16xi32>,
        %parallel_loop3A_122 = arith.cmpf olt, %parallel_loop3A_117, %parallel_loop3A_112 : vector<16xf32>
        %parallel_loop3A_123 = arith.select %parallel_loop3A_122, %parallel_loop3A_117, %parallel_loop3A_112 : vector<16xi1>, vector<16xf32>
        %parallel_loop3A_124 = arith.select %parallel_loop3A_122, %parallel_loop3A_121, %parallel_loop3A_113 : vector<16xi1>, vector<16xi32>
        %parallel_loop3A_125 = arith.constant 12288 : i32
        %parallel_loop3A_126 = arith.addi %parallel_loop3A_125, %parallel_loop3A_65 : i32
        %parallel_loop3A_127 = arith.index_cast %parallel_loop3A_126 : i32 to index
        %parallel_loop3A_128 = tpu.vector_load %arg11[%parallel_loop3A_127] {strides = array<i32>} : memref<32768xf32, #tpu.memory_space<vmem>>, vector<16xf32>,
        %parallel_loop3A_129 = arith.constant 12288 : i32
        %parallel_loop3A_130 = arith.addi %parallel_loop3A_129, %parallel_loop3A_65 : i32
        %parallel_loop3A_131 = arith.index_cast %parallel_loop3A_130 : i32 to index
        %parallel_loop3A_132 = tpu.vector_load %arg10[%parallel_loop3A_131] {strides = array<i32>} : memref<32768xi32, #tpu.memory_space<vmem>>, vector<16xi32>,
        %parallel_loop3A_133 = arith.cmpf olt, %parallel_loop3A_128, %parallel_loop3A_123 : vector<16xf32>
        %parallel_loop3A_134 = arith.select %parallel_loop3A_133, %parallel_loop3A_128, %parallel_loop3A_123 : vector<16xi1>, vector<16xf32>
        %parallel_loop3A_135 = arith.select %parallel_loop3A_133, %parallel_loop3A_132, %parallel_loop3A_124 : vector<16xi1>, vector<16xi32>
        %parallel_loop3A_136 = arith.constant 14336 : i32
        %parallel_loop3A_137 = arith.addi %parallel_loop3A_136, %parallel_loop3A_65 : i32
        %parallel_loop3A_138 = arith.index_cast %parallel_loop3A_137 : i32 to index
        %parallel_loop3A_139 = tpu.vector_load %arg11[%parallel_loop3A_138] {strides = array<i32>} : memref<32768xf32, #tpu.memory_space<vmem>>, vector<16xf32>,
        %parallel_loop3A_140 = arith.constant 14336 : i32
        %parallel_loop3A_141 = arith.addi %parallel_loop3A_140, %parallel_loop3A_65 : i32
        %parallel_loop3A_142 = arith.index_cast %parallel_loop3A_141 : i32 to index
        %parallel_loop3A_143 = tpu.vector_load %arg10[%parallel_loop3A_142] {strides = array<i32>} : memref<32768xi32, #tpu.memory_space<vmem>>, vector<16xi32>,
        %parallel_loop3A_144 = arith.cmpf olt, %parallel_loop3A_139, %parallel_loop3A_134 : vector<16xf32>
        %parallel_loop3A_145 = arith.select %parallel_loop3A_144, %parallel_loop3A_139, %parallel_loop3A_134 : vector<16xi1>, vector<16xf32>
        %parallel_loop3A_146 = arith.select %parallel_loop3A_144, %parallel_loop3A_143, %parallel_loop3A_135 : vector<16xi1>, vector<16xi32>
        %parallel_loop3A_147 = arith.constant 16384 : i32
        %parallel_loop3A_148 = arith.addi %parallel_loop3A_147, %parallel_loop3A_65 : i32
        %parallel_loop3A_149 = arith.index_cast %parallel_loop3A_148 : i32 to index
        %parallel_loop3A_150 = tpu.vector_load %arg11[%parallel_loop3A_149] {strides = array<i32>} : memref<32768xf32, #tpu.memory_space<vmem>>, vector<16xf32>,
        %parallel_loop3A_151 = arith.constant 16384 : i32
        %parallel_loop3A_152 = arith.addi %parallel_loop3A_151, %parallel_loop3A_65 : i32
        %parallel_loop3A_153 = arith.index_cast %parallel_loop3A_152 : i32 to index
        %parallel_loop3A_154 = tpu.vector_load %arg10[%parallel_loop3A_153] {strides = array<i32>} : memref<32768xi32, #tpu.memory_space<vmem>>, vector<16xi32>,
        %parallel_loop3A_155 = arith.cmpf olt, %parallel_loop3A_150, %parallel_loop3A_145 : vector<16xf32>
        %parallel_loop3A_156 = arith.select %parallel_loop3A_155, %parallel_loop3A_150, %parallel_loop3A_145 : vector<16xi1>, vector<16xf32>
        %parallel_loop3A_157 = arith.select %parallel_loop3A_155, %parallel_loop3A_154, %parallel_loop3A_146 : vector<16xi1>, vector<16xi32>
        %parallel_loop3A_158 = arith.constant 18432 : i32
        %parallel_loop3A_159 = arith.addi %parallel_loop3A_158, %parallel_loop3A_65 : i32
        %parallel_loop3A_160 = arith.index_cast %parallel_loop3A_159 : i32 to index
        %parallel_loop3A_161 = tpu.vector_load %arg11[%parallel_loop3A_160] {strides = array<i32>} : memref<32768xf32, #tpu.memory_space<vmem>>, vector<16xf32>,
        %parallel_loop3A_162 = arith.constant 18432 : i32
        %parallel_loop3A_163 = arith.addi %parallel_loop3A_162, %parallel_loop3A_65 : i32
        %parallel_loop3A_164 = arith.index_cast %parallel_loop3A_163 : i32 to index
        %parallel_loop3A_165 = tpu.vector_load %arg10[%parallel_loop3A_164] {strides = array<i32>} : memref<32768xi32, #tpu.memory_space<vmem>>, vector<16xi32>,
        %parallel_loop3A_166 = arith.cmpf olt, %parallel_loop3A_161, %parallel_loop3A_156 : vector<16xf32>
        %parallel_loop3A_167 = arith.select %parallel_loop3A_166, %parallel_loop3A_161, %parallel_loop3A_156 : vector<16xi1>, vector<16xf32>
        %parallel_loop3A_168 = arith.select %parallel_loop3A_166, %parallel_loop3A_165, %parallel_loop3A_157 : vector<16xi1>, vector<16xi32>
        %parallel_loop3A_169 = arith.constant 20480 : i32
        %parallel_loop3A_170 = arith.addi %parallel_loop3A_169, %parallel_loop3A_65 : i32
        %parallel_loop3A_171 = arith.index_cast %parallel_loop3A_170 : i32 to index
        %parallel_loop3A_172 = tpu.vector_load %arg11[%parallel_loop3A_171] {strides = array<i32>} : memref<32768xf32, #tpu.memory_space<vmem>>, vector<16xf32>,
        %parallel_loop3A_173 = arith.constant 20480 : i32
        %parallel_loop3A_174 = arith.addi %parallel_loop3A_173, %parallel_loop3A_65 : i32
        %parallel_loop3A_175 = arith.index_cast %parallel_loop3A_174 : i32 to index
        %parallel_loop3A_176 = tpu.vector_load %arg10[%parallel_loop3A_175] {strides = array<i32>} : memref<32768xi32, #tpu.memory_space<vmem>>, vector<16xi32>,
        %parallel_loop3A_177 = arith.cmpf olt, %parallel_loop3A_172, %parallel_loop3A_167 : vector<16xf32>
        %parallel_loop3A_178 = arith.select %parallel_loop3A_177, %parallel_loop3A_172, %parallel_loop3A_167 : vector<16xi1>, vector<16xf32>
        %parallel_loop3A_179 = arith.select %parallel_loop3A_177, %parallel_loop3A_176, %parallel_loop3A_168 : vector<16xi1>, vector<16xi32>
        %parallel_loop3A_180 = arith.constant 22528 : i32
        %parallel_loop3A_181 = arith.addi %parallel_loop3A_180, %parallel_loop3A_65 : i32
        %parallel_loop3A_182 = arith.index_cast %parallel_loop3A_181 : i32 to index
        %parallel_loop3A_183 = tpu.vector_load %arg11[%parallel_loop3A_182] {strides = array<i32>} : memref<32768xf32, #tpu.memory_space<vmem>>, vector<16xf32>,
        %parallel_loop3A_184 = arith.constant 22528 : i32
        %parallel_loop3A_185 = arith.addi %parallel_loop3A_184, %parallel_loop3A_65 : i32
        %parallel_loop3A_186 = arith.index_cast %parallel_loop3A_185 : i32 to index
        %parallel_loop3A_187 = tpu.vector_load %arg10[%parallel_loop3A_186] {strides = array<i32>} : memref<32768xi32, #tpu.memory_space<vmem>>, vector<16xi32>,
        %parallel_loop3A_188 = arith.cmpf olt, %parallel_loop3A_183, %parallel_loop3A_178 : vector<16xf32>
        %parallel_loop3A_189 = arith.select %parallel_loop3A_188, %parallel_loop3A_183, %parallel_loop3A_178 : vector<16xi1>, vector<16xf32>
        %parallel_loop3A_190 = arith.select %parallel_loop3A_188, %parallel_loop3A_187, %parallel_loop3A_179 : vector<16xi1>, vector<16xi32>
        %parallel_loop3A_191 = arith.constant 24576 : i32
        %parallel_loop3A_192 = arith.addi %parallel_loop3A_191, %parallel_loop3A_65 : i32
        %parallel_loop3A_193 = arith.index_cast %parallel_loop3A_192 : i32 to index
        %parallel_loop3A_194 = tpu.vector_load %arg11[%parallel_loop3A_193] {strides = array<i32>} : memref<32768xf32, #tpu.memory_space<vmem>>, vector<16xf32>,
        %parallel_loop3A_195 = arith.constant 24576 : i32
        %parallel_loop3A_196 = arith.addi %parallel_loop3A_195, %parallel_loop3A_65 : i32
        %parallel_loop3A_197 = arith.index_cast %parallel_loop3A_196 : i32 to index
        %parallel_loop3A_198 = tpu.vector_load %arg10[%parallel_loop3A_197] {strides = array<i32>} : memref<32768xi32, #tpu.memory_space<vmem>>, vector<16xi32>,
        %parallel_loop3A_199 = arith.cmpf olt, %parallel_loop3A_194, %parallel_loop3A_189 : vector<16xf32>
        %parallel_loop3A_200 = arith.select %parallel_loop3A_199, %parallel_loop3A_194, %parallel_loop3A_189 : vector<16xi1>, vector<16xf32>
        %parallel_loop3A_201 = arith.select %parallel_loop3A_199, %parallel_loop3A_198, %parallel_loop3A_190 : vector<16xi1>, vector<16xi32>
        %parallel_loop3A_202 = arith.constant 26624 : i32
        %parallel_loop3A_203 = arith.addi %parallel_loop3A_202, %parallel_loop3A_65 : i32
        %parallel_loop3A_204 = arith.index_cast %parallel_loop3A_203 : i32 to index
        %parallel_loop3A_205 = tpu.vector_load %arg11[%parallel_loop3A_204] {strides = array<i32>} : memref<32768xf32, #tpu.memory_space<vmem>>, vector<16xf32>,
        %parallel_loop3A_206 = arith.constant 26624 : i32
        %parallel_loop3A_207 = arith.addi %parallel_loop3A_206, %parallel_loop3A_65 : i32
        %parallel_loop3A_208 = arith.index_cast %parallel_loop3A_207 : i32 to index
        %parallel_loop3A_209 = tpu.vector_load %arg10[%parallel_loop3A_208] {strides = array<i32>} : memref<32768xi32, #tpu.memory_space<vmem>>, vector<16xi32>,
        %parallel_loop3A_210 = arith.cmpf olt, %parallel_loop3A_205, %parallel_loop3A_200 : vector<16xf32>
        %parallel_loop3A_211 = arith.select %parallel_loop3A_210, %parallel_loop3A_205, %parallel_loop3A_200 : vector<16xi1>, vector<16xf32>
        %parallel_loop3A_212 = arith.select %parallel_loop3A_210, %parallel_loop3A_209, %parallel_loop3A_201 : vector<16xi1>, vector<16xi32>
        %parallel_loop3A_213 = arith.constant 28672 : i32
        %parallel_loop3A_214 = arith.addi %parallel_loop3A_213, %parallel_loop3A_65 : i32
        %parallel_loop3A_215 = arith.index_cast %parallel_loop3A_214 : i32 to index
        %parallel_loop3A_216 = tpu.vector_load %arg11[%parallel_loop3A_215] {strides = array<i32>} : memref<32768xf32, #tpu.memory_space<vmem>>, vector<16xf32>,
        %parallel_loop3A_217 = arith.constant 28672 : i32
        %parallel_loop3A_218 = arith.addi %parallel_loop3A_217, %parallel_loop3A_65 : i32
        %parallel_loop3A_219 = arith.index_cast %parallel_loop3A_218 : i32 to index
        %parallel_loop3A_220 = tpu.vector_load %arg10[%parallel_loop3A_219] {strides = array<i32>} : memref<32768xi32, #tpu.memory_space<vmem>>, vector<16xi32>,
        %parallel_loop3A_221 = arith.cmpf olt, %parallel_loop3A_216, %parallel_loop3A_211 : vector<16xf32>
        %parallel_loop3A_222 = arith.select %parallel_loop3A_221, %parallel_loop3A_216, %parallel_loop3A_211 : vector<16xi1>, vector<16xf32>
        %parallel_loop3A_223 = arith.select %parallel_loop3A_221, %parallel_loop3A_220, %parallel_loop3A_212 : vector<16xi1>, vector<16xi32>
        %parallel_loop3A_224 = arith.constant 30720 : i32
        %parallel_loop3A_225 = arith.addi %parallel_loop3A_224, %parallel_loop3A_65 : i32
        %parallel_loop3A_226 = arith.index_cast %parallel_loop3A_225 : i32 to index
        %parallel_loop3A_227 = tpu.vector_load %arg11[%parallel_loop3A_226] {strides = array<i32>} : memref<32768xf32, #tpu.memory_space<vmem>>, vector<16xf32>,
        %parallel_loop3A_228 = arith.constant 30720 : i32
        %parallel_loop3A_229 = arith.addi %parallel_loop3A_228, %parallel_loop3A_65 : i32
        %parallel_loop3A_230 = arith.index_cast %parallel_loop3A_229 : i32 to index
        %parallel_loop3A_231 = tpu.vector_load %arg10[%parallel_loop3A_230] {strides = array<i32>} : memref<32768xi32, #tpu.memory_space<vmem>>, vector<16xi32>,
        %parallel_loop3A_232 = arith.cmpf olt, %parallel_loop3A_227, %parallel_loop3A_222 : vector<16xf32>
        %parallel_loop3A_233 = arith.select %parallel_loop3A_232, %parallel_loop3A_227, %parallel_loop3A_222 : vector<16xi1>, vector<16xf32>
        %parallel_loop3A_234 = arith.select %parallel_loop3A_232, %parallel_loop3A_231, %parallel_loop3A_223 : vector<16xi1>, vector<16xi32>
        %parallel_loop3A_235 = arith.index_cast %parallel_loop3A_65 : i32 to index
        %parallel_loop3A_236 = tpu.vector_load %arg9[%parallel_loop3A_235] {strides = array<i32>} : memref<2048xf32, #tpu.memory_space<vmem>>, vector<16xf32>,
        tpu.vector_store %arg9[%parallel_loop3A_235], %parallel_loop3A_233 {strides = array<i32>} : memref<2048xf32, #tpu.memory_space<vmem>>, vector<16xf32>,
        %parallel_loop3A_237 = arith.index_cast %parallel_loop3A_65 : i32 to index
        %parallel_loop3A_238 = tpu.vector_load %arg8[%parallel_loop3A_237] {strides = array<i32>} : memref<2048xi32, #tpu.memory_space<vmem>>, vector<16xi32>,
        tpu.vector_store %arg8[%parallel_loop3A_237], %parallel_loop3A_234 {strides = array<i32>} : memref<2048xi32, #tpu.memory_space<vmem>>, vector<16xi32>,
      } {sc.loop_unroll_factor = 4 : i64, sc.parallel_access}
      "tpu.region"() ({
        %run_scoped3A = tpu.sem_alloc : memref<!tpu.dma_semaphore, #tpu.memory_space<semaphore_mem>>
        %dma_start3A = arith.constant 0 : i32
        %dma_start3A_63 = tpu.memref_slice %arg5[%select_n3A, %dma_start3A] : memref<2x2048xf32, #tpu.memory_space<hbm>> -> memref<1x2048xf32, #tpu.memory_space<hbm>>
        %dma_start3A_64 = tpu.memref_squeeze %dma_start3A_63 : memref<1x2048xf32, #tpu.memory_space<hbm>> -> memref<2048xf32, #tpu.memory_space<hbm>>
        %dma_start3A_65 = arith.constant 0 : i32
        %dma_start3A_66 = tpu.memref_slice %arg5[%select_n3A, %dma_start3A_65] : memref<2x2048xf32, #tpu.memory_space<hbm>> -> memref<1x2048xf32, #tpu.memory_space<hbm>>
        %dma_start3A_67 = tpu.memref_squeeze %dma_start3A_66 : memref<1x2048xf32, #tpu.memory_space<hbm>> -> memref<2048xf32, #tpu.memory_space<hbm>>
        tpu.enqueue_dma source(%arg9 : memref<2048xf32, #tpu.memory_space<vmem>>) target(%dma_start3A_67 : memref<2048xf32, #tpu.memory_space<hbm>>) target_semaphore(%run_scoped3A : memref<!tpu.dma_semaphore, #tpu.memory_space<semaphore_mem>>)
        %dma_wait3A = arith.constant 0 : i32
        %dma_wait3A_68 = tpu.memref_slice %arg5[%select_n3A, %dma_wait3A] : memref<2x2048xf32, #tpu.memory_space<hbm>> -> memref<1x2048xf32, #tpu.memory_space<hbm>>
        %dma_wait3A_69 = tpu.memref_squeeze %dma_wait3A_68 : memref<1x2048xf32, #tpu.memory_space<hbm>> -> memref<2048xf32, #tpu.memory_space<hbm>>
        %dma_wait3A_70 = arith.constant 0 : i32
        %dma_wait3A_71 = tpu.memref_slice %arg5[%select_n3A, %dma_wait3A_70] : memref<2x2048xf32, #tpu.memory_space<hbm>> -> memref<1x2048xf32, #tpu.memory_space<hbm>>
        %dma_wait3A_72 = tpu.memref_squeeze %dma_wait3A_71 : memref<1x2048xf32, #tpu.memory_space<hbm>> -> memref<2048xf32, #tpu.memory_space<hbm>>
        tpu.wait_dma2 semaphore(%run_scoped3A : memref<!tpu.dma_semaphore, #tpu.memory_space<semaphore_mem>>) src(%arg9 : memref<2048xf32, #tpu.memory_space<vmem>>) dst(%dma_wait3A_72 : memref<2048xf32, #tpu.memory_space<hbm>>)
        tpu.yield
      }) : () -> ()
      "tpu.region"() ({
        %run_scoped3A = tpu.sem_alloc : memref<!tpu.dma_semaphore, #tpu.memory_space<semaphore_mem>>
        %dma_start3A = arith.constant 0 : i32
        %dma_start3A_63 = tpu.memref_slice %arg7[%select_n3A, %dma_start3A] : memref<2x2048xi32, #tpu.memory_space<hbm>> -> memref<1x2048xi32, #tpu.memory_space<hbm>>
        %dma_start3A_64 = tpu.memref_squeeze %dma_start3A_63 : memref<1x2048xi32, #tpu.memory_space<hbm>> -> memref<2048xi32, #tpu.memory_space<hbm>>
        %dma_start3A_65 = arith.constant 0 : i32
        %dma_start3A_66 = tpu.memref_slice %arg7[%select_n3A, %dma_start3A_65] : memref<2x2048xi32, #tpu.memory_space<hbm>> -> memref<1x2048xi32, #tpu.memory_space<hbm>>
        %dma_start3A_67 = tpu.memref_squeeze %dma_start3A_66 : memref<1x2048xi32, #tpu.memory_space<hbm>> -> memref<2048xi32, #tpu.memory_space<hbm>>
        tpu.enqueue_dma source(%arg8 : memref<2048xi32, #tpu.memory_space<vmem>>) target(%dma_start3A_67 : memref<2048xi32, #tpu.memory_space<hbm>>) target_semaphore(%run_scoped3A : memref<!tpu.dma_semaphore, #tpu.memory_space<semaphore_mem>>)
        %dma_wait3A = arith.constant 0 : i32
        %dma_wait3A_68 = tpu.memref_slice %arg7[%select_n3A, %dma_wait3A] : memref<2x2048xi32, #tpu.memory_space<hbm>> -> memref<1x2048xi32, #tpu.memory_space<hbm>>
        %dma_wait3A_69 = tpu.memref_squeeze %dma_wait3A_68 : memref<1x2048xi32, #tpu.memory_space<hbm>> -> memref<2048xi32, #tpu.memory_space<hbm>>
        %dma_wait3A_70 = arith.constant 0 : i32
        %dma_wait3A_71 = tpu.memref_slice %arg7[%select_n3A, %dma_wait3A_70] : memref<2x2048xi32, #tpu.memory_space<hbm>> -> memref<1x2048xi32, #tpu.memory_space<hbm>>
        %dma_wait3A_72 = tpu.memref_squeeze %dma_wait3A_71 : memref<1x2048xi32, #tpu.memory_space<hbm>> -> memref<2048xi32, #tpu.memory_space<hbm>>
        tpu.wait_dma2 semaphore(%run_scoped3A : memref<!tpu.dma_semaphore, #tpu.memory_space<semaphore_mem>>) src(%arg8 : memref<2048xi32, #tpu.memory_space<vmem>>) dst(%dma_wait3A_72 : memref<2048xi32, #tpu.memory_space<hbm>>)
        tpu.yield
      }) : () -> ()
    } else {
    }
    return
  }
}

module attributes {stable_mosaic.version = 14 : i64} {
  func.func @_tc_body(%arg0: i32, %arg1: i32, %arg2: memref<1x2048x3xf32, #tpu.memory_space<vmem>>, %arg3: memref<1x3x2048xf32, #tpu.memory_space<vmem>>, %arg4: memref<1x1x2048xf32, #tpu.memory_space<vmem>>, %arg5: memref<1x1x2048xf32, #tpu.memory_space<vmem>>, %arg6: memref<1x1x2048xi32, #tpu.memory_space<vmem>>, %arg7: memref<1x1x2048xi32, #tpu.memory_space<vmem>>, %arg8: memref<1x2048xf32, #tpu.memory_space<vmem>>, %arg9: memref<1x2048xf32, #tpu.memory_space<vmem>>) attributes {dimension_semantics = [#tpu.dimension_semantics<arbitrary>, #tpu.dimension_semantics<arbitrary>], iteration_bounds = array<i64: 6, 1>, scalar_prefetch = 0 : i64, scratch_operands = 2 : i64, tpu.core_type = #tpu.core_type<tc>, window_params = [{transform_indices = @transform_0, window_bounds = array<i64: 1, 2048, 3>}, {transform_indices = @transform_1, window_bounds = array<i64: 1, 3, 2048>}, {transform_indices = @transform_2, window_bounds = array<i64: 1, 1, 2048>}, {transform_indices = @transform_3, window_bounds = array<i64: 1, 1, 2048>}, {transform_indices = @transform_4, window_bounds = array<i64: 1, 1, 2048>}, {transform_indices = @transform_5, window_bounds = array<i64: 1, 1, 2048>}]} {
    %get3A = arith.constant 0 : index
    %get3A_0 = arith.constant 0 : index
    %get3A_1 = arith.constant 0 : index
    %get3A_2 = vector.load %arg2[%get3A, %get3A_0, %get3A_1] : memref<1x2048x3xf32, #tpu.memory_space<vmem>>, vector<1x2048x3xf32>
    %get3A_3 = vector.shape_cast %get3A_2 : vector<1x2048x3xf32> to vector<2048x3xf32>
    %slice3A = vector.extract_strided_slice %get3A_3 {offsets = [0, 0], sizes = [2048, 1], strides = [1, 1]} : vector<2048x3xf32> to vector<2048x1xf32>
    %slice3A_4 = vector.extract_strided_slice %get3A_3 {offsets = [0, 1], sizes = [2048, 1], strides = [1, 1]} : vector<2048x3xf32> to vector<2048x1xf32>
    %slice3A_5 = vector.extract_strided_slice %get3A_3 {offsets = [0, 2], sizes = [2048, 1], strides = [1, 1]} : vector<2048x3xf32> to vector<2048x1xf32>
    %mul3A = arith.mulf %slice3A, %slice3A : vector<2048x1xf32>
    %mul3A_6 = arith.mulf %slice3A_4, %slice3A_4 : vector<2048x1xf32>
    %add3A = arith.addf %mul3A, %mul3A_6 : vector<2048x1xf32>
    %mul3A_7 = arith.mulf %slice3A_5, %slice3A_5 : vector<2048x1xf32>
    %add3A_8 = arith.addf %add3A, %mul3A_7 : vector<2048x1xf32>
    %get3A_9 = arith.constant 0 : index
    %get3A_10 = arith.constant 0 : index
    %get3A_11 = arith.constant 0 : index
    %get3A_12 = vector.load %arg3[%get3A_9, %get3A_10, %get3A_11] : memref<1x3x2048xf32, #tpu.memory_space<vmem>>, vector<1x3x2048xf32>
    %get3A_13 = vector.shape_cast %get3A_12 : vector<1x3x2048xf32> to vector<3x2048xf32>
    %slice3A_14 = vector.extract_strided_slice %get3A_13 {offsets = [0, 0], sizes = [1, 2048], strides = [1, 1]} : vector<3x2048xf32> to vector<1x2048xf32>
    %slice3A_15 = vector.extract_strided_slice %get3A_13 {offsets = [1, 0], sizes = [1, 2048], strides = [1, 1]} : vector<3x2048xf32> to vector<1x2048xf32>
    %slice3A_16 = vector.extract_strided_slice %get3A_13 {offsets = [2, 0], sizes = [1, 2048], strides = [1, 1]} : vector<3x2048xf32> to vector<1x2048xf32>
    %mul3A_17 = arith.mulf %slice3A_14, %slice3A_14 : vector<1x2048xf32>
    %mul3A_18 = arith.mulf %slice3A_15, %slice3A_15 : vector<1x2048xf32>
    %add3A_19 = arith.addf %mul3A_17, %mul3A_18 : vector<1x2048xf32>
    %mul3A_20 = arith.mulf %slice3A_16, %slice3A_16 : vector<1x2048xf32>
    %add3A_21 = arith.addf %add3A_19, %mul3A_20 : vector<1x2048xf32>
    %mul3A_22 = arith.constant -2.000000e+00 : f32
    %mul3A_23 = vector.broadcast %mul3A_22 : f32 to vector<2048x3xf32>
    %mul3A_24 = arith.mulf %mul3A_23, %get3A_3 : vector<2048x3xf32>
    %dot_general3A = arith.constant dense<0.000000e+00> : vector<2048x2048xf32>
    %dot_general3A_25 = tpu.matmul %mul3A_24, %get3A_13, %dot_general3A {dimension_numbers = #tpu.dot_dimension_numbers<[1], [0], [0], [1], [0, 0, 1, 1], [], []>, transpose_lhs_hint = false} : vector<2048x3xf32>, vector<3x2048xf32>, vector<2048x2048xf32> -> vector<2048x2048xf32>
    %add3A_26 = vector.broadcast %add3A_8 : vector<2048x1xf32> to vector<2048x2048xf32>
    %add3A_27 = vector.broadcast %add3A_21 : vector<1x2048xf32> to vector<2048x2048xf32>
    %add3A_28 = arith.addf %add3A_26, %add3A_27 : vector<2048x2048xf32>
    %add3A_29 = arith.addf %add3A_28, %dot_general3A_25 : vector<2048x2048xf32>
    %iota3A = tpu.iota {dimensions = array<i32: 1>} : vector<2048x2048xi32>
    %convert_element_type3A = arith.sitofp %iota3A : vector<2048x2048xi32> to vector<2048x2048xf32>
    %reduce_min3A = arith.constant dense<0x7F800000> : vector<2048xf32>
    %reduce_min3A_30 = vector.multi_reduction <minimumf>, %add3A_29, %reduce_min3A [1] : vector<2048x2048xf32> to vector<2048xf32>
    %broadcast_in_dim3A = vector.shape_cast %reduce_min3A_30 : vector<2048xf32> to vector<2048x1xf32>
    %eq3A = vector.broadcast %broadcast_in_dim3A : vector<2048x1xf32> to vector<2048x2048xf32>
    %eq3A_31 = arith.cmpf oeq, %add3A_29, %eq3A : vector<2048x2048xf32>
    %jit3A = arith.constant 2.048000e+03 : f32
    %broadcast_in_dim3A_32 = vector.broadcast %jit3A : f32 to vector<2048x2048xf32>
    %select_n3A = arith.select %eq3A_31, %convert_element_type3A, %broadcast_in_dim3A_32 : vector<2048x2048xi1>, vector<2048x2048xf32>
    %reduce_min3A_33 = arith.constant dense<0x7F800000> : vector<2048xf32>
    %reduce_min3A_34 = vector.multi_reduction <minimumf>, %select_n3A, %reduce_min3A_33 [1] : vector<2048x2048xf32> to vector<2048xf32>
    %broadcast_in_dim3A_35 = vector.shape_cast %reduce_min3A_34 : vector<2048xf32> to vector<2048x1xf32>
    %transpose3A = tpu.transpose %broadcast_in_dim3A, [1, 0] : vector<2048x1xf32> -> vector<1x2048xf32>
    %swap3A = arith.constant 0 : index
    %swap3A_36 = arith.constant 0 : index
    %swap3A_37 = arith.constant 0 : index
    %swap3A_38 = vector.load %arg4[%swap3A, %swap3A_36, %swap3A_37] : memref<1x1x2048xf32, #tpu.memory_space<vmem>>, vector<1x1x2048xf32>
    %swap3A_39 = vector.shape_cast %swap3A_38 : vector<1x1x2048xf32> to vector<1x2048xf32>
    %swap3A_40 = vector.shape_cast %transpose3A : vector<1x2048xf32> to vector<1x1x2048xf32>
    tpu.vector_store %arg4[%swap3A, %swap3A_36, %swap3A_37], %swap3A_40 {strides = array<i32>} : memref<1x1x2048xf32, #tpu.memory_space<vmem>>, vector<1x1x2048xf32>,
    %transpose3A_41 = tpu.transpose %broadcast_in_dim3A_35, [1, 0] : vector<2048x1xf32> -> vector<1x2048xf32>
    %convert_element_type3A_42 = arith.fptosi %transpose3A_41 : vector<1x2048xf32> to vector<1x2048xi32>
    %swap3A_43 = arith.constant 0 : index
    %swap3A_44 = arith.constant 0 : index
    %swap3A_45 = arith.constant 0 : index
    %swap3A_46 = vector.load %arg6[%swap3A_43, %swap3A_44, %swap3A_45] : memref<1x1x2048xi32, #tpu.memory_space<vmem>>, vector<1x1x2048xi32>
    %swap3A_47 = vector.shape_cast %swap3A_46 : vector<1x1x2048xi32> to vector<1x2048xi32>
    %swap3A_48 = vector.shape_cast %convert_element_type3A_42 : vector<1x2048xi32> to vector<1x1x2048xi32>
    tpu.vector_store %arg6[%swap3A_43, %swap3A_44, %swap3A_45], %swap3A_48 {strides = array<i32>} : memref<1x1x2048xi32, #tpu.memory_space<vmem>>, vector<1x1x2048xi32>,
    %iota3A_49 = tpu.iota {dimensions = array<i32: 0>} : vector<2048x2048xi32>
    %convert_element_type3A_50 = arith.sitofp %iota3A_49 : vector<2048x2048xi32> to vector<2048x2048xf32>
    %mul3A_51 = arith.constant 2048 : i32
    %mul3A_52 = arith.muli %arg1, %mul3A_51 : i32
    %convert_element_type3A_53 = arith.sitofp %mul3A_52 : i32 to f32
    %add3A_54 = vector.broadcast %convert_element_type3A_53 : f32 to vector<2048x2048xf32>
    %add3A_55 = arith.addf %convert_element_type3A_50, %add3A_54 : vector<2048x2048xf32>
    %reduce_min3A_56 = arith.constant dense<0x7F800000> : vector<2048xf32>
    %reduce_min3A_57 = vector.multi_reduction <minimumf>, %add3A_29, %reduce_min3A_56 [0] : vector<2048x2048xf32> to vector<2048xf32>
    %broadcast_in_dim3A_58 = vector.shape_cast %reduce_min3A_57 : vector<2048xf32> to vector<1x2048xf32>
    %eq3A_59 = vector.broadcast %broadcast_in_dim3A_58 : vector<1x2048xf32> to vector<2048x2048xf32>
    %eq3A_60 = arith.cmpf oeq, %add3A_29, %eq3A_59 : vector<2048x2048xf32>
    %jit3A_61 = arith.constant 2.048000e+03 : f32
    %broadcast_in_dim3A_62 = vector.broadcast %jit3A_61 : f32 to vector<2048x2048xf32>
    %select_n3A_63 = arith.select %eq3A_60, %add3A_55, %broadcast_in_dim3A_62 : vector<2048x2048xi1>, vector<2048x2048xf32>
    %reduce_min3A_64 = arith.constant dense<0x7F800000> : vector<2048xf32>
    %reduce_min3A_65 = vector.multi_reduction <minimumf>, %select_n3A_63, %reduce_min3A_64 [0] : vector<2048x2048xf32> to vector<2048xf32>
    %broadcast_in_dim3A_66 = vector.shape_cast %reduce_min3A_65 : vector<2048xf32> to vector<1x2048xf32>
    %eq3A_67 = arith.constant 0 : i32
    %eq3A_68 = arith.cmpi eq, %arg1, %eq3A_67 : i32
    %convert_element_type3A_69 = arith.extui %eq3A_68 : i1 to i32
    %cond3A = arith.constant 0 : i32
    %cond3A_70 = arith.cmpi ne, %convert_element_type3A_69, %cond3A : i32
    scf.if %cond3A_70 {
      %broadcast_in_dim3A_93 = arith.constant 0x7F800000 : f32
      %broadcast_in_dim3A_94 = vector.broadcast %broadcast_in_dim3A_93 : f32 to vector<1x2048xf32>
      %swap3A_95 = arith.constant 0 : index
      %swap3A_96 = arith.constant 0 : index
      %swap3A_97 = vector.load %arg8[%swap3A_95, %swap3A_96] : memref<1x2048xf32, #tpu.memory_space<vmem>>, vector<1x2048xf32>
      tpu.vector_store %arg8[%swap3A_95, %swap3A_96], %broadcast_in_dim3A_94 {strides = array<i32>} : memref<1x2048xf32, #tpu.memory_space<vmem>>, vector<1x2048xf32>,
      %broadcast_in_dim3A_98 = arith.constant 0.000000e+00 : f32
      %broadcast_in_dim3A_99 = vector.broadcast %broadcast_in_dim3A_98 : f32 to vector<1x2048xf32>
      %swap3A_100 = arith.constant 0 : index
      %swap3A_101 = arith.constant 0 : index
      %swap3A_102 = vector.load %arg9[%swap3A_100, %swap3A_101] : memref<1x2048xf32, #tpu.memory_space<vmem>>, vector<1x2048xf32>
      tpu.vector_store %arg9[%swap3A_100, %swap3A_101], %broadcast_in_dim3A_99 {strides = array<i32>} : memref<1x2048xf32, #tpu.memory_space<vmem>>, vector<1x2048xf32>,
    } else {
    }
    %get3A_71 = arith.constant 0 : index
    %get3A_72 = arith.constant 0 : index
    %get3A_73 = vector.load %arg8[%get3A_71, %get3A_72] : memref<1x2048xf32, #tpu.memory_space<vmem>>, vector<1x2048xf32>
    %lt3A = arith.cmpf olt, %broadcast_in_dim3A_58, %get3A_73 : vector<1x2048xf32>
    %get3A_74 = arith.constant 0 : index
    %get3A_75 = arith.constant 0 : index
    %get3A_76 = vector.load %arg8[%get3A_74, %get3A_75] : memref<1x2048xf32, #tpu.memory_space<vmem>>, vector<1x2048xf32>
    %select_n3A_77 = arith.select %lt3A, %broadcast_in_dim3A_58, %get3A_76 : vector<1x2048xi1>, vector<1x2048xf32>
    %swap3A_78 = arith.constant 0 : index
    %swap3A_79 = arith.constant 0 : index
    %swap3A_80 = vector.load %arg8[%swap3A_78, %swap3A_79] : memref<1x2048xf32, #tpu.memory_space<vmem>>, vector<1x2048xf32>
    tpu.vector_store %arg8[%swap3A_78, %swap3A_79], %select_n3A_77 {strides = array<i32>} : memref<1x2048xf32, #tpu.memory_space<vmem>>, vector<1x2048xf32>,
    %get3A_81 = arith.constant 0 : index
    %get3A_82 = arith.constant 0 : index
    %get3A_83 = vector.load %arg9[%get3A_81, %get3A_82] : memref<1x2048xf32, #tpu.memory_space<vmem>>, vector<1x2048xf32>
    %select_n3A_84 = arith.select %lt3A, %broadcast_in_dim3A_66, %get3A_83 : vector<1x2048xi1>, vector<1x2048xf32>
    %swap3A_85 = arith.constant 0 : index
    %swap3A_86 = arith.constant 0 : index
    %swap3A_87 = vector.load %arg9[%swap3A_85, %swap3A_86] : memref<1x2048xf32, #tpu.memory_space<vmem>>, vector<1x2048xf32>
    tpu.vector_store %arg9[%swap3A_85, %swap3A_86], %select_n3A_84 {strides = array<i32>} : memref<1x2048xf32, #tpu.memory_space<vmem>>, vector<1x2048xf32>,
    %eq3A_88 = arith.constant 0 : i32
    %eq3A_89 = arith.cmpi eq, %arg1, %eq3A_88 : i32
    %convert_element_type3A_90 = arith.extui %eq3A_89 : i1 to i32
    %cond3A_91 = arith.constant 0 : i32
    %cond3A_92 = arith.cmpi ne, %convert_element_type3A_90, %cond3A_91 : i32
    scf.if %cond3A_92 {
      %get3A_93 = arith.constant 0 : index
      %get3A_94 = arith.constant 0 : index
      %get3A_95 = vector.load %arg8[%get3A_93, %get3A_94] : memref<1x2048xf32, #tpu.memory_space<vmem>>, vector<1x2048xf32>
      %swap3A_96 = arith.constant 0 : index
      %swap3A_97 = arith.constant 0 : index
      %swap3A_98 = arith.constant 0 : index
      %swap3A_99 = vector.load %arg5[%swap3A_96, %swap3A_97, %swap3A_98] : memref<1x1x2048xf32, #tpu.memory_space<vmem>>, vector<1x1x2048xf32>
      %swap3A_100 = vector.shape_cast %swap3A_99 : vector<1x1x2048xf32> to vector<1x2048xf32>
      %swap3A_101 = vector.shape_cast %get3A_95 : vector<1x2048xf32> to vector<1x1x2048xf32>
      tpu.vector_store %arg5[%swap3A_96, %swap3A_97, %swap3A_98], %swap3A_101 {strides = array<i32>} : memref<1x1x2048xf32, #tpu.memory_space<vmem>>, vector<1x1x2048xf32>,
      %get3A_102 = arith.constant 0 : index
      %get3A_103 = arith.constant 0 : index
      %get3A_104 = vector.load %arg9[%get3A_102, %get3A_103] : memref<1x2048xf32, #tpu.memory_space<vmem>>, vector<1x2048xf32>
      %convert_element_type3A_105 = arith.fptosi %get3A_104 : vector<1x2048xf32> to vector<1x2048xi32>
      %swap3A_106 = arith.constant 0 : index
      %swap3A_107 = arith.constant 0 : index
      %swap3A_108 = arith.constant 0 : index
      %swap3A_109 = vector.load %arg7[%swap3A_106, %swap3A_107, %swap3A_108] : memref<1x1x2048xi32, #tpu.memory_space<vmem>>, vector<1x1x2048xi32>
      %swap3A_110 = vector.shape_cast %swap3A_109 : vector<1x1x2048xi32> to vector<1x2048xi32>
      %swap3A_111 = vector.shape_cast %convert_element_type3A_105 : vector<1x2048xi32> to vector<1x1x2048xi32>
      tpu.vector_store %arg7[%swap3A_106, %swap3A_107, %swap3A_108], %swap3A_111 {strides = array<i32>} : memref<1x1x2048xi32, #tpu.memory_space<vmem>>, vector<1x1x2048xi32>,
    } else {
    }
    return
  }
  func.func @transform_0(%arg0: i32, %arg1: i32) -> (i32, i32, i32) {
    %c0_i32 = arith.constant 0 : i32
    %c0_i32_0 = arith.constant 0 : i32
    return %arg0, %arg1, %c0_i32 : i32, i32, i32
  }
  func.func @transform_1(%arg0: i32, %arg1: i32) -> (i32, i32, i32) {
    %c0_i32 = arith.constant 0 : i32
    %c0_i32_0 = arith.constant 0 : i32
    %c0_i32_1 = arith.constant 0 : i32
    return %arg0, %c0_i32, %c0_i32_0 : i32, i32, i32
  }
  func.func @transform_2(%arg0: i32, %arg1: i32) -> (i32, i32, i32) {
    %c0_i32 = arith.constant 0 : i32
    %c0_i32_0 = arith.constant 0 : i32
    return %arg0, %c0_i32, %arg1 : i32, i32, i32
  }
  func.func @transform_3(%arg0: i32, %arg1: i32) -> (i32, i32, i32) {
    %c0_i32 = arith.constant 0 : i32
    %c0_i32_0 = arith.constant 0 : i32
    %c0_i32_1 = arith.constant 0 : i32
    return %arg0, %c0_i32, %c0_i32_0 : i32, i32, i32
  }
  func.func @transform_4(%arg0: i32, %arg1: i32) -> (i32, i32, i32) {
    %c0_i32 = arith.constant 0 : i32
    %c0_i32_0 = arith.constant 0 : i32
    return %arg0, %c0_i32, %arg1 : i32, i32, i32
  }
  func.func @transform_5(%arg0: i32, %arg1: i32) -> (i32, i32, i32) {
    %c0_i32 = arith.constant 0 : i32
    %c0_i32_0 = arith.constant 0 : i32
    %c0_i32_1 = arith.constant 0 : i32
    return %arg0, %c0_i32, %c0_i32_0 : i32, i32, i32
  }
}

</mosaic_0001>

<sc_bundles>
// kernel: kernel.4.cloned.1.call-start
scs
__scs_entry_jumppad:
0x0: {  	(pc) =	sbr.rel $0x88, $3  }
0x1: {  	(tag) =	ssettag $0x0;
	lr =	simm.s32 $0x1  }
0x2: {  	[smem:$0x3F9F] =	sst lr;
	_ =	strace $0xD0000000  }
0x3: {  	_ = 	snop  }
0x4: {  	_ = 	snop  }
0x5: {  	_ = 	snop  }
0x6: {  	_ = 	snop  }
0x7: {  	_ = 	snop  }
__scs_overlays_trampoline_lowered:
0x8: {  	[smem:$0x3FAE] =	sst s0  }
0x9: {  	[smem:$0x3FAF] =	sst s1  }
0xa: {  	[smem:$0x3FB0] =	sst s2  }
0xb: {  	[smem:$0x3FB1] =	sst s3  }
0xc: {  	[smem:$0x3FB2] =	sst s4  }
0xd: {  	[smem:$0x3FB3] =	sst s5  }
0xe: {  	[smem:$0x3FB4] =	sst s6  }
0xf: {  	[smem:$0x3FB5] =	sst s7  }
0x10: {  	[smem:$0x3FB6] =	sst s8  }
0x11: {  	[smem:$0x3FB7] =	sst s9;
	s0 =	simm.s32 @!p0 $0x0  }
0x12: {  	s1 =	sld [smem:$0x3F9D];
	s0 =	simm.s32 @p0 $0x1  }
0x13: {  	[smem:$0x3FB8] =	sst s0;
	s0 =	simm.s32 @!p1 $0x0  }
0x14: {  	s2 =	sld [smem:$0x3F9C];
	s0 =	simm.s32 @p1 $0x1  }
0x15: {  	[smem:$0x3FB9] =	sst s0;
	s0 =	simm.s32 @!p2 $0x0  }
0x16: {  	s3 =	sld [smem:$0x3FDB];
	s0 =	simm.s32 @p2 $0x1  }
0x17: {  	s4 =	simm.s32 $0x1BF5;
	[smem:$0x3FBB] =	sst s0  }
0x18: {  	s0 =	sld [smem:$0x3F9E];
	_ =	swait.ge [sflag:s4], $0x0  }
0x19: {  	s7 =	sld [smem:$0x3F9F]  }
0x1a: {  	s8 =	sadd.s32 $0xFFFFE003, lr  }
0x1b: {  	s9 =	sadd.s32 $0xFFFFFEF7, lr;
	s5 =	simm.s32 $0xFFFFFFFF;
	p2 =	slt.u32 s8, $0xFFFFF086  }
0x1c: {  	p1 =	slt.u32 s9, $0xF7A;
	s5 =	simm.s32 @!p2 $0x0  }
0x1d: {  	s5 =	simm.s32 @p1 $0x1;
	p0 =	seq.s32 s7, s2  }
0x1e: {  	s7 =	smul.u32 @!p0 $0xF7A, s2;
	p2 =	seq.s32 @!p0 s5, $0x0  }
0x1f: {  	s9 =	smul.u32 $0xF7A, s1;
	s8 =	simm.s32 @!p0 $0x1BF5;
	p2 =	por !p2, p0  }
0x20: {  	[sflag:s8] =	ssyncset.s32 @!p0 $0xFFFFF086;
	s6 =	sadd.s32 @!p0 s3, s7;
	s7 =	simm.s32 @!p0 $0x108  }
0x21: {  	s3 =	sadd.s32 s3, s9;
	s6 =	sadd.s32 @!p0 $0x88, s6;
	s7 =	simm.s32 @p2 $0x1082  }
0x22: {  	[simem:s7], [sflag:s8] =	dma.local @!p0 [hbm:s6], $0xF7A  }
0x23: {  	s9 =	sor.u32 $0xD0000000, s2;
	s6 =	simm.s32 $0x108;
	_ =	swait.ge @!p0 [sflag:s8], $0x0  }
0x24: {  	s3 =	sadd.s32 $0x88, s3;
	s6 =	simm.s32 @!p1 $0x1082;
	[sflag:s4] =	ssyncset.s32 $0xFFFFF086  }
0x25: {  	[simem:s6], [sflag:s4] =	dma.local [hbm:s3], $0xF7A  }
0x26: {  	[smem:$0x3F9F] =	sst s1;
	(tag) =	ssettag s2;
	_ =	strace s9  }
0x27: {  	s1 =	sld [smem:$0x3FAF]  }
0x28: {  	s2 =	sld [smem:$0x3FB0]  }
0x29: {  	s4 =	sld [smem:$0x3FB2]  }
0x2a: {  	p0 =	seq.s32 s5, $0x0;
	s5 =	sld [smem:$0x3FB3]  }
0x2b: {  	s6 =	sld [smem:$0x3FB4]  }
0x2c: {  	s7 =	sld [smem:$0x3FB5]  }
0x2d: {  	s3 =	simm.s32 $0x108;
	s8 =	sld [smem:$0x3FB6]  }
0x2e: {  	s3 =	simm.s32 @!p0 $0x1082;
	s9 =	sld [smem:$0x3FB7]  }
0x2f: {  	lr =	sadd.s32 s0, s3;
	s0 =	sld [smem:$0x3FAE]  }
0x30: {  	s3 =	sld [smem:$0x3FB1]  }
0x31: {  	[smem:$0x3FBA] =	sst s10  }
0x32: {  	s10 =	sld [smem:$0x3FB8];
	_ =	sdelay $0x3  }
0x33: {  	p0 =	seq.s32 s10, $0x1;
	s10 =	sld [smem:$0x3FBA];
	_ =	sdelay $0x3  }
0x34: {  	[smem:$0x3FBA] =	sst s10  }
0x35: {  	s10 =	sld [smem:$0x3FB9];
	_ =	sdelay $0x3  }
0x36: {  	p1 =	seq.s32 s10, $0x1;
	s10 =	sld [smem:$0x3FBA];
	_ =	sdelay $0x3  }
0x37: {  	[smem:$0x3FBA] =	sst s10  }
0x38: {  	s10 =	sld [smem:$0x3FBB]  }
0x39: {  	_ = 	snop;
	(pc) =	sbr.ind lr, $3  }
0x3a: {  	_ = 	snop  }
0x3b: {  	_ = 	snop  }
0x3c: {  	p2 =	seq.s32 s10, $0x1;
	s10 =	sld [smem:$0x3FBA]  }
0x3d: {  	_ =	shalt  }
0x3e: {  	_ =	shalt  }
0x3f: {  	_ =	shalt  }
0x40: {  	_ =	shalt  }
0x41: {  	_ =	shalt  }
0x42: {  	_ =	shalt  }
0x43: {  	_ =	shalt  }
0x44: {  	_ =	shalt  }
0x45: {  	_ =	shalt  }
0x46: {  	_ =	shalt  }
0x47: {  	_ =	shalt  }
0x48: {  	_ =	shalt  }
0x49: {  	_ =	shalt  }
0x4a: {  	_ =	shalt  }
0x4b: {  	_ =	shalt  }
0x4c: {  	_ =	shalt  }
0x4d: {  	_ =	shalt  }
0x4e: {  	_ =	shalt  }
0x4f: {  	_ =	shalt  }
0x50: {  	_ =	shalt  }
0x51: {  	_ =	shalt  }
0x52: {  	_ =	shalt  }
0x53: {  	_ =	shalt  }
0x54: {  	_ =	shalt  }
0x55: {  	_ =	shalt  }
0x56: {  	_ =	shalt  }
0x57: {  	_ =	shalt  }
0x58: {  	_ =	shalt  }
0x59: {  	_ =	shalt  }
0x5a: {  	_ =	shalt  }
0x5b: {  	_ =	shalt  }
0x5c: {  	_ =	shalt  }
0x5d: {  	_ =	shalt  }
0x5e: {  	_ =	shalt  }
0x5f: {  	_ =	shalt  }
0x60: {  	_ =	shalt  }
0x61: {  	_ =	shalt  }
0x62: {  	_ =	shalt  }
0x63: {  	_ =	shalt  }
0x64: {  	_ =	shalt  }
0x65: {  	_ =	shalt  }
0x66: {  	_ =	shalt  }
0x67: {  	_ =	shalt  }
0x68: {  	_ =	shalt  }
0x69: {  	_ =	shalt  }
0x6a: {  	_ =	shalt  }
0x6b: {  	_ =	shalt  }
0x6c: {  	_ =	shalt  }
0x6d: {  	_ =	shalt  }
0x6e: {  	_ =	shalt  }
0x6f: {  	_ =	shalt  }
0x70: {  	_ =	shalt  }
0x71: {  	_ =	shalt  }
0x72: {  	_ =	shalt  }
0x73: {  	_ =	shalt  }
0x74: {  	_ =	shalt  }
0x75: {  	_ =	shalt  }
0x76: {  	_ =	shalt  }
0x77: {  	_ =	shalt  }
0x78: {  	_ =	shalt  }
0x79: {  	_ =	shalt  }
0x7a: {  	_ =	shalt  }
0x7b: {  	_ =	shalt  }
0x7c: {  	_ =	shalt  }
0x7d: {  	_ =	shalt  }
0x7e: {  	_ =	shalt  }
0x7f: {  	_ =	shalt  }
0x80: {  	_ =	shalt  }
0x81: {  	_ =	shalt  }
0x82: {  	_ =	shalt  }
0x83: {  	_ =	shalt  }
0x84: {  	_ =	shalt  }
0x85: {  	_ =	shalt  }
0x86: {  	_ =	shalt  }
0x87: {  	_ =	shalt  }
.Lfunc_end0:
.L_simem_size_0:
called_computation_lowered:
.L_overlay_start_0:
0x88: {  	s2 =	sld [smem:$0x3FD9]  }
0x89: {  	s3 =	sld [smem:$0x3FFE];
	_ =	sdelay $0x1  }
0x8a: {  	s1 =	srdreg.scid  }
0x8b: {  	s0 =	sand.u32 $0x1, s1  }
0x8c: {  	s14 =	sshll.u32 s0, $0xA;
	s2 =	sadd.s32 s3, s2  }
0x8d: {  	s2 =	sadd.s32 s2, s14  }
0x8e: {  	[smem:$0x3FC6] =	sst s2  }
0x8f: {  	_ = 	snop  }
0x90: {  	s2 =	sld [smem:$0x3FD0];
	_ =	sdelay $0x2  }
0x91: {  	s15 =	simm.s32 $0xA;
	s4 =	simm.s32 $0x10  }
0x92: {  	[smem:s4], [sflag:s15] =	dma.local [hbm:s2], $0x1  }
0x93: {  	_ =	swait.eq [sflag:s15], $0x1  }
0x94: {  	s16 =	sld [smem:$0x10]  }
0x95: {  	s17 =	sld [smem:$0x11];
	[sflag:s15] =	ssyncset.done $0x0  }
0x96: {  	s5 =	sld [smem:$0x12];
	[sflag:s15] =	ssyncadd.s32 $0xFFFFFFFF  }
0x97: {  	s18 =	sld [smem:$0x13];
	(tm) =	ssettm $0x1  }
0x98: {  	s6 =	sld [smem:$0x3FFB];
	_ =	sdelay $0x3  }
0x99: {  	_ =	strace s6  }
0x9a: {  	s6 =	sld [smem:$0x3FFC];
	_ =	sdelay $0x3  }
0x9b: {  	_ =	strace s6  }
0x9c: {  	s6 =	sld [smem:$0x3FFD];
	_ =	sdelay $0x3  }
0x9d: {  	_ =	strace s6  }
0x9e: {  	_ =	strace $0x8FFFFFFF  }
0x9f: {  	s19 =	sld [smem:$0x3FDB];
	_ =	sdelay $0x1  }
0xa0: {  	s7 =	simm.s32 $_scs_section_size  }
0xa1: {  	s8 =	simm.s32 $_size__tile_overlayer_lowered;
	s9 =	simm.s32 $_tile_overlayer_lowered  }
0xa2: {  	s22 =	simm.s32 $0x1BFF;
	s21 =	sshll.u32 s9, $0x1;
	s6 =	sadd.s32 s7, s19  }
0xa3: {  	s10 =	simm.s32 $0x0;
	s20 =	sshll.u32 s8, $0x1;
	s8 =	sadd.s32 s21, s6  }
0xa4: {  	[timem:s10], [sflag:s22] =	dma.local [hbm:s8], s20  }
0xa5: {  	_ =	swait.ge [sflag:s22], s20  }
0xa6: {  	s7 =	ssub.s32 $0x0, s20;
	[sflag:s22] =	ssyncset.done $0x0  }
0xa7: {  	[sflag:s22] =	ssyncadd.s32 s7;
	_ =	sdelay $0x1  }
0xa8: {  	s23 =	simm.s32 $0x1B8B  }
0xa9: {  	_ =	swait.ge [sflag:s23], $0x1  }
0xaa: {  	[sflag:s23] =	ssyncset.done $0x0  }
0xab: {  	s25 =	simm.s32 $0x1B8E;
	s24 =	sld [smem:$0x3FFE];
	[sflag:s23] =	ssyncadd.s32 $0xFFFFFFFF  }
0xac: {  	s26 =	simm.s32 $execute0_lowered;
	[smem:$0x3FD2] =	sst s25  }
0xad: {  	s8 =	sshll.u32 s26, $0x1;
	_ =	strace $0x80000046;
	[dreg:$0x1] =	wrdreg $0xFFFFFFFF  }
0xae: {  	s28 =	simm.s32 $_size_execute0_lowered;
	s6 =	sadd.s32 s6, s8;
	[dreg:$0x0] =	wrdreg $0x0  }
0xaf: {  	s8 =	sshll.u32 s28, $0x1;
	[dreg:$0x2] =	wrdreg s6  }
0xb0: {  	[dreg:$0x3] =	wrdreg s8  }
0xb1: {  	[dreg:$0x4] =	wrdreg $0xC0  }
0xb2: {  	_ =	task [dreg:s10], $0x5FFFF  }
0xb3: {  	[dreg:$0x1] =	wrdreg $0xFFFFFFFF  }
0xb4: {  	[dreg:$0x0] =	wrdreg $0x60  }
0xb5: {  	[dreg:$0x2] =	wrdreg s24  }
0xb6: {  	[dreg:$0x3] =	wrdreg s16  }
0xb7: {  	[dreg:$0x4] =	wrdreg s17  }
0xb8: {  	[dreg:$0x5] =	wrdreg s5  }
0xb9: {  	[dreg:$0x6] =	wrdreg s18  }
0xba: {  	[dreg:$0x7] =	wrdreg $0x121000  }
0xbb: {  	[dreg:$0x8] =	wrdreg $0x119000  }
0xbc: {  	[dreg:$0x9] =	wrdreg $0x9  }
0xbd: {  	_ =	task.clear_ibuf [dreg:s10], $0xAFFFF;
	_ =	strace $0x90000046  }
0xbe: {  	s29 =	simm.s32 $0x9;
	_ =	strace $0x80000048  }
0xbf: {  	_ =	swait.ge [sflag:s29], $0x1  }
0xc0: {  	[sflag:s29] =	ssyncadd.s32 $0xFFFFFFFF  }
0xc1: {  	_ =	strace $0x90000048  }
0xc2: {  	_ =	sfence  }
0xc3: {  	s30 =	sld [smem:$0x0];
	_ =	sdelay $0x2  }
0xc4: {  	s31 =	sshll.u32 s1, $0xD;
	s1 =	sshrl.u32 s1, $0x2  }
0xc5: {  	s3 =	sand.u32 $0x4000, s31;
	s1 =	sadd.s32 s1, s30  }
0xc6: {  	s0 =	sor.u32 s3, s0;
	s1 =	sshll.u32 s1, $0x11  }
0xc7: {  	s0 =	sor.u32 s1, s0  }
0xc8: {  	s0 =	sadd.s32 $0x8F2B, s0  }
0xc9: {  	[sflag:s0] =	ssyncadd.remote.s32 $0x1  }
0xca: {  	_ =	sfence.sel $0xFFFF  }
0xcb: {  	[dreg:$0x0] =	wrdreg $0xFFFFFFFF;
	(pc) =	sbr.abs _section_cstart, $3  }
0xcc: {  	[dreg:$0x1] =	wrdreg $0xFFFFFFFF  }
0xcd: {  	_ =	task.clear_ibuf [dreg:s10], $0x2FFFF;
	_ =	strace $0x9FFFFFFF  }
0xce: {  	(tm) =	ssettm $0x7FFFFFFF  }
0xcf: {  	_ =	shalt  }
tec
execute0_lowered:
.L_overlay_start_1:
0x0: {  	(tag) =	ssettag $0x1  }
0x1: {  	s3 =	rddreg [dreg:$0x0]  }
0x2: {  	s6 =	rddreg [dreg:$0x1]  }
0x3: {  	s0 =	srdreg.scid;
	s10 =	rddreg [dreg:$0x2]  }
0x4: {  	s7 =	stileid.u32;
	s8 =	rddreg [dreg:$0x3];
	s0 =	sand.u32 $0x1, s0  }
0x5: {  	s11 =	rddreg [dreg:$0x4];
	s1 =	sor.u32 s7, s0  }
0x6: {  	s9 =	rddreg [dreg:$0x5];
	p0 =	sne.s32 s7, $0x0;
	p1 =	seq.s32 s1, $0x0  }
0x7: {  	s12 =	rddreg [dreg:$0x6];
	s17 =	simm.s32 $0x11080;
	p1 =	por !p0, !p1  }
0x8: {  	s18 =	simm.s32 $0x11000;
	s1 =	simm.s32 $0x1;
	p1 =	por !p1, !p1  }
0x9: {  	s19 =	simm.s32 $0x800;
	s23 =	simm.s32 $0x0;
	s1 =	simm.s32 @!p1 $0x0  }
0xa: {  	s2 =	smul.u32 $0xC00, s7;
	s16 =	sshll.u32 s7, $0x8;
	s4 =	ssub.s32 s0, s1  }
0xb: {  	s31 =	sshll.u32 s7, $0xB;
	s0 =	ssub.s32 $0x2, s0;
	s1 =	sshrl.u32 s4, $0x3  }
0xc: {  	s13 =	sshll.u32 s4, $0x7;
	s4 =	sshll.u32 s4, $0xB;
	s28 =	sshrl.u32 s0, $0x1  }
0xd: {  	s5 =	smul.u32 $0xC000, s1;
	s1 =	simm.s32 $0x0;
	s14 =	sand.u32 $0x380, s13  }
0xe: {  	s4 =	sand.u32 $0xFFFFF000, s4;
	s13 =	sand.u32 $0x80, s13;
	s0 =	ssub.s32 s0, s28  }
0xf: {  	[smem:$0x7FF] =	sst s1;
	s13 =	sor.u32 s13, s4;
	s2 =	sadd.s32 s2, s5  }
0x10: {  	_ =	strace $0x80000047;
	s5 =	sor.u32 s14, s5;
	s29 =	sor.u32 s16, s13  }
0x11: {  	s13 =	sshrl.u32 s13, $0x3;
	s16 =	simm.s32 $0x12D00;
	s15 =	sor.u32 s14, s2  }
0x12: {  	s2 =	simm.s32 $0x1;
	s5 =	sshrl.u32 s5, $0x3;
	s30 =	sshrl.u32 s29, $0x3  }
0x13: {  	s10 =	sadd.s32 s10, s13;
	s11 =	sadd.s32 s11, s13;
	s13 =	simm.s32 $0x80  }
.Ltmp0:
0x14: {  	s14 =	simm.s32 $0x400;
	s15 =	sshrl.u32 s15, $0x3;
	(pc) =	sbr.rel .LBB2_1-.Ltmp0, $4  }
0x15: {  	s5 =	sadd.s32 s5, s3;
	s6 =	sadd.s32 s6, s30;
	[dreg:$0x8] =	wrdreg s10  }
0x16: {  	s26 =	sadd.s32 s15, s3;
	s3 =	sshll.u32 s7, $0x7;
	s5 =	sadd.s32 $0x1800, s5  }
0x17: {  	s7 =	sadd.s32 s8, s30;
	s8 =	sadd.s32 s31, s9;
	s9 =	sadd.s32 s31, s12  }
0x18: {  	v28 =	vimm.f32 $+Inf;
	v29 =	vimm.s32 $0x0;
	v30 =	vlaneseq.u32;
	s12 =	smax.u32 s0, $0x1;
	s15 =	simm.s32 $0x12B00;
	s4 =	sadd.s32 $0x3000, s26  }
.LBB2_15:
0x19: {  	s23 =	sadd.s32 $0x1, s23  }
0x1a: {  	p1 =	sne.s32 s23, s12  }
.Ltmp1:
0x1b: {  	_ = 	snop;
	(pc) =	sbr.rel @!p1 .LBB2_16-.Ltmp1, $2  }
0x1c: {  	_ =	sdelay $0x2  }
0x1d: {  	v28 =	vimm.f32 $+Inf;
	v29 =	vimm.s32 $0x0  }
.LBB2_1:
0x1e: {  	[tilespmem:s15], [sflag:$0x1] =	stream.strided.gather [hbm4b:s4+s13], $0x180, s14, s13, $0x38;
	[tilespmem:$0x14500] =	vst v63  }
0x1f: {  	_ =	swait.ge [sflag:s2], $0x180  }
0x20: {  	[sflag:s2] =	ssyncset.done $0x0  }
0x21: {  	[sflag:s2] =	ssyncadd.s32 $0xFFFFFE80  }
0x22: {  	[tilespmem:s16], [sflag:$0x1] =	stream.strided.gather [hbm4b:s5+s13], $0x1800, s14, s13, $0x38;
	[tilespmem:$0x14500] =	vst v63  }
0x23: {  	_ =	swait.ge [sflag:s2], $0x1800  }
0x24: {  	[sflag:s2] =	ssyncset.done $0x0  }
0x25: {  	s25 =	simm.s32 $0x13520;
	[sflag:s2] =	ssyncadd.s32 $0xFFFFE800  }
0x26: {  	s10 =	sand.u32 $0x7C0, s1;
	v0 =	vld [tilespmem:s25+$0xFFFFF7E0]  }
0x27: {  	v1 =	vld [tilespmem:s10+$0x13500]  }
0x28: {  	v2 =	vld [tilespmem:s25+$0xFFFFF7F0]  }
0x29: {  	v3 =	vld [tilespmem:s10+$0x13D00]  }
0x2a: {  	v4 =	vld [tilespmem:s25+$0xFFFFFFF0]  }
0x2b: {  	v7 =	vld [tilespmem:s25+$0xFFFFF800]  }
0x2c: {  	v11 =	vld [tilespmem:s25+$0x0]  }
0x2d: {  	v12 =	vld [tilespmem:s25+$0xFFFFF810]  }
0x2e: {  	v15 =	vld [tilespmem:s25+$0x10]  }
0x2f: {  	v16 =	vld [tilespmem:s25+$0x810];
	v5 =	vmul.f32 v0, v0  }
0x30: {  	v6 =	vmul.f32 v1, v1;
	v8 =	vmul.f32 v2, v2;
	v9 =	vshrl.u32 v2, $0x10  }
0x31: {  	v10 =	vshrl.u32 v0, $0x10;
	v13 =	vshrl.u32 v1, $0x10;
	v14 =	vshrl.u32 v3, $0x10  }
0x32: {  	v17 =	vmul.f32 v11, v11;
	v18 =	vshrl.u32 v4, $0x10;
	v19 =	vmul.f32 v12, v12  }
0x33: {  	v20 =	vmul.f32 v15, v15;
	v22 =	vshrl.u32 v7, $0x10;
	v23 =	vshrl.u32 v11, $0x10  }
0x34: {  	v58 =	vshrl.u32 v16, $0x10;
	v10 =	vand.u32 $0x1, v10;
	v9 =	vand.u32 $0x1, v9  }
0x35: {  	v18 =	vand.u32 $0x1, v18;
	v5 =	vadd.f32 v6, v5;
	v6 =	vmul.f32 v3, v3  }
0x36: {  	v60 =	vand.u32 $0x1, v22;
	v61 =	vand.u32 $0x1, v23;
	v0 =	vadd.s32 v10, v0  }
0x37: {  	v0 =	vadd.s32 $0x7FFF, v0;
	v5 =	vadd.f32 v6, v5;
	v6 =	vand.u32 $0x1, v13;
	v13 =	vld [tilespmem:s25+$0x7F0]  }
0x38: {  	s0 =	simm.s32 $0x11120;
	v10 =	vand.u32 $0xFFFF0000, v0;
	v1 =	vadd.s32 v6, v1;
	v6 =	vand.u32 $0x1, v14  }
0x39: {  	v14 =	vld [tilespmem:s25+$0x800];
	v0 =	vadd.s32 $0x7FFF, v1;
	v1 =	vadd.s32 v6, v3;
	[tilespmem:s0+$0xFFFFFFE0] =	vst v5;
	v5 =	vadd.s32 v9, v2  }
0x3a: {  	v3 =	vand.u32 $0xFFFF0000, v0;
	v0 =	vadd.s32 $0x7FFF, v1;
	v1 =	vmul.f32 v4, v4  }
0x3b: {  	[tilespmem:s25+$0xFFFFF7E0] =	vst v10;
	v10 =	vmul.f32 v16, v16;
	v6 =	vand.u32 $0xFFFF0000, v0;
	v0 =	vmul.f32 v7, v7  }
0x3c: {  	v21 =	vshrl.u32 v13, $0x10;
	v25 =	vadd.f32 v1, v8;
	v1 =	vshrl.u32 v12, $0x10  }
0x3d: {  	v8 =	vshrl.u32 v15, $0x10;
	v26 =	vmul.f32 v13, v13;
	[tilespmem:s10+$0x13D00] =	vst v6;
	v6 =	vadd.s32 v60, v7  }
0x3e: {  	v24 =	vshrl.u32 v14, $0x10;
	v17 =	vadd.f32 v17, v0;
	v0 =	vadd.f32 v20, v19  }
0x3f: {  	v59 =	vand.u32 $0x1, v21;
	v1 =	vand.u32 $0x1, v1;
	v63 =	vand.u32 $0x1, v8  }
0x40: {  	v2 =	vmul.f32 v14, v14;
	v19 =	vand.u32 $0x1, v58;
	v8 =	vadd.s32 v18, v4  }
0x41: {  	s31 =	simm.s32 $0x820;
	s28 =	simm.s32 $0x20;
	s20 =	simm.s32 $0x0;
	[tilespmem:s10+$0x13500] =	vst v3;
	v4 =	vadd.s32 v61, v11;
	v62 =	vand.u32 $0x1, v24;
	v9 =	vadd.s32 v59, v13  }
0x42: {  	s24 =	simm.s32 $0x12920;
	s26 =	simm.s32 $0x12B20;
	s21 =	simm.s32 $0x13560;
	[tilespmem:s31+$0xFFFFFFE0] =	vst v28;
	v3 =	vadd.s32 v1, v12;
	v1 =	vadd.s32 v63, v15;
	v12 =	vadd.f32 v26, v25  }
0x43: {  	s22 =	simm.s32 $0x40;
	s29 =	simm.s32 $0x820;
	s30 =	simm.s32 $0x20;
	[tilespmem:s28+$0xFFFFFFE0] =	vst v29;
	v7 =	vadd.s32 v62, v14;
	v11 =	vadd.f32 v2, v17;
	v2 =	vadd.s32 v19, v16  }
.LBB2_2:
0x44: {  	v13 =	vld [tilespmem:s21+$0xFFFFF7E0];
	s10 =	sand.u32 $0x7C0, s22;
	v5 =	vadd.s32 $0x7FFF, v5;
	v8 =	vadd.s32 $0x7FFF, v8;
	v0 =	vadd.f32 v10, v0  }
0x45: {  	v9 =	vadd.s32 $0x7FFF, v9;
	v6 =	vadd.s32 $0x7FFF, v6;
	v4 =	vadd.s32 $0x7FFF, v4;
	v10 =	vld [tilespmem:s10+$0x13500];
	[tilespmem:s0+$0xFFFFFFF0] =	vst v12  }
0x46: {  	v7 =	vadd.s32 $0x7FFF, v7;
	v3 =	vadd.s32 $0x7FFF, v3;
	v1 =	vadd.s32 $0x7FFF, v1;
	v12 =	vld [tilespmem:s21+$0xFFFFF7F0];
	[tilespmem:s0+$0x0] =	vst v11  }
0x47: {  	v5 =	vand.u32 $0xFFFF0000, v5;
	v8 =	vand.u32 $0xFFFF0000, v8;
	v11 =	vld [tilespmem:s10+$0x13D00];
	[tilespmem:s0+$0x10] =	vst v0;
	v0 =	vadd.s32 $0x7FFF, v2  }
0x48: {  	v6 =	vand.u32 $0xFFFF0000, v6;
	v4 =	vand.u32 $0xFFFF0000, v4;
	v2 =	vld [tilespmem:s21+$0xFFFFFFF0];
	[tilespmem:s25+$0xFFFFF7F0] =	vst v5;
	v5 =	vand.u32 $0xFFFF0000, v9  }
0x49: {  	s20 =	sadd.s32 $0x4, s20;
	v7 =	vand.u32 $0xFFFF0000, v7;
	v3 =	vand.u32 $0xFFFF0000, v3;
	v1 =	vand.u32 $0xFFFF0000, v1;
	v14 =	vld [tilespmem:s21+$0xFFFFF800];
	[tilespmem:s25+$0xFFFFFFF0] =	vst v8  }
0x4a: {  	p1 =	slt.u32 s20, $0x7C;
	v8 =	vmul.f32 v13, v13;
	v9 =	vmul.f32 v10, v10;
	v15 =	vld [tilespmem:s21+$0x0];
	[tilespmem:s25+$0x7F0] =	vst v5;
	v5 =	vand.u32 $0xFFFF0000, v0  }
0x4b: {  	v0 =	vmul.f32 v12, v12;
	v16 =	vshrl.u32 v12, $0x10;
	v17 =	vld [tilespmem:s21+$0xFFFFF810];
	[tilespmem:s31+$0xFFFFFFF0] =	vst v28  }
0x4c: {  	v18 =	vshrl.u32 v13, $0x10;
	v8 =	vadd.f32 v9, v8;
	v9 =	vmul.f32 v11, v11;
	v19 =	vld [tilespmem:s21+$0x10];
	[tilespmem:s28+$0xFFFFFFF0] =	vst v29  }
0x4d: {  	v18 =	vand.u32 $0x1, v18;
	v20 =	vshrl.u32 v10, $0x10;
	v21 =	vshrl.u32 v11, $0x10;
	v22 =	vld [tilespmem:s21+$0x7F0];
	[tilespmem:s25+$0xFFFFF800] =	vst v6  }
0x4e: {  	v6 =	vadd.f32 v9, v8;
	v8 =	vadd.s32 v18, v13;
	v9 =	vand.u32 $0x1, v20;
	v13 =	vld [tilespmem:s21+$0x800];
	[tilespmem:s25+$0x0] =	vst v4  }
0x4f: {  	s0 =	sadd.s32 $0x40, s0;
	v4 =	vadd.s32 $0x7FFF, v8;
	v8 =	vadd.s32 v9, v10;
	v9 =	vand.u32 $0x1, v21;
	v18 =	vld [tilespmem:s21+$0x810];
	[tilespmem:s25+$0x800] =	vst v7  }
0x50: {  	[tilespmem:s0+$0xFFFFFFE0] =	vst v6;
	v4 =	vand.u32 $0xFFFF0000, v4;
	v6 =	vadd.s32 $0x7FFF, v8;
	v7 =	vadd.s32 v9, v11  }
0x51: {  	[tilespmem:s21+$0xFFFFF7E0] =	vst v4;
	v4 =	vand.u32 $0xFFFF0000, v6;
	v6 =	vadd.s32 $0x7FFF, v7;
	v7 =	vmul.f32 v2, v2  }
0x52: {  	v8 =	vmul.f32 v15, v15;
	[tilespmem:s10+$0x13500] =	vst v4;
	v4 =	vand.u32 $0xFFFF0000, v6;
	v6 =	vmul.f32 v14, v14  }
0x53: {  	s31 =	sadd.s32 $0x40, s31;
	v9 =	vmul.f32 v17, v17;
	v10 =	vmul.f32 v19, v19;
	[tilespmem:s10+$0x13D00] =	vst v4;
	v4 =	vshrl.u32 v2, $0x10  }
0x54: {  	s28 =	sadd.s32 $0x40, s28;
	v20 =	vshrl.u32 v14, $0x10;
	v21 =	vshrl.u32 v15, $0x10;
	v11 =	vshrl.u32 v22, $0x10;
	[tilespmem:s31+$0xFFFFFFE0] =	vst v28  }
0x55: {  	v24 =	vshrl.u32 v17, $0x10;
	v25 =	vshrl.u32 v19, $0x10;
	v23 =	vshrl.u32 v13, $0x10;
	[tilespmem:s28+$0xFFFFFFE0] =	vst v29  }
0x56: {  	v26 =	vadd.f32 v7, v0;
	v27 =	vadd.f32 v8, v6;
	v6 =	vshrl.u32 v18, $0x10;
	[tilespmem:s29+$0x0] =	vst v28  }
0x57: {  	v7 =	vand.u32 $0x1, v16;
	v0 =	vadd.f32 v10, v9;
	v4 =	vand.u32 $0x1, v4;
	[tilespmem:s30+$0x0] =	vst v29  }
0x58: {  	v9 =	vand.u32 $0x1, v11;
	v11 =	vand.u32 $0x1, v20;
	v16 =	vand.u32 $0x1, v21;
	[tilespmem:s25+$0xFFFFF810] =	vst v3  }
0x59: {  	v20 =	vand.u32 $0x1, v24;
	v21 =	vand.u32 $0x1, v25;
	v3 =	vand.u32 $0x1, v23;
	[tilespmem:s25+$0x10] =	vst v1  }
.Ltmp2:
0x5a: {  	v24 =	vmul.f32 v13, v13;
	v25 =	vand.u32 $0x1, v6;
	v23 =	vmul.f32 v22, v22;
	[tilespmem:s25+$0x810] =	vst v5;
	s25 =	smov.u32 s21;
	(pc) =	sbr.rel @p1 .LBB2_2-.Ltmp2, $4  }
0x5b: {  	v10 =	vmul.f32 v18, v18;
	v8 =	vadd.s32 v4, v2;
	v5 =	vadd.s32 v7, v12;
	[tilespmem:s29+$0x10] =	vst v28;
	s29 =	smov.u32 s31  }
0x5c: {  	v9 =	vadd.s32 v9, v22;
	v6 =	vadd.s32 v11, v14;
	v4 =	vadd.s32 v16, v15;
	[tilespmem:s30+$0x10] =	vst v29;
	s30 =	smov.u32 s28  }
0x5d: {  	v1 =	vadd.s32 v21, v19;
	v7 =	vadd.s32 v3, v13;
	v3 =	vadd.s32 v20, v17  }
0x5e: {  	s22 =	sadd.s32 $0x40, s22;
	v11 =	vadd.f32 v24, v27;
	v2 =	vadd.s32 v25, v18;
	v12 =	vadd.f32 v23, v26;
	s21 =	sadd.s32 $0x40, s21  }
0x5f: {  	_ = 	snop  }
0x60: {  	v0 =	vadd.f32 v10, v0;
	[tilespmem:s0+$0xFFFFFFF0] =	vst v12  }
0x61: {  	v5 =	vadd.s32 $0x7FFF, v5;
	[tilespmem:s0+$0x0] =	vst v11  }
0x62: {  	v8 =	vadd.s32 $0x7FFF, v8;
	v5 =	vand.u32 $0xFFFF0000, v5;
	[tilespmem:s0+$0x10] =	vst v0  }
0x63: {  	v4 =	vadd.s32 $0x7FFF, v4;
	v8 =	vand.u32 $0xFFFF0000, v8;
	[tilespmem:s25+$0xFFFFF7F0] =	vst v5  }
0x64: {  	v1 =	vadd.s32 $0x7FFF, v1;
	v4 =	vand.u32 $0xFFFF0000, v4;
	[tilespmem:s25+$0xFFFFFFF0] =	vst v8  }
0x65: {  	v1 =	vand.u32 $0xFFFF0000, v1;
	v0 =	vadd.s32 $0x7FFF, v9;
	[tilespmem:s25+$0x0] =	vst v4  }
0x66: {  	v0 =	vand.u32 $0xFFFF0000, v0;
	[tilespmem:s25+$0x10] =	vst v1  }
0x67: {  	[tilespmem:s25+$0x7F0] =	vst v0  }
0x68: {  	v0 =	vadd.s32 $0x7FFF, v6;
	[tilespmem:s31+$0xFFFFFFF0] =	vst v28  }
0x69: {  	v5 =	vadd.s32 $0x7FFF, v7;
	v0 =	vand.u32 $0xFFFF0000, v0;
	[tilespmem:s28+$0xFFFFFFF0] =	vst v29  }
0x6a: {  	[tilespmem:s25+$0xFFFFF800] =	vst v0;
	v0 =	vand.u32 $0xFFFF0000, v5  }
0x6b: {  	[tilespmem:s25+$0x800] =	vst v0  }
0x6c: {  	v0 =	vadd.s32 $0x7FFF, v3;
	[tilespmem:s29+$0x0] =	vst v28  }
0x6d: {  	v2 =	vadd.s32 $0x7FFF, v2;
	v0 =	vand.u32 $0xFFFF0000, v0;
	[tilespmem:s30+$0x0] =	vst v29  }
0x6e: {  	[tilespmem:s25+$0xFFFFF810] =	vst v0;
	v0 =	vand.u32 $0xFFFF0000, v2  }
0x6f: {  	[tilespmem:s25+$0x810] =	vst v0  }
0x70: {  	[tilespmem:s29+$0x10] =	vst v28  }
0x71: {  	[tilespmem:s30+$0x10] =	vst v29  }
0x72: {  	v1 =	vld [tilespmem:s26+$0x10]  }
0x73: {  	v2 =	vld [tilespmem:s26+$0xFFFFFFF0];
	_ =	sdelay $0x2  }
0x74: {  	v5 =	vld [tilespmem:s26+$0xFFFFFFE0]  }
0x75: {  	v4 =	vld [tilespmem:s26+$0x0];
	v0 =	vshrl.u32 v1, $0x10  }
0x76: {  	v3 =	vshrl.u32 v2, $0x10;
	v6 =	vand.u32 $0x1, v0  }
0x77: {  	s10 =	simm.s32 $0x12B60;
	v7 =	vand.u32 $0x1, v3;
	v1 =	vadd.s32 v6, v1  }
0x78: {  	v0 =	vld [tilespmem:s10+$0x10];
	v2 =	vadd.s32 v7, v2;
	v1 =	vadd.s32 $0x7FFF, v1  }
0x79: {  	v3 =	vld [tilespmem:s10+$0xFFFFFFF0];
	v6 =	vshrl.u32 v5, $0x10;
	v2 =	vadd.s32 $0x7FFF, v2;
	v1 =	vand.u32 $0xFFFF0000, v1  }
0x7a: {  	v8 =	vshrl.u32 v4, $0x10;
	v6 =	vand.u32 $0x1, v6;
	v2 =	vand.u32 $0xFFFF0000, v2;
	[tilespmem:s24+$0x10] =	vst v1;
	v1 =	vld [tilespmem:s10+$0x0]  }
0x7b: {  	v8 =	vand.u32 $0x1, v8;
	v5 =	vadd.s32 v6, v5;
	[tilespmem:s24+$0xFFFFFFF0] =	vst v2;
	v2 =	vld [tilespmem:s10+$0xFFFFFFE0]  }
0x7c: {  	v4 =	vadd.s32 v8, v4;
	v5 =	vadd.s32 $0x7FFF, v5  }
0x7d: {  	v4 =	vadd.s32 $0x7FFF, v4;
	v7 =	vshrl.u32 v0, $0x10;
	v8 =	vand.u32 $0xFFFF0000, v5  }
0x7e: {  	s0 =	simm.s32 $0x4;
	v4 =	vand.u32 $0xFFFF0000, v4;
	s10 =	simm.s32 $0x12BA0;
	v6 =	vshrl.u32 v3, $0x10;
	v5 =	vand.u32 $0x1, v7;
	[tilespmem:s24+$0xFFFFFFE0] =	vst v8  }
.LBB2_4:
0x7f: {  	s0 =	sadd.s32 $0x4, s0;
	v6 =	vand.u32 $0x1, v6;
	v7 =	vshrl.u32 v1, $0x10;
	v5 =	vadd.s32 v5, v0;
	v0 =	vld [tilespmem:s10+$0x10];
	[tilespmem:s24+$0x0] =	vst v4;
	v4 =	vmovc v1  }
0x80: {  	v8 =	vld [tilespmem:s10+$0xFFFFFFF0];
	p1 =	slt.u32 s0, $0x14;
	v9 =	vshrl.u32 v2, $0x10;
	v7 =	vand.u32 $0x1, v7;
	v5 =	vadd.s32 $0x7FFF, v5  }
.Ltmp3:
0x81: {  	s24 =	sadd.s32 $0x40, s24;
	v3 =	vadd.s32 v6, v3;
	v1 =	vld [tilespmem:s10+$0x0];
	v9 =	vand.u32 $0x1, v9;
	v5 =	vand.u32 $0xFFFF0000, v5;
	(pc) =	sbr.rel @p1 .LBB2_4-.Ltmp3, $4  }
0x82: {  	v3 =	vadd.s32 $0x7FFF, v3;
	v4 =	vadd.s32 v7, v4;
	v6 =	vadd.s32 v9, v2;
	v2 =	vld [tilespmem:s10+$0xFFFFFFE0];
	[tilespmem:s24+$0x10] =	vst v5  }
0x83: {  	v10 =	vand.u32 $0xFFFF0000, v3;
	v4 =	vadd.s32 $0x7FFF, v4;
	v5 =	vadd.s32 $0x7FFF, v6  }
0x84: {  	v4 =	vand.u32 $0xFFFF0000, v4;
	v7 =	vshrl.u32 v0, $0x10;
	v9 =	vand.u32 $0xFFFF0000, v5;
	[tilespmem:s24+$0xFFFFFFF0] =	vst v10  }
0x85: {  	s10 =	sadd.s32 $0x40, s10;
	v6 =	vshrl.u32 v8, $0x10;
	v5 =	vand.u32 $0x1, v7;
	[tilespmem:s24+$0xFFFFFFE0] =	vst v9;
	v3 =	vmov v8  }
0x86: {  	v6 =	vand.u32 $0x1, v6;
	v7 =	vshrl.u32 v1, $0x10  }
0x87: {  	v0 =	vadd.s32 v5, v0;
	v58 =	vshrl.u32 v2, $0x10;
	v7 =	vand.u32 $0x1, v7  }
0x88: {  	v0 =	vadd.s32 $0x7FFF, v0;
	v3 =	vadd.s32 v6, v3;
	v5 =	vand.u32 $0x1, v58  }
0x89: {  	[tilespmem:s24+$0x0] =	vst v4;
	s0 =	sadd.s32 $0x40, s24;
	v0 =	vand.u32 $0xFFFF0000, v0;
	v3 =	vadd.s32 $0x7FFF, v3;
	v60 =	vadd.s32 v7, v1  }
0x8a: {  	v59 =	vadd.s32 v5, v2;
	[tilespmem:s0+$0x10] =	vst v0;
	v62 =	vand.u32 $0xFFFF0000, v3;
	v1 =	vadd.s32 $0x7FFF, v60  }
0x8b: {  	v61 =	vadd.s32 $0x7FFF, v59;
	[tilespmem:s0+$0xFFFFFFF0] =	vst v62;
	v1 =	vand.u32 $0xFFFF0000, v1  }
0x8c: {  	v0 =	vand.u32 $0xFFFF0000, v61;
	[tilespmem:s0+$0x0] =	vst v1  }
0x8d: {  	[tilespmem:s0+$0xFFFFFFE0] =	vst v0  }
0x8e: {  	v0 =	vld [tilespmem:$0x12C80];
	_ =	sdelay $0x4  }
0x8f: {  	v63 =	vshrl.u32 v0, $0x10  }
0x90: {  	v1 =	vand.u32 $0x1, v63  }
0x91: {  	v0 =	vadd.s32 v1, v0  }
0x92: {  	v0 =	vadd.s32 $0x7FFF, v0  }
0x93: {  	v0 =	vand.u32 $0xFFFF0000, v0  }
0x94: {  	s24 =	simm.s32 $0x0;
	[tilespmem:$0x12A80] =	vst v0  }
.LBB2_6:
0x95: {  	s25 =	sshll.u32 s24, $0x4;
	p2 =	por $0x1, $0x1;
	v0 =	vimm.s32 $0x0;
	v2 =	vimm.f32 $+Inf;
	s26 =	simm.s32 $0x0  }
.LBB2_7:
0x96: {  	s0 =	sor.u32 s25, s26  }
0x97: {  	s10 =	smul.u32 $0x3, s0;
	_ =	sdelay $0x1  }
0x98: {  	[tilespmem:$0x1FE40] =	vst v0;
	v0 =	vld [tilespmem:s10+$0x12B00]  }
0x99: {  	v1 =	vld [tilespmem:s10+$0x12900]  }
0x9a: {  	[tilespmem:$0x1FE30] =	vst v2;
	v2 =	vld [tilespmem:s10+$0x12B03]  }
0x9b: {  	v4 =	vld [tilespmem:s10+$0x12903]  }
0x9c: {  	v6 =	vld [tilespmem:s10+$0x12B06]  }
0x9d: {  	v7 =	vld [tilespmem:s10+$0x12906]  }
0x9e: {  	v9 =	vld [tilespmem:s10+$0x12B09]  }
0x9f: {  	v10 =	vld [tilespmem:s10+$0x12909]  }
0xa0: {  	v0 =	vmul.f32 v0, v0  }
0xa1: {  	v1 =	vmul.f32 $-2.000000000e+00, v1;
	v2 =	vmul.f32 v2, v2  }
0xa2: {  	v4 =	vmul.f32 $-2.000000000e+00, v4;
	v6 =	vmul.f32 v6, v6  }
0xa3: {  	v7 =	vmul.f32 $-2.000000000e+00, v7;
	v9 =	vmul.f32 v9, v9  }
0xa4: {  	v10 =	vmul.f32 $-2.000000000e+00, v10;
	v3 =	vbroadcast v0, $0x0  }
0xa5: {  	v5 =	vbroadcast v0, $0x1;
	v0 =	vbroadcast v0, $0x2  }
0xa6: {  	v35 =	vbroadcast v1, $0x0;
	v37 =	vbroadcast v1, $0x1  }
0xa7: {  	v32 =	vbroadcast v1, $0x2;
	v1 =	vbroadcast v2, $0x0  }
0xa8: {  	v8 =	vbroadcast v2, $0x1;
	v2 =	vbroadcast v2, $0x2  }
0xa9: {  	v38 =	vbroadcast v4, $0x0;
	v39 =	vbroadcast v4, $0x1  }
0xaa: {  	v14 =	vld [tilespmem:s10+$0x12B0F];
	v33 =	vbroadcast v4, $0x2;
	v4 =	vbroadcast v6, $0x0  }
0xab: {  	v11 =	vbroadcast v6, $0x1;
	v6 =	vbroadcast v6, $0x2  }
0xac: {  	v12 =	vld [tilespmem:s10+$0x12B0C];
	v26 =	vbroadcast v7, $0x0;
	v28 =	vbroadcast v7, $0x1  }
0xad: {  	v29 =	vbroadcast v7, $0x2;
	v13 =	vbroadcast v9, $0x1  }
0xae: {  	v7 =	vld [tilespmem:s10+$0x1290C];
	v22 =	vbroadcast v10, $0x0;
	v23 =	vbroadcast v10, $0x1  }
0xaf: {  	v24 =	vbroadcast v10, $0x2;
	v10 =	vmul.f32 v14, v14;
	v3 =	vadd.f32 v5, v3  }
0xb0: {  	v5 =	vbroadcast v9, $0x0;
	v1 =	vadd.f32 v8, v1;
	v4 =	vadd.f32 v11, v4  }
0xb1: {  	v43 =	vadd.f32 v3, v0;
	v0 =	vbroadcast v9, $0x2;
	v3 =	vmul.f32 v12, v12;
	v9 =	vld [tilespmem:s10+$0x1290F]  }
0xb2: {  	v41 =	vadd.f32 v4, v6;
	v4 =	vld [tilespmem:s10+$0x12B15];
	v6 =	vbroadcast v10, $0x1  }
0xb3: {  	s0 =	sadd.s32 s3, s0;
	v44 =	vadd.f32 v1, v2;
	v2 =	vmul.f32 $-2.000000000e+00, v7;
	v7 =	vld [tilespmem:s10+$0x12B12];
	v8 =	vbroadcast v3, $0x0  }
0xb4: {  	s21 =	sor.u32 $0x2, s0;
	v5 =	vadd.f32 v13, v5;
	v1 =	vbroadcast v3, $0x1;
	v3 =	vbroadcast v3, $0x2  }
0xb5: {  	v61 =	vmov s21;
	v18 =	vbroadcast v2, $0x0;
	v20 =	vbroadcast v2, $0x1  }
0xb6: {  	s22 =	sor.u32 $0x3, s0;
	v36 =	vadd.f32 v5, v0;
	v0 =	vld [tilespmem:s10+$0x12915];
	v19 =	vbroadcast v2, $0x2;
	v2 =	vbroadcast v10, $0x0  }
0xb7: {  	v5 =	vmov s22;
	v10 =	vbroadcast v10, $0x2;
	v9 =	vmul.f32 $-2.000000000e+00, v9  }
0xb8: {  	[tilespmem:$0x1FE50] =	vst v61;
	v11 =	vld [tilespmem:s10+$0x12912];
	v1 =	vadd.f32 v1, v8;
	v4 =	vmul.f32 v4, v4;
	v7 =	vmul.f32 v7, v7  }
0xb9: {  	s22 =	simm.s32 $0x12D00;
	[tilespmem:$0x1FE60] =	vst v5;
	v62 =	vbroadcast v9, $0x0;
	v17 =	vbroadcast v9, $0x1  }
0xba: {  	v12 =	vld [tilespmem:s22+$0x0];
	v40 =	vadd.f32 v1, v3;
	v63 =	vbroadcast v9, $0x2;
	v1 =	vbroadcast v4, $0x0  }
0xbb: {  	v2 =	vadd.f32 v6, v2;
	v3 =	vbroadcast v4, $0x1;
	v0 =	vmul.f32 $-2.000000000e+00, v0  }
0xbc: {  	v5 =	vbroadcast v7, $0x0;
	v8 =	vbroadcast v7, $0x1  }
0xbd: {  	s28 =	simm.s32 $0x0;
	v34 =	vadd.f32 v2, v10;
	v6 =	vbroadcast v7, $0x2;
	v7 =	vmul.f32 $-2.000000000e+00, v11  }
0xbe: {  	s20 =	sor.u32 $0x1, s0;
	s21 =	sand.u32 $0x7F0, s28;
	v1 =	vadd.f32 v3, v1;
	v3 =	vbroadcast v4, $0x2;
	v10 =	vbroadcast v0, $0x0  }
0xbf: {  	v16 =	vmov s20;
	s20 =	simm.s32 $0x11100;
	v2 =	vld [tilespmem:s21+$0x13500];
	v54 =	vmul.f32 v12, v22;
	v57 =	vmul.f32 v12, v26  }
0xc0: {  	v9 =	vld [tilespmem:s20+$0x0];
	v59 =	vmul.f32 v12, v38;
	v21 =	vbroadcast v7, $0x0  }
0xc1: {  	v11 =	vld [tilespmem:s21+$0x13D00];
	[tilespmem:$0x1FF20] =	vst v19;
	v25 =	vbroadcast v7, $0x1;
	v4 =	vadd.f32 v8, v5;
	v8 =	vbroadcast v0, $0x2  }
0xc2: {  	v15 =	vmov s0;
	[tilespmem:$0x1FF30] =	vst v40;
	v31 =	vbroadcast v7, $0x2;
	v7 =	vbroadcast v0, $0x1  }
0xc3: {  	v5 =	vadd.f32 v1, v3;
	[tilespmem:$0x1FE70] =	vst v10;
	v0 =	vmul.f32 v12, v10;
	v10 =	vmul.f32 v12, v62  }
0xc4: {  	v27 =	vadd.f32 v4, v6;
	[tilespmem:$0x1FEA0] =	vst v7;
	v4 =	vmul.f32 v2, v7;
	v7 =	vmul.f32 v12, v21  }
0xc5: {  	[tilespmem:$0x1FED0] =	vst v21;
	v50 =	vadd.f32 v9, v34;
	v21 =	vmul.f32 v2, v25;
	v47 =	vmul.f32 v2, v20  }
0xc6: {  	[tilespmem:$0x1FF50] =	vst v36;
	v51 =	vadd.f32 v9, v40;
	v55 =	vmul.f32 v2, v23;
	v58 =	vmul.f32 v2, v28  }
0xc7: {  	[tilespmem:$0x1FF60] =	vst v18;
	v52 =	vadd.f32 v9, v36;
	v60 =	vmul.f32 v2, v39;
	v1 =	vmul.f32 v11, v8  }
0xc8: {  	[tilespmem:$0x1FEF0] =	vst v62;
	v53 =	vadd.f32 v9, v41;
	v3 =	vmul.f32 v11, v31;
	v6 =	vmul.f32 v11, v63  }
0xc9: {  	[tilespmem:$0x1FF00] =	vst v34;
	v56 =	vadd.f32 v9, v44;
	v34 =	vmul.f32 v11, v19;
	v19 =	vmul.f32 v2, v17  }
0xca: {  	[tilespmem:$0x1FEB0] =	vst v5;
	v5 =	vadd.f32 v9, v5;
	v2 =	vmul.f32 v2, v37;
	v61 =	vmul.f32 v11, v24  }
0xcb: {  	[tilespmem:$0x1FE80] =	vst v8;
	v62 =	vmul.f32 v11, v29;
	v8 =	vadd.f32 v9, v27;
	v9 =	vadd.f32 v9, v43  }
0xcc: {  	[tilespmem:$0x1FEE0] =	vst v27;
	v27 =	vmul.f32 v12, v18;
	v7 =	vadd.f32 v21, v7;
	v0 =	vadd.f32 v4, v0  }
0xcd: {  	[tilespmem:$0x1FF70] =	vst v20;
	v12 =	vmul.f32 v12, v35;
	v13 =	vadd.f32 v60, v59;
	v10 =	vadd.f32 v19, v10  }
0xce: {  	[tilespmem:$0x1FEC0] =	vst v63;
	v63 =	vmul.f32 v11, v33;
	v19 =	vadd.f32 v58, v57;
	v4 =	vadd.f32 v47, v27  }
0xcf: {  	[tilespmem:$0x1FF80] =	vst v22;
	v60 =	vimm.s32 $0x0;
	v27 =	vadd.f32 v55, v54;
	v2 =	vadd.f32 v2, v12  }
0xd0: {  	s20 =	sor.u32 $0x4, s0;
	[tilespmem:$0x1FF90] =	vst v23;
	s21 =	sor.u32 $0x5, s0;
	v58 =	vimm.s32 $0x0;
	v3 =	vadd.f32 v3, v7;
	v0 =	vadd.f32 v1, v0  }
0xd1: {  	[tilespmem:$0x1FF40] =	vst v17;
	v1 =	vmul.f32 v11, v32;
	v7 =	vmov s20;
	v11 =	vmov s21  }
0xd2: {  	v47 =	vor.u32 s28, v30;
	v6 =	vadd.f32 v6, v10;
	[tilespmem:$0x1FFA0] =	vst v7;
	v7 =	vadd.f32 v62, v19  }
0xd3: {  	s22 =	sor.u32 $0x6, s0;
	[tilespmem:$0x1FE90] =	vst v31;
	v54 =	vimm.s32 $0x0;
	v4 =	vadd.f32 v34, v4;
	v10 =	vadd.f32 v61, v27  }
0xd4: {  	s0 =	sor.u32 $0x7, s0;
	[tilespmem:$0x1FFB0] =	vst v11;
	v11 =	vmov s22;
	v1 =	vadd.f32 v1, v2;
	v2 =	vadd.f32 v63, v13  }
0xd5: {  	[tilespmem:$0x1FF10] =	vst v25;
	v27 =	vadd.f32 v3, v8;
	v19 =	vadd.f32 v0, v5;
	v0 =	vmov s0  }
0xd6: {  	v46 =	vmovc v28;
	v49 =	vmovc v33;
	[tilespmem:$0x1FFC0] =	vst v11;
	v8 =	vimm.f32 $+Inf;
	v62 =	vadd.f32 v7, v53;
	v50 =	vadd.f32 v6, v50  }
0xd7: {  	s31 =	simm.s32 $0x800;
	v48 =	vmovc v32;
	v42 =	vmovc v41;
	v63 =	vimm.s32 $0x0;
	[tilespmem:$0x1FFD0] =	vst v0;
	v1 =	vadd.f32 v1, v9;
	v2 =	vadd.f32 v2, v56  }
0xd8: {  	v45 =	vmovc v44;
	v59 =	vadd.f32 v10, v52;
	v56 =	vadd.f32 v4, v51;
	v3 =	vld [tilespmem:s31+$0x0];
	vm1 =	vlt.f32 v27, v8  }
0xd9: {  	v36 =	vmovc v26;
	v44 =	vmovc v43;
	vm0 =	vlt.f32 v19, v8;
	v9 =	vimm.s32 $0x0;
	v52 =	vimm.s32 $0x0  }
0xda: {  	v41 =	vmovc v39;
	v4 =	vld [tilespmem:s28+$0x0];
	vm7 =	vlt.f32 v62, v8;
	vm3 =	vlt.f32 v50, v8;
	v53 =	vsel vm1, v27, v8  }
0xdb: {  	v39 =	vmovc v37;
	v51 =	vsel vm0, v19, v8;
	vm2 =	vlt.f32 v1, v8;
	vm6 =	vlt.f32 v2, v8  }
0xdc: {  	v40 =	vmovc v29;
	vm5 =	vlt.f32 v59, v8;
	vm4 =	vlt.f32 v56, v8;
	v0 =	vsel vm7, v62, v8  }
0xdd: {  	v37 =	vmovc v24;
	v55 =	vsel vm3, v50, v8;
	v7 =	vsel vm2, v1, v8;
	vm8 =	vlt.f32 v1, v3  }
0xde: {  	s20 =	simm.s32 $0x11110;
	s0 =	simm.s32 $0x10;
	[tilespmem:$0x1FFE0] =	vst v15;
	v5 =	vsel vm6, v2, v8;
	v61 =	vsel vm5, v59, v8;
	v1 =	vsel vm8, v1, v3  }
0xdf: {  	s10 =	sand.u32 $0x7F0, s0;
	v57 =	vsel vm4, v56, v8;
	v4 =	vsel vm8, v15, v4;
	v3 =	vld [tilespmem:s20+$0x0];
	[tilespmem:$0x1FFF0] =	vst v16;
	vm15 =	vlt.f32 v2, v1  }
0xe0: {  	p1 =	por p2, p2;
	v43 =	vmovc v38;
	s21 =	simm.s32 $0x12D10;
	v8 =	vsel vm2, v47, v9;
	v10 =	vsel vm15, v2, v1;
	v6 =	vsel vm15, v16, v4;
	v4 =	vld [tilespmem:s10+$0x13D00]  }
0xe1: {  	s30 =	simm.s32 $0x800;
	s29 =	simm.s32 $0x0;
	v38 =	vmovc v35;
	s22 =	simm.s32 $0x20;
	v2 =	vsel vm6, v47, v9;
	v1 =	vsel vm7, v47, v9;
	v9 =	vld [tilespmem:s21+$0x0];
	vm2 =	vlt.f32 v62, v10  }
.LBB2_8:
0xe2: {  	v11 =	vld [tilespmem:s10+$0x13500]  }
0xe3: {  	v12 =	vld [tilespmem:$0x1FE50]  }
0xe4: {  	v23 =	vld [tilespmem:$0x1FE60]  }
0xe5: {  	v33 =	vld [tilespmem:$0x1FE80]  }
0xe6: {  	v35 =	vld [tilespmem:$0x1FEA0]  }
0xe7: {  	v13 =	vld [tilespmem:$0x1FEB0]  }
0xe8: {  	v14 =	vld [tilespmem:$0x1FEC0]  }
0xe9: {  	v15 =	vld [tilespmem:$0x1FED0]  }
0xea: {  	v16 =	vld [tilespmem:$0x1FEE0]  }
0xeb: {  	v17 =	vld [tilespmem:$0x1FEF0]  }
0xec: {  	v18 =	vld [tilespmem:$0x1FF00]  }
0xed: {  	v20 =	vld [tilespmem:$0x1FF10]  }
0xee: {  	v10 =	vsel vm2, v62, v10;
	v21 =	vld [tilespmem:$0x1FF20]  }
0xef: {  	v63 =	vsel vm5, v47, v63;
	v60 =	vsel vm4, v47, v60;
	v58 =	vsel vm3, v47, v58;
	v25 =	vld [tilespmem:$0x1FF60]  }
0xf0: {  	v54 =	vsel vm1, v47, v54;
	v52 =	vsel vm0, v47, v52;
	v47 =	vor.u32 s0, v30;
	v26 =	vld [tilespmem:$0x1FF70]  }
0xf1: {  	v29 =	vld [tilespmem:$0x1FF80];
	v28 =	vadd.f32 v3, v42;
	v31 =	vadd.f32 v3, v45;
	v6 =	vsel vm2, v12, v6  }
0xf2: {  	v30 =	vld [tilespmem:$0x1FF90];
	vm2 =	vlt.f32 v59, v10;
	v62 =	vmul.f32 v4, v33;
	v12 =	vmul.f32 v11, v35  }
0xf3: {  	v32 =	vld [tilespmem:$0x1FE70];
	v13 =	vadd.f32 v3, v13;
	v14 =	vmul.f32 v4, v14;
	v15 =	vmul.f32 v9, v15  }
0xf4: {  	v34 =	vld [tilespmem:$0x1FE90];
	v16 =	vadd.f32 v3, v16;
	v17 =	vmul.f32 v9, v17;
	v20 =	vmul.f32 v11, v20  }
0xf5: {  	v18 =	vadd.f32 v3, v18;
	v21 =	vmul.f32 v4, v21;
	v25 =	vmul.f32 v9, v25  }
0xf6: {  	v26 =	vmul.f32 v11, v26;
	v29 =	vmul.f32 v9, v29;
	v6 =	vsel vm2, v23, v6;
	v23 =	vld [tilespmem:$0x1FF40]  }
0xf7: {  	v30 =	vmul.f32 v11, v30;
	v33 =	vmul.f32 v11, v46;
	v10 =	vsel vm2, v59, v10  }
0xf8: {  	v22 =	vld [tilespmem:$0x1FF30];
	v35 =	vmul.f32 v11, v41;
	v59 =	vmul.f32 v9, v32;
	vm1 =	vlt.f32 v56, v10  }
0xf9: {  	v24 =	vld [tilespmem:$0x1FF50];
	v32 =	vmul.f32 v9, v36;
	v10 =	vsel vm1, v56, v10;
	v56 =	vmul.f32 v4, v34  }
0xfa: {  	v15 =	vadd.f32 v20, v15;
	v34 =	vmul.f32 v9, v43;
	v9 =	vmul.f32 v9, v38  }
0xfb: {  	v20 =	vadd.f32 v26, v25;
	v23 =	vmul.f32 v11, v23;
	v11 =	vmul.f32 v11, v39  }
0xfc: {  	v25 =	vadd.f32 v30, v29;
	v26 =	vmul.f32 v4, v37;
	v29 =	vmul.f32 v4, v40  }
0xfd: {  	v30 =	vmul.f32 v4, v49;
	v4 =	vmul.f32 v4, v48;
	v9 =	vadd.f32 v11, v9  }
0xfe: {  	v22 =	vadd.f32 v3, v22;
	v24 =	vadd.f32 v3, v24  }
0xff: {  	v3 =	vadd.f32 v3, v44;
	v4 =	vadd.f32 v4, v9;
	_ =	sdelay $0x1  }
0x100: {  	v3 =	vadd.f32 v4, v3;
	v4 =	vld [tilespmem:$0x1FFA0];
	_ =	sdelay $0x1  }
0x101: {  	vm6 =	vlt.f32 v50, v10  }
0x102: {  	v10 =	vsel vm6, v50, v10  }
0x103: {  	s31 =	sadd.s32 $0x10, s31;
	vm7 =	vlt.f32 v27, v10  }
0x104: {  	v4 =	vsel vm1, v4, v6;
	v6 =	vsel vm7, v27, v10;
	v10 =	vld [tilespmem:s31+$0x0]  }
0x105: {  	v15 =	vadd.f32 v56, v15;
	v11 =	vadd.f32 v35, v34;
	_ =	sdelay $0x1  }
0x106: {  	v9 =	vadd.f32 v30, v11;
	v11 =	vadd.f32 v15, v16  }
0x107: {  	s28 =	sadd.s32 $0x10, s28;
	v12 =	vadd.f32 v12, v59;
	v59 =	vadd.f32 v33, v32;
	v33 =	vld [tilespmem:$0x1FFB0]  }
0x108: {  	vm8 =	vlt.f32 v3, v7;
	v27 =	vmov v11;
	v11 =	vld [tilespmem:s28+$0x0];
	vm10 =	vlt.f32 v3, v10  }
0x109: {  	v7 =	vsel vm8, v3, v7;
	v10 =	vsel vm10, v3, v10;
	v3 =	vld [tilespmem:$0x1FFE0];
	_ =	sdelay $0x1  }
0x10a: {  	v20 =	vadd.f32 v21, v20  }
0x10b: {  	v12 =	vadd.f32 v62, v12  }
0x10c: {  	v56 =	vadd.f32 v20, v22;
	v17 =	vadd.f32 v23, v17  }
0x10d: {  	v4 =	vsel vm6, v33, v4;
	vm6 =	vlt.f32 v19, v6;
	v11 =	vsel vm10, v3, v11;
	v3 =	vld [tilespmem:$0x1FFC0]  }
0x10e: {  	v62 =	vadd.f32 v26, v25;
	v12 =	vadd.f32 v12, v13;
	v34 =	vsel vm6, v19, v6;
	v6 =	vld [tilespmem:$0x1FFD0]  }
0x10f: {  	vm4 =	vlt.f32 v56, v57;
	v14 =	vadd.f32 v14, v17;
	v17 =	vadd.f32 v29, v59  }
0x110: {  	v57 =	vsel vm4, v56, v57;
	vm0 =	vlt.f32 v12, v51;
	v59 =	vadd.f32 v62, v24  }
0x111: {  	v51 =	vsel vm0, v12, v51;
	v9 =	vadd.f32 v9, v31;
	v62 =	vadd.f32 v17, v28  }
0x112: {  	v50 =	vadd.f32 v14, v18;
	vm5 =	vlt.f32 v59, v61;
	v4 =	vsel vm7, v3, v4  }
0x113: {  	p2 =	sne.s32 s22, $0x7F0;
	v61 =	vsel vm5, v59, v61;
	vm2 =	vlt.f32 v9, v5;
	v35 =	vsel vm6, v6, v4;
	v6 =	vld [tilespmem:$0x1FFF0]  }
.Ltmp4:
0x114: {  	vm9 =	vlt.f32 v62, v0;
	vm3 =	vlt.f32 v50, v55;
	v5 =	vsel vm2, v9, v5;
	(pc) =	sbr.rel @p2 .LBB2_8-.Ltmp4, $4  }
0x115: {  	s20 =	sadd.s32 $0x10, s20;
	v0 =	vsel vm9, v62, v0;
	v55 =	vsel vm3, v50, v55;
	v8 =	vsel vm8, v47, v8  }
0x116: {  	s10 =	sand.u32 $0x7F0, s22;
	v2 =	vsel vm2, v47, v2;
	vm1 =	vlt.f32 v27, v53;
	v3 =	vld [tilespmem:s20+$0x0];
	vm7 =	vlt.f32 v9, v10  }
0x117: {  	s0 =	smov.u32 s22;
	s21 =	sadd.s32 $0x10, s21;
	v1 =	vsel vm9, v47, v1;
	v53 =	vsel vm1, v27, v53;
	v4 =	vld [tilespmem:s10+$0x13D00];
	v10 =	vsel vm7, v9, v10;
	[tilespmem:s30+$0x0] =	vst v34  }
0x118: {  	s22 =	sadd.s32 $0x10, s22;
	v30 =	vlaneseq.u32;
	v19 =	vmovc v12;
	s30 =	smov.u32 s31;
	v9 =	vld [tilespmem:s21+$0x0];
	vm2 =	vlt.f32 v62, v10;
	[tilespmem:s29+$0x0] =	vst v35;
	s29 =	smov.u32 s28;
	v6 =	vsel vm7, v6, v11  }
0x119: {  	v11 =	vld [tilespmem:s10+$0x13500];
	_ =	sdelay $0x4  }
0x11a: {  	v12 =	vmul.f32 v9, v38;
	v13 =	vmul.f32 v11, v39;
	_ =	sdelay $0x1  }
0x11b: {  	v16 =	vmul.f32 v4, v48;
	v12 =	vadd.f32 v13, v12;
	_ =	sdelay $0x1  }
0x11c: {  	v17 =	vadd.f32 v3, v44;
	v12 =	vadd.f32 v16, v12;
	_ =	sdelay $0x1  }
0x11d: {  	v26 =	vadd.f32 v12, v17;
	_ =	sdelay $0x1  }
0x11e: {  	vm6 =	vlt.f32 v26, v7  }
0x11f: {  	v12 =	vsel vm6, v26, v7  }
0x120: {  	(xrf0) =	vmin.scan.msk.f32 $0xffff, v12;
	_ =	sdelay $0x1  }
0x121: {  	v18 =	vmul.f32 v9, v43;
	v20 =	vmul.f32 v11, v41;
	_ =	sdelay $0x1  }
0x122: {  	v21 =	vmul.f32 v4, v49;
	v7 =	vadd.f32 v20, v18;
	_ =	sdelay $0x1  }
0x123: {  	v14 =	vadd.f32 v3, v45;
	v13 =	vadd.f32 v21, v7;
	v22, _, _ =	vpop (xrf0)  }
0x124: {  	v29 =	vor.u32 s0, v30;
	v7 =	vbroadcast v22, $0xF  }
0x125: {  	v8 =	vsel vm6, v29, v8;
	v28 =	vadd.f32 v13, v14  }
0x126: {  	v8 =	vxor.u32 $0x80000000, v8;
	vm15 =	veq.f32 v12, v7  }
0x127: {  	vm7 =	vlt.f32 v28, v5;
	v8 =	vnsel vm15, $0x80000800, v8  }
0x128: {  	v23 =	vsel vm7, v28, v5;
	(xrf0) =	vmin.scan.msk.u32 $0xffff, v8  }
0x129: {  	(xrf0) =	vmin.scan.msk.f32 $0xffff, v23;
	_ =	sdelay $0x1  }
0x12a: {  	v24 =	vmul.f32 v9, v36;
	v25 =	vmul.f32 v11, v46;
	_ =	sdelay $0x1  }
0x12b: {  	v32 =	vmul.f32 v4, v40;
	v5 =	vadd.f32 v25, v24  }
0x12c: {  	v13, _, _ =	vpop (xrf0)  }
0x12d: {  	v33 =	vadd.f32 v3, v42;
	v12 =	vadd.f32 v32, v5;
	v34, _, _ =	vpop (xrf0)  }
0x12e: {  	v5 =	vbroadcast v34, $0xF  }
0x12f: {  	v2 =	vsel vm7, v29, v2;
	v32 =	vadd.f32 v12, v33  }
0x130: {  	v2 =	vxor.u32 $0x80000000, v2;
	vm9 =	veq.f32 v23, v5  }
0x131: {  	v35 =	vld [tilespmem:$0x1FF90];
	vm10 =	vlt.f32 v32, v0;
	v2 =	vnsel vm9, $0x80000800, v2  }
0x132: {  	(xrf0) =	vmin.scan.msk.u32 $0xffff, v2;
	v2 =	vsel vm10, v32, v0;
	v0 =	vld [tilespmem:$0x1FF80];
	_ =	sdelay $0x4  }
0x133: {  	v8 =	vmul.f32 v11, v35;
	(xrf0) =	vmin.scan.msk.f32 $0xffff, v2;
	v0 =	vmul.f32 v9, v0;
	_ =	sdelay $0x1  }
0x134: {  	v0 =	vadd.f32 v8, v0;
	_ =	sdelay $0x1  }
0x135: {  	v36 =	vmul.f32 v4, v37  }
0x136: {  	v37 =	vld [tilespmem:$0x1FF50];
	v12, _, _ =	vpop (xrf0)  }
0x137: {  	v8 =	vadd.f32 v36, v0;
	v0, _, _ =	vpop (xrf0)  }
0x138: {  	v0 =	vbroadcast v0, $0xF  }
0x139: {  	v1 =	vsel vm10, v29, v1  }
0x13a: {  	v1 =	vxor.u32 $0x80000000, v1;
	vm11 =	veq.f32 v2, v0  }
0x13b: {  	v38 =	vld [tilespmem:$0x1FF70];
	v14 =	vadd.f32 v3, v37;
	v1 =	vnsel vm11, $0x80000800, v1  }
0x13c: {  	(xrf0) =	vmin.scan.msk.u32 $0xffff, v1;
	v1 =	vld [tilespmem:$0x1FF60]  }
0x13d: {  	v14 =	vadd.f32 v8, v14;
	_ =	sdelay $0x1  }
0x13e: {  	vm12 =	vlt.f32 v14, v61  }
0x13f: {  	v15 =	vld [tilespmem:$0x1FF20];
	v2 =	vsel vm12, v14, v61  }
0x140: {  	v8 =	vmul.f32 v11, v38;
	(xrf0) =	vmin.scan.msk.f32 $0xffff, v2;
	v1 =	vmul.f32 v9, v1;
	_ =	sdelay $0x1  }
0x141: {  	v1 =	vadd.f32 v8, v1;
	_ =	sdelay $0x1  }
0x142: {  	v15 =	vmul.f32 v4, v15  }
0x143: {  	v39 =	vld [tilespmem:$0x1FF30];
	v16, _, _ =	vpop (xrf0)  }
0x144: {  	v15 =	vadd.f32 v15, v1;
	v1, _, _ =	vpop (xrf0)  }
0x145: {  	v17 =	vsel vm5, v47, v63;
	v1 =	vbroadcast v1, $0xF  }
0x146: {  	v40 =	vsel vm12, v29, v17  }
0x147: {  	vm13 =	veq.f32 v2, v1;
	v2 =	vxor.u32 $0x80000000, v40  }
0x148: {  	v42 =	vld [tilespmem:$0x1FF40];
	v8 =	vadd.f32 v3, v39;
	v2 =	vnsel vm13, $0x80000800, v2  }
0x149: {  	(xrf0) =	vmin.scan.msk.u32 $0xffff, v2;
	v2 =	vld [tilespmem:$0x1FEF0]  }
0x14a: {  	v15 =	vadd.f32 v15, v8;
	_ =	sdelay $0x1  }
0x14b: {  	vm14 =	vlt.f32 v15, v57  }
0x14c: {  	v18 =	vld [tilespmem:$0x1FEC0];
	v41 =	vsel vm14, v15, v57  }
0x14d: {  	v17 =	vmul.f32 v11, v42;
	(xrf0) =	vmin.scan.msk.f32 $0xffff, v41;
	v2 =	vmul.f32 v9, v2  }
0x14e: {  	v20 =	vld [tilespmem:$0x1FF00]  }
0x14f: {  	v2 =	vadd.f32 v17, v2;
	_ =	sdelay $0x1  }
0x150: {  	v18 =	vmul.f32 v4, v18  }
0x151: {  	v17, _, _ =	vpop (xrf0)  }
0x152: {  	v20 =	vadd.f32 v3, v20;
	v18 =	vadd.f32 v18, v2;
	v2, _, _ =	vpop (xrf0)  }
0x153: {  	v21 =	vsel vm4, v47, v60;
	v2 =	vbroadcast v2, $0xF  }
0x154: {  	v48 =	vld [tilespmem:$0x1FF10];
	v43 =	vsel vm14, v29, v21;
	v18 =	vadd.f32 v18, v20  }
0x155: {  	v46 =	vld [tilespmem:$0x1FED0];
	v44 =	vxor.u32 $0x80000000, v43;
	vm15 =	veq.f32 v41, v2  }
0x156: {  	vm8 =	vlt.f32 v18, v55;
	v8 =	vnsel vm15, $0x80000800, v44  }
0x157: {  	v22 =	vld [tilespmem:$0x1FE90];
	v45 =	vsel vm8, v18, v55;
	(xrf0) =	vmin.scan.msk.u32 $0xffff, v8  }
0x158: {  	(xrf0) =	vmin.scan.msk.f32 $0xffff, v45  }
0x159: {  	v23 =	vld [tilespmem:$0x1FEE0]  }
0x15a: {  	v21 =	vmul.f32 v11, v48;
	v8 =	vmul.f32 v9, v46;
	_ =	sdelay $0x1  }
0x15b: {  	v22 =	vmul.f32 v4, v22;
	v8 =	vadd.f32 v21, v8  }
0x15c: {  	v49, _, _ =	vpop (xrf0)  }
0x15d: {  	v23 =	vadd.f32 v3, v23;
	v22 =	vadd.f32 v22, v8;
	v55, _, _ =	vpop (xrf0)  }
0x15e: {  	v24 =	vsel vm3, v47, v58;
	v8 =	vbroadcast v55, $0xF  }
0x15f: {  	v61 =	vld [tilespmem:$0x1FE70];
	v57 =	vsel vm8, v29, v24;
	v22 =	vadd.f32 v22, v23  }
0x160: {  	v24 =	vld [tilespmem:$0x1FEA0];
	v58 =	vxor.u32 $0x80000000, v57;
	vm9 =	veq.f32 v45, v8  }
0x161: {  	vm10 =	vlt.f32 v22, v53;
	v20 =	vnsel vm9, $0x80000800, v58  }
0x162: {  	v25 =	vld [tilespmem:$0x1FE80];
	v60 =	vsel vm10, v22, v53;
	(xrf0) =	vmin.scan.msk.u32 $0xffff, v20  }
0x163: {  	(xrf0) =	vmin.scan.msk.f32 $0xffff, v60  }
0x164: {  	v35 =	vld [tilespmem:$0x1FEB0]  }
0x165: {  	v63 =	vmul.f32 v9, v61;
	v11 =	vmul.f32 v11, v24;
	_ =	sdelay $0x1  }
0x166: {  	v33 =	vmul.f32 v4, v25;
	v9 =	vadd.f32 v11, v63  }
0x167: {  	v34, _, _ =	vpop (xrf0)  }
0x168: {  	v3 =	vadd.f32 v3, v35;
	v4 =	vadd.f32 v33, v9;
	v36, _, _ =	vpop (xrf0)  }
0x169: {  	v37 =	vsel vm1, v47, v54;
	v9 =	vbroadcast v36, $0xF  }
0x16a: {  	v3 =	vadd.f32 v4, v3;
	v38 =	vsel vm10, v29, v37  }
0x16b: {  	v4 =	vxor.u32 $0x80000000, v38;
	vm11 =	veq.f32 v60, v9  }
0x16c: {  	vm12 =	vlt.f32 v3, v51;
	v4 =	vnsel vm11, $0x80000800, v4  }
0x16d: {  	v39 =	vsel vm12, v3, v51;
	(xrf0) =	vmin.scan.msk.u32 $0xffff, v4  }
0x16e: {  	(xrf0) =	vmin.scan.msk.f32 $0xffff, v39;
	_ =	sdelay $0x4  }
0x16f: {  	v4, _, _ =	vpop (xrf0)  }
0x170: {  	s0 =	sadd.s32 $0x10, s31;
	v10 =	vsel vm2, v62, v10;
	v25 =	vsel vm0, v47, v52;
	v41, _, _ =	vpop (xrf0)  }
0x171: {  	s20 =	sadd.s32 $0x10, s28;
	vm0 =	vlt.f32 v59, v10;
	(v2sf) =	vpush v13, $0xF;
	v40 =	vld [tilespmem:s0+$0x0];
	v24 =	vbroadcast v41, $0xF  }
0x172: {  	v10 =	vsel vm0, v59, v10;
	(v2sf) =	vpush v12, $0xF;
	v43 =	vld [tilespmem:s20+$0x0];
	v25 =	vsel vm12, v29, v25  }
0x173: {  	(v2sf) =	vpush v16, $0xF;
	v46 =	vld [tilespmem:$0x1FFE0];
	v42 =	vxor.u32 $0x80000000, v25;
	vm13 =	veq.f32 v39, v24  }
0x174: {  	vm1 =	vlt.f32 v56, v10;
	v48 =	vld [tilespmem:$0x1FFF0];
	(v2sf) =	vpush v17, $0xF;
	v20 =	vnsel vm13, $0x80000800, v42  }
0x175: {  	s31 =	sor.u32 $0x3, s26;
	v10 =	vsel vm1, v56, v10;
	(v2sf) =	vpush v49, $0xF;
	v49 =	vld [tilespmem:$0x1FE50];
	(xrf0) =	vmin.scan.msk.u32 $0xffff, v20  }
0x176: {  	s22 =	sor.u32 $0x1, s26;
	v62 =	vmov s31;
	v52 =	vld [tilespmem:$0x1FE60];
	vm3 =	vlt.f32 v50, v10;
	vm14 =	vlt.f32 v26, v40  }
0x177: {  	s28 =	sor.u32 $0x2, s26;
	v54 =	vld [tilespmem:$0x1FFA0];
	v59 =	vmov s22;
	v10 =	vsel vm3, v50, v10;
	v23 =	vsel vm14, v26, v40  }
0x178: {  	v61 =	vmov s28;
	v13 =	vsel vm14, v46, v43;
	vm15 =	vlt.f32 v28, v23;
	v55 =	vld [tilespmem:$0x1FFB0]  }
0x179: {  	v56 =	vld [tilespmem:$0x1FFC0];
	v44 =	vsel vm15, v28, v23;
	v11 =	vsel vm15, v48, v13;
	vm10 =	veq.s32 v61, v30  }
0x17a: {  	v57 =	vld [tilespmem:$0x1FFD0];
	v58 =	vmov s26;
	v50 =	vsel vm2, v49, v6;
	(v2sf) =	vpush v34, $0xF  }
0x17b: {  	vm12 =	vlt.f32 v27, v10;
	(v2sf) =	vpush v4, $0xF;
	v4 =	vsel vm0, v52, v50;
	v47, _, _ =	vpop (xrf0)  }
0x17c: {  	v60 =	vld [tilespmem:$0x1FE30];
	v4 =	vsel vm1, v54, v4;
	vm13 =	vlt.f32 v32, v44;
	(v2sf) =	vpush v47, $0xF  }
0x17d: {  	v10 =	vsel vm12, v27, v10;
	v4 =	vsel vm3, v55, v4;
	v45 =	vsel vm13, v32, v44  }
0x17e: {  	vm8 =	vlt.f32 v19, v10;
	v4 =	vsel vm12, v56, v4;
	vm14 =	vlt.f32 v14, v45  }
0x17f: {  	v63 =	vld [tilespmem:$0x1FE40];
	v10 =	vsel vm8, v19, v10;
	v4 =	vsel vm8, v57, v4;
	v12 =	vsel vm14, v14, v45  }
0x180: {  	vm8 =	veq.s32 v58, v30;
	v51 =	vsel vm13, v49, v11;
	vm9 =	vlt.f32 v15, v12  }
0x181: {  	v7 =	vsel vm8, v7, v60;
	v6 =	vsel vm14, v52, v51;
	v12 =	vsel vm9, v15, v12  }
0x182: {  	s21 =	spop (v2sf);
	v6 =	vsel vm9, v54, v6;
	vm9 =	veq.s32 v59, v30;
	vm15 =	vlt.f32 v18, v12  }
0x183: {  	s21 =	sxor.u32 $0x80000000, s21;
	s22 =	spop (v2sf);
	vm11 =	veq.s32 v62, v30;
	v5 =	vsel vm9, v5, v7;
	v53 =	vsel vm15, v18, v12  }
0x184: {  	s28 =	sxor.u32 $0x80000000, s22;
	v6 =	vsel vm15, v55, v6;
	v0 =	vsel vm10, v0, v5;
	v5 =	vsel vm8, s21, v63  }
0x185: {  	s31 =	sor.u32 $0x4, s26;
	s10 =	spop (v2sf);
	vm5 =	vlt.f32 v22, v53;
	v5 =	vsel vm9, s28, v5;
	v0 =	vsel vm11, v1, v0  }
0x186: {  	s10 =	sxor.u32 $0x80000000, s10;
	v1 =	vmov s31;
	s28 =	sor.u32 $0x5, s26;
	v11 =	vsel vm5, v22, v53;
	v6 =	vsel vm5, v56, v6  }
0x187: {  	s21 =	spop (v2sf);
	v5 =	vsel vm10, s10, v5;
	vm12 =	veq.s32 v1, v30;
	v1 =	vmov s28  }
0x188: {  	s31 =	spop (v2sf);
	s21 =	sxor.u32 $0x80000000, s21;
	s28 =	sor.u32 $0x6, s26;
	vm7 =	vlt.f32 v3, v11;
	v0 =	vsel vm12, v2, v0;
	vm13 =	veq.s32 v1, v30  }
.Ltmp5:
0x189: {  	s22 =	spop (v2sf);
	s10 =	sxor.u32 $0x80000000, s31;
	v1 =	vsel vm11, s21, v5;
	v2 =	vmov s28;
	v3 =	vsel vm7, v3, v11;
	(pc) =	sbr.rel @p1 .LBB2_7-.Ltmp5, $4  }
0x18a: {  	[tilespmem:s30+$0x0] =	vst v10;
	s22 =	sxor.u32 $0x80000000, s22;
	s28 =	sor.u32 $0x7, s26;
	v6 =	vsel vm7, v57, v6;
	v1 =	vsel vm12, s10, v1;
	s31 =	spop (v2sf);
	v0 =	vsel vm13, v8, v0  }
0x18b: {  	[tilespmem:s29+$0x0] =	vst v4;
	vm14 =	veq.s32 v2, v30;
	v2 =	vmov s28;
	v1 =	vsel vm13, s22, v1;
	s10 =	sxor.u32 $0x80000000, s31;
	s30 =	spop (v2sf)  }
0x18c: {  	[tilespmem:s0+$0x0] =	vst v3;
	v0 =	vsel vm14, v9, v0;
	vm15 =	veq.s32 v2, v30;
	v1 =	vsel vm14, s10, v1;
	s31 =	sxor.u32 $0x80000000, s30  }
0x18d: {  	p2 =	por $0x0, $0x0;
	s26 =	simm.s32 $0x8;
	[tilespmem:s20+$0x0] =	vst v6;
	v2 =	vsel vm15, v24, v0;
	v0 =	vsel vm15, s31, v1  }
0x18e: {  	s24 =	sadd.s32 $0x1, s24  }
0x18f: {  	p1 =	sne.s32 s24, $0x8  }
.Ltmp6:
0x190: {  	_ = 	snop;
	(pc) =	sbr.rel @p1 .LBB2_6-.Ltmp6, $3  }
0x191: {  	_ =	sdelay $0x1  }
0x192: {  	[tilespmem:s25+$0x11080] =	vst v2  }
0x193: {  	[tilespmem:s25+$0x11000] =	vst v0  }
0x194: {  	[hbm4b:s6+s1] =	stream.linear.scatter [tilespmem:s17], [sflag:$0x1], $0x80, $0x38;
	[tilespmem:$0x14500] =	vst v63  }
0x195: {  	_ =	swait.ge [sflag:s2], $0x80  }
0x196: {  	[sflag:s2] =	ssyncset.done $0x0  }
0x197: {  	[sflag:s2] =	ssyncadd.s32 $0xFFFFFF80  }
0x198: {  	[hbm4b:s7+s1] =	stream.linear.scatter [tilespmem:s18], [sflag:$0x1], $0x80, $0x38;
	[tilespmem:$0x14500] =	vst v63  }
0x199: {  	_ =	swait.ge [sflag:s2], $0x80  }
0x19a: {  	[sflag:s2] =	ssyncset.done $0x0  }
0x19b: {  	[sflag:s2] =	ssyncadd.s32 $0xFFFFFF80  }
0x19c: {  	[spmem:s8] =	stream.linear.scatter [tilespmem:s19], [sflag:$0x1], $0x800, $0x38;
	[tilespmem:$0x14500] =	vst v63  }
0x19d: {  	_ =	swait.ge [sflag:s2], $0x800  }
0x19e: {  	[sflag:s2] =	ssyncset.done $0x0  }
0x19f: {  	[sflag:s2] =	ssyncadd.s32 $0xFFFFF800  }
0x1a0: {  	[spmem:s9] =	stream.linear.scatter [tilespmem:s1], [sflag:$0x1], $0x800, $0x38;
	[tilespmem:$0x14500] =	vst v63  }
.Ltmp7:
0x1a1: {  	_ =	swait.ge [sflag:s2], $0x800;
	(pc) =	sbr.rel @p0 .LBB2_15-.Ltmp7, $3  }
0x1a2: {  	[sflag:s2] =	ssyncset.done $0x0  }
0x1a3: {  	[sflag:s2] =	ssyncadd.s32 $0xFFFFF800  }
0x1a4: {  	[bflag:$0x0] =	sbarrier.arrive $0xFFFF;
	_ =	sdelay $0x1  }
0x1a5: {  	s0 =	simm.s32 $0x9000  }
0x1a6: {  	[tilespmem:s0], [sflag:$0x1] =	stream.linear.gather [spmem:s8], $0x8000, $0x38;
	[tilespmem:$0x14500] =	vst v63  }
0x1a7: {  	_ =	swait.ge [sflag:s2], $0x8000  }
0x1a8: {  	[sflag:s2] =	ssyncset.done $0x0  }
0x1a9: {  	s31 =	simm.s32 $0x1000;
	[sflag:s2] =	ssyncadd.s32 $0xFFFF8000  }
0x1aa: {  	[tilespmem:s31], [sflag:$0x1] =	stream.linear.gather [spmem:s9], $0x8000, $0x38;
	[tilespmem:$0x14500] =	vst v63  }
0x1ab: {  	_ =	swait.ge [sflag:s2], $0x8000  }
0x1ac: {  	[sflag:s2] =	ssyncset.done $0x0  }
0x1ad: {  	s24 =	simm.s32 $0x0;
	[sflag:s2] =	ssyncadd.s32 $0xFFFF8000  }
0x1ae: {  	v0 =	vld [tilespmem:s24+$0x8030]  }
0x1af: {  	v1 =	vld [tilespmem:s24+$0x9030]  }
0x1b0: {  	v2 =	vld [tilespmem:s24+$0x9830]  }
0x1b1: {  	v21 =	vld [tilespmem:s24+$0x7030]  }
0x1b2: {  	v7 =	vld [tilespmem:s24+$0xA030]  }
0x1b3: {  	v17 =	vld [tilespmem:s24+$0x6030]  }
0x1b4: {  	v10 =	vld [tilespmem:s24+$0xA830]  }
0x1b5: {  	v18 =	vld [tilespmem:s24+$0x5030]  }
0x1b6: {  	v11 =	vld [tilespmem:s24+$0xB030]  }
0x1b7: {  	v14 =	vld [tilespmem:s24+$0x4030]  }
0x1b8: {  	v22 =	vld [tilespmem:s24+$0xB830]  }
0x1b9: {  	v23 =	vld [tilespmem:s24+$0x3030]  }
0x1ba: {  	v24 =	vld [tilespmem:s24+$0xC030]  }
0x1bb: {  	v25 =	vld [tilespmem:s24+$0x2030]  }
0x1bc: {  	v26 =	vld [tilespmem:s24+$0xC830]  }
0x1bd: {  	v27 =	vld [tilespmem:s24+$0x1030]  }
0x1be: {  	v28 =	vld [tilespmem:s24+$0xD030]  }
0x1bf: {  	v29 =	vld [tilespmem:s24+$0x1830]  }
0x1c0: {  	v30 =	vld [tilespmem:s24+$0xD830]  }
0x1c1: {  	v31 =	vld [tilespmem:s24+$0x2830]  }
0x1c2: {  	v32 =	vld [tilespmem:s24+$0xE030]  }
0x1c3: {  	v33 =	vld [tilespmem:s24+$0x3830]  }
0x1c4: {  	v34 =	vld [tilespmem:s24+$0xE830]  }
0x1c5: {  	v35 =	vld [tilespmem:s24+$0x4830]  }
0x1c6: {  	v36 =	vld [tilespmem:s24+$0xF030]  }
0x1c7: {  	v37 =	vld [tilespmem:s24+$0x5830]  }
0x1c8: {  	v38 =	vld [tilespmem:s24+$0xF830]  }
0x1c9: {  	v39 =	vld [tilespmem:s24+$0x6830]  }
0x1ca: {  	v40 =	vld [tilespmem:s24+$0x10030]  }
0x1cb: {  	v41 =	vld [tilespmem:s24+$0x7830]  }
0x1cc: {  	v42 =	vld [tilespmem:s24+$0x10830]  }
0x1cd: {  	v43 =	vld [tilespmem:s24+$0x8830]  }
0x1ce: {  	v44 =	vld [tilespmem:s24+$0x9000]  }
0x1cf: {  	v45 =	vld [tilespmem:s24+$0x9800]  }
0x1d0: {  	v46 =	vld [tilespmem:s24+$0x9010]  }
0x1d1: {  	v47 =	vld [tilespmem:s24+$0x9810]  }
0x1d2: {  	v48 =	vld [tilespmem:s24+$0x9020]  }
0x1d3: {  	v49 =	vld [tilespmem:s24+$0x9820]  }
0x1d4: {  	v50 =	vld [tilespmem:s24+$0xA000]  }
0x1d5: {  	v51 =	vld [tilespmem:s24+$0xA010]  }
0x1d6: {  	v52 =	vld [tilespmem:s24+$0xA020]  }
0x1d7: {  	v53 =	vld [tilespmem:s24+$0xA800]  }
0x1d8: {  	v54 =	vld [tilespmem:s24+$0xA810]  }
0x1d9: {  	v55 =	vld [tilespmem:s24+$0xA820]  }
0x1da: {  	v56 =	vld [tilespmem:s24+$0xB000]  }
0x1db: {  	v57 =	vld [tilespmem:s24+$0xB010]  }
0x1dc: {  	v19 =	vld [tilespmem:s24+$0xB020]  }
0x1dd: {  	v20 =	vld [tilespmem:s24+$0xB800]  }
0x1de: {  	v15 =	vld [tilespmem:s24+$0xB810]  }
0x1df: {  	v16 =	vld [tilespmem:s24+$0xB820]  }
0x1e0: {  	v12 =	vld [tilespmem:s24+$0xC000]  }
0x1e1: {  	v13 =	vld [tilespmem:s24+$0xC010]  }
0x1e2: {  	v8 =	vld [tilespmem:s24+$0xC020]  }
0x1e3: {  	v9 =	vld [tilespmem:s24+$0xC800]  }
0x1e4: {  	v5 =	vld [tilespmem:s24+$0xC810]  }
0x1e5: {  	v6 =	vld [tilespmem:s24+$0xC820]  }
0x1e6: {  	v3 =	vld [tilespmem:s24+$0xD000]  }
0x1e7: {  	v4 =	vld [tilespmem:s24+$0xD010];
	vm0 =	vlt.f32 v2, v1  }
0x1e8: {  	v58 =	vld [tilespmem:s24+$0x1000];
	v1 =	vsel vm0, v2, v1  }
0x1e9: {  	v59 =	vld [tilespmem:s24+$0x1800];
	vm1 =	vlt.f32 v7, v1  }
0x1ea: {  	v60 =	vld [tilespmem:s24+$0x1010];
	v1 =	vsel vm1, v7, v1  }
0x1eb: {  	v61 =	vld [tilespmem:s24+$0x1810];
	vm2 =	vlt.f32 v10, v1  }
0x1ec: {  	v62 =	vld [tilespmem:s24+$0x1020];
	v1 =	vsel vm2, v10, v1  }
0x1ed: {  	v63 =	vld [tilespmem:s24+$0x2000];
	vm3 =	vlt.f32 v11, v1  }
0x1ee: {  	v2 =	vld [tilespmem:s24+$0xD020];
	v1 =	vsel vm3, v11, v1  }
0x1ef: {  	v27 =	vsel vm0, v29, v27;
	v29 =	vld [tilespmem:s24+$0x3000];
	vm4 =	vlt.f32 v22, v1  }
0x1f0: {  	v7 =	vld [tilespmem:s24+$0xD810];
	v1 =	vsel vm4, v22, v1  }
0x1f1: {  	v25 =	vsel vm1, v25, v27;
	v27 =	vld [tilespmem:s24+$0x2800];
	vm5 =	vlt.f32 v24, v1  }
0x1f2: {  	v10 =	vld [tilespmem:s24+$0xD800];
	v1 =	vsel vm5, v24, v1  }
0x1f3: {  	v25 =	vsel vm2, v31, v25;
	v31 =	vld [tilespmem:s24+$0x3020];
	vm6 =	vlt.f32 v26, v1  }
0x1f4: {  	v11 =	vld [tilespmem:s24+$0xD820];
	v1 =	vsel vm6, v26, v1  }
0x1f5: {  	v23 =	vsel vm3, v23, v25;
	v25 =	vld [tilespmem:s24+$0x2820];
	vm7 =	vlt.f32 v28, v1  }
0x1f6: {  	v22 =	vld [tilespmem:s24+$0x1820];
	v1 =	vsel vm7, v28, v1  }
0x1f7: {  	v23 =	vsel vm4, v33, v23;
	v33 =	vld [tilespmem:s24+$0x3820];
	vm0 =	vlt.f32 v30, v1  }
0x1f8: {  	v24 =	vld [tilespmem:s24+$0x2010];
	v1 =	vsel vm0, v30, v1  }
0x1f9: {  	v23 =	vsel vm5, v14, v23;
	v14 =	vld [tilespmem:s24+$0xE000];
	vm1 =	vlt.f32 v32, v1  }
0x1fa: {  	v26 =	vld [tilespmem:s24+$0x2020];
	v1 =	vsel vm1, v32, v1  }
0x1fb: {  	v23 =	vsel vm6, v35, v23;
	v28 =	vld [tilespmem:s24+$0x2810];
	vm2 =	vlt.f32 v34, v1  }
0x1fc: {  	v23 =	vsel vm7, v18, v23;
	v18 =	vld [tilespmem:s24+$0xE010];
	v1 =	vsel vm2, v34, v1  }
0x1fd: {  	v30 =	vld [tilespmem:s24+$0x3010];
	v23 =	vsel vm0, v37, v23;
	vm3 =	vlt.f32 v36, v1  }
0x1fe: {  	v23 =	vsel vm1, v17, v23;
	v17 =	vld [tilespmem:s24+$0xE020];
	v1 =	vsel vm3, v36, v1  }
0x1ff: {  	v32 =	vld [tilespmem:s24+$0x3800];
	v23 =	vsel vm2, v39, v23;
	vm2 =	vlt.f32 v49, v48;
	vm0 =	vlt.f32 v38, v1  }
0x200: {  	v34 =	vld [tilespmem:s24+$0x4000];
	v22 =	vsel vm2, v22, v62;
	v21 =	vsel vm3, v21, v23;
	v1 =	vsel vm0, v38, v1  }
0x201: {  	v62 =	vld [tilespmem:s24+$0x5020];
	v21 =	vsel vm0, v41, v21;
	v38 =	vsel vm2, v49, v48;
	vm1 =	vlt.f32 v40, v1  }
0x202: {  	v23 =	vld [tilespmem:s24+$0x3810];
	vm2 =	vlt.f32 v52, v38;
	v1 =	vsel vm1, v40, v1;
	v21 =	vsel vm1, v0, v21  }
0x203: {  	v36 =	vld [tilespmem:s24+$0x4010];
	vm1 =	vlt.f32 v47, v46;
	v38 =	vsel vm2, v52, v38;
	v22 =	vsel vm2, v26, v22  }
0x204: {  	v40 =	vld [tilespmem:s24+$0xE810];
	vm0 =	vlt.f32 v42, v1;
	v47 =	vsel vm1, v47, v46;
	v49 =	vsel vm1, v61, v60  }
0x205: {  	v52 =	vld [tilespmem:s24+$0x6020];
	vm2 =	vlt.f32 v55, v38;
	v0 =	vsel vm0, v42, v1;
	v1 =	vsel vm0, v43, v21  }
0x206: {  	v60 =	vld [tilespmem:s24+$0x5010];
	vm0 =	vlt.f32 v45, v44;
	vm1 =	vlt.f32 v51, v47;
	v38 =	vsel vm2, v55, v38  }
0x207: {  	v61 =	vld [tilespmem:s24+$0xF010];
	v22 =	vsel vm2, v25, v22;
	v45 =	vsel vm0, v45, v44;
	v48 =	vsel vm0, v59, v58  }
0x208: {  	v46 =	vld [tilespmem:s24+$0x5820];
	v37 =	vsel vm1, v51, v47;
	v24 =	vsel vm1, v24, v49;
	vm2 =	vlt.f32 v19, v38  }
0x209: {  	v21 =	vld [tilespmem:s24+$0xE800];
	vm0 =	vlt.f32 v50, v45;
	vm1 =	vlt.f32 v54, v37;
	v19 =	vsel vm2, v19, v38  }
0x20a: {  	v42 =	vld [tilespmem:s24+$0x4020];
	v22 =	vsel vm2, v31, v22;
	v35 =	vsel vm0, v50, v45;
	v39 =	vsel vm0, v63, v48  }
0x20b: {  	v43 =	vld [tilespmem:s24+$0xE820];
	v37 =	vsel vm1, v54, v37;
	v24 =	vsel vm1, v28, v24;
	vm2 =	vlt.f32 v16, v19  }
0x20c: {  	v55 =	vld [tilespmem:s24+$0x7010];
	vm0 =	vlt.f32 v53, v35;
	vm1 =	vlt.f32 v57, v37;
	v16 =	vsel vm2, v16, v19  }
0x20d: {  	v51 =	vld [tilespmem:s24+$0x4800];
	v45 =	vsel vm2, v33, v22;
	v35 =	vsel vm0, v53, v35;
	v27 =	vsel vm0, v27, v39  }
0x20e: {  	v58 =	vld [tilespmem:s24+$0x4820];
	v37 =	vsel vm1, v57, v37;
	v24 =	vsel vm1, v30, v24;
	vm2 =	vlt.f32 v8, v16  }
0x20f: {  	v59 =	vld [tilespmem:s24+$0x5000];
	vm0 =	vlt.f32 v56, v35;
	vm1 =	vlt.f32 v15, v37;
	v8 =	vsel vm2, v8, v16  }
0x210: {  	v47 =	vld [tilespmem:s24+$0x6000];
	v35 =	vsel vm0, v56, v35;
	v27 =	vsel vm0, v29, v27;
	v15 =	vsel vm1, v15, v37  }
0x211: {  	v49 =	vld [tilespmem:s24+$0xF800];
	v23 =	vsel vm1, v23, v24;
	vm0 =	vlt.f32 v20, v35;
	vm1 =	vlt.f32 v13, v15  }
0x212: {  	v53 =	vld [tilespmem:s24+$0x4810];
	v20 =	vsel vm0, v20, v35;
	v35 =	vsel vm0, v32, v27;
	v13 =	vsel vm1, v13, v15  }
0x213: {  	v38 =	vld [tilespmem:s24+$0x5810];
	v48 =	vsel vm1, v36, v23;
	v15 =	vsel vm2, v42, v45;
	vm0 =	vlt.f32 v12, v20  }
0x214: {  	v28 =	vld [tilespmem:s24+$0xF000];
	vm2 =	vlt.f32 v6, v8;
	vm1 =	vlt.f32 v5, v13;
	v12 =	vsel vm0, v12, v20  }
0x215: {  	v63 =	vld [tilespmem:s24+$0xF020];
	v6 =	vsel vm2, v6, v8;
	v19 =	vsel vm0, v34, v35;
	vm0 =	vlt.f32 v9, v12  }
0x216: {  	v50 =	vld [tilespmem:s24+$0x6010];
	v5 =	vsel vm1, v5, v13;
	v9 =	vsel vm0, v9, v12;
	v8 =	vsel vm0, v51, v19  }
0x217: {  	v54 =	vld [tilespmem:s24+$0x6820];
	v12 =	vsel vm1, v53, v48;
	vm1 =	vlt.f32 v4, v5;
	vm0 =	vlt.f32 v3, v9  }
0x218: {  	v37 =	vld [tilespmem:s24+$0x5800];
	v4 =	vsel vm1, v4, v5;
	v5 =	vsel vm2, v58, v15;
	vm2 =	vlt.f32 v2, v6  }
0x219: {  	v57 =	vld [tilespmem:s24+$0x7020];
	v3 =	vsel vm0, v3, v9;
	v8 =	vsel vm0, v59, v8;
	v2 =	vsel vm2, v2, v6  }
0x21a: {  	v56 =	vld [tilespmem:s24+$0x10010];
	v6 =	vsel vm1, v60, v12;
	vm1 =	vlt.f32 v7, v4;
	v5 =	vsel vm2, v62, v5  }
0x21b: {  	v51 =	vld [tilespmem:s24+$0xF810];
	vm0 =	vlt.f32 v10, v3;
	vm2 =	vlt.f32 v11, v2;
	v4 =	vsel vm1, v7, v4  }
0x21c: {  	v53 =	vld [tilespmem:s24+$0x6800];
	v6 =	vsel vm1, v38, v6;
	v3 =	vsel vm0, v10, v3;
	v2 =	vsel vm2, v11, v2  }
0x21d: {  	v58 =	vld [tilespmem:s24+$0x10020];
	v7 =	vsel vm0, v37, v8;
	vm1 =	vlt.f32 v18, v4;
	v5 =	vsel vm2, v46, v5  }
0x21e: {  	v10 =	vld [tilespmem:s24+$0x6810];
	vm0 =	vlt.f32 v14, v3;
	v4 =	vsel vm1, v18, v4;
	vm2 =	vlt.f32 v17, v2  }
0x21f: {  	v9 =	vld [tilespmem:s24+$0xF820];
	v6 =	vsel vm1, v50, v6;
	v3 =	vsel vm0, v14, v3;
	v7 =	vsel vm0, v47, v7  }
0x220: {  	v8 =	vld [tilespmem:s24+$0x7000];
	v2 =	vsel vm2, v17, v2;
	vm1 =	vlt.f32 v40, v4;
	v5 =	vsel vm2, v52, v5  }
0x221: {  	v59 =	vld [tilespmem:s24+$0x7800];
	vm0 =	vlt.f32 v21, v3;
	vm2 =	vlt.f32 v43, v2;
	v4 =	vsel vm1, v40, v4  }
0x222: {  	v60 =	vld [tilespmem:s24+$0x7820];
	v3 =	vsel vm0, v21, v3;
	v2 =	vsel vm2, v43, v2;
	v7 =	vsel vm0, v53, v7  }
0x223: {  	v11 =	vld [tilespmem:s24+$0x10000];
	v5 =	vsel vm2, v54, v5;
	vm0 =	vlt.f32 v28, v3;
	v6 =	vsel vm1, v10, v6  }
0x224: {  	vm1 =	vlt.f32 v61, v4;
	v10 =	vld [tilespmem:s24+$0x7810];
	vm2 =	vlt.f32 v63, v2;
	v3 =	vsel vm0, v28, v3  }
0x225: {  	v4 =	vsel vm1, v61, v4;
	v7 =	vsel vm0, v8, v7;
	v8 =	vld [tilespmem:s24+$0x8000];
	v2 =	vsel vm2, v63, v2  }
0x226: {  	v6 =	vsel vm1, v55, v6;
	v61 =	vld [tilespmem:s24+$0x10800];
	v62 =	vsel vm2, v57, v5;
	vm0 =	vlt.f32 v49, v3  }
0x227: {  	v63 =	vld [tilespmem:s24+$0x8010];
	vm1 =	vlt.f32 v51, v4;
	vm2 =	vlt.f32 v9, v2;
	v3 =	vsel vm0, v49, v3  }
0x228: {  	v5 =	vld [tilespmem:s24+$0x8020];
	v13 =	vsel vm1, v51, v4;
	v9 =	vsel vm2, v9, v2;
	v7 =	vsel vm0, v59, v7  }
0x229: {  	v4 =	vld [tilespmem:s24+$0x10810];
	vm3 =	vlt.f32 v11, v3;
	vm15 =	vlt.f32 v56, v13;
	vm0 =	vlt.f32 v58, v9  }
0x22a: {  	v10 =	vsel vm1, v10, v6;
	v11 =	vsel vm3, v11, v3;
	v2 =	vsel vm15, v56, v13;
	v3 =	vld [tilespmem:s24+$0x10820]  }
0x22b: {  	[tilespmem:s24+$0x30] =	vst v1;
	v6 =	vsel vm2, v60, v62;
	v1 =	vsel vm3, v8, v7;
	v8 =	vld [tilespmem:s24+$0x8800];
	vm1 =	vlt.f32 v61, v11  }
0x22c: {  	s25 =	simm.s32 $0x0;
	s26 =	simm.s32 $0x100;
	[tilespmem:s24+$0x830] =	vst v0;
	v0 =	vsel vm0, v58, v9;
	v9 =	vld [tilespmem:s24+$0x8810];
	v7 =	vsel vm15, v63, v10;
	v10 =	vsel vm1, v61, v11  }
.LBB2_13:
0x22d: {  	_ = 	snop  }
0x22e: {  	s0 =	sshra.s32 s26, $0x2;
	[tilespmem:s24+$0x800] =	vst v10;
	v10 =	vld [tilespmem:s24+$0x8820]  }
0x22f: {  	v11 =	vld [tilespmem:s0+$0x8030];
	vm2 =	vlt.f32 v4, v2  }
0x230: {  	v1 =	vsel vm1, v8, v1;
	v2 =	vsel vm2, v4, v2;
	v4 =	vsel vm0, v5, v6;
	v5 =	vld [tilespmem:s0+$0x9030]  }
0x231: {  	[tilespmem:s24+$0x0] =	vst v1;
	v6 =	vld [tilespmem:s0+$0xA030]  }
0x232: {  	vm0 =	vlt.f32 v3, v0;
	v1 =	vsel vm2, v9, v7;
	[tilespmem:s24+$0x810] =	vst v2;
	v2 =	vld [tilespmem:s0+$0x9830]  }
0x233: {  	v0 =	vsel vm0, v3, v0;
	v3 =	vld [tilespmem:s0+$0x7030];
	[tilespmem:s24+$0x10] =	vst v1  }
0x234: {  	v1 =	vsel vm0, v10, v4;
	v4 =	vld [tilespmem:s0+$0x6030];
	[tilespmem:s24+$0x820] =	vst v0  }
0x235: {  	v0 =	vld [tilespmem:s0+$0xA830];
	[tilespmem:s24+$0x20] =	vst v1;
	s24 =	smov.u32 s0  }
0x236: {  	v1 =	vld [tilespmem:s24+$0x5030]  }
0x237: {  	v7 =	vld [tilespmem:s24+$0x4030];
	vm0 =	vlt.f32 v2, v5  }
0x238: {  	v2 =	vsel vm0, v2, v5;
	v5 =	vld [tilespmem:s24+$0xB030]  }
0x239: {  	v8 =	vld [tilespmem:s24+$0x3030];
	vm1 =	vlt.f32 v6, v2  }
0x23a: {  	v2 =	vsel vm1, v6, v2;
	v6 =	vld [tilespmem:s24+$0xB830]  }
0x23b: {  	v9 =	vld [tilespmem:s24+$0x2030];
	vm2 =	vlt.f32 v0, v2  }
0x23c: {  	v0 =	vsel vm2, v0, v2;
	v2 =	vld [tilespmem:s24+$0xC030]  }
0x23d: {  	v10 =	vld [tilespmem:s24+$0x1030];
	vm3 =	vlt.f32 v5, v0  }
0x23e: {  	v0 =	vsel vm3, v5, v0;
	v5 =	vld [tilespmem:s24+$0xC830]  }
0x23f: {  	v12 =	vld [tilespmem:s24+$0x1830];
	vm4 =	vlt.f32 v6, v0  }
0x240: {  	v0 =	vsel vm4, v6, v0;
	v6 =	vld [tilespmem:s24+$0xD030]  }
0x241: {  	v13 =	vld [tilespmem:s24+$0x2830];
	vm5 =	vlt.f32 v2, v0  }
0x242: {  	v0 =	vsel vm5, v2, v0;
	v2 =	vld [tilespmem:s24+$0xD830]  }
0x243: {  	v14 =	vld [tilespmem:s24+$0x3830];
	vm6 =	vlt.f32 v5, v0  }
0x244: {  	v10 =	vsel vm0, v12, v10;
	v0 =	vsel vm6, v5, v0;
	v5 =	vld [tilespmem:s24+$0xE030]  }
0x245: {  	v9 =	vsel vm1, v9, v10;
	v10 =	vld [tilespmem:s24+$0x4830];
	vm7 =	vlt.f32 v6, v0  }
0x246: {  	v9 =	vsel vm2, v13, v9;
	v0 =	vsel vm7, v6, v0;
	v6 =	vld [tilespmem:s24+$0xE830]  }
0x247: {  	v8 =	vsel vm3, v8, v9;
	v9 =	vld [tilespmem:s24+$0x5830];
	vm0 =	vlt.f32 v2, v0  }
0x248: {  	v8 =	vsel vm4, v14, v8;
	v0 =	vsel vm0, v2, v0;
	v2 =	vld [tilespmem:s24+$0xF030]  }
0x249: {  	v7 =	vsel vm5, v7, v8;
	v8 =	vld [tilespmem:s24+$0x6830];
	vm1 =	vlt.f32 v5, v0  }
0x24a: {  	v7 =	vsel vm6, v10, v7;
	v0 =	vsel vm1, v5, v0;
	v5 =	vld [tilespmem:s24+$0xF830]  }
0x24b: {  	v1 =	vsel vm7, v1, v7;
	v7 =	vld [tilespmem:s24+$0x7830];
	vm2 =	vlt.f32 v6, v0  }
0x24c: {  	v0 =	vsel vm2, v6, v0;
	v6 =	vld [tilespmem:s24+$0x10030]  }
0x24d: {  	v1 =	vsel vm0, v9, v1;
	v9 =	vld [tilespmem:s24+$0x9000];
	vm3 =	vlt.f32 v2, v0  }
0x24e: {  	v1 =	vsel vm1, v4, v1;
	v0 =	vsel vm3, v2, v0;
	v2 =	vld [tilespmem:s24+$0x10830]  }
0x24f: {  	v4 =	vld [tilespmem:s24+$0x8830];
	v1 =	vsel vm2, v8, v1;
	vm0 =	vlt.f32 v5, v0  }
0x250: {  	v1 =	vsel vm3, v3, v1;
	v3 =	vld [tilespmem:s24+$0x9010];
	v0 =	vsel vm0, v5, v0  }
0x251: {  	v5 =	vld [tilespmem:s24+$0x9800];
	vm1 =	vlt.f32 v6, v0  }
0x252: {  	v1 =	vsel vm0, v7, v1;
	v7 =	vld [tilespmem:s24+$0x9020];
	v0 =	vsel vm1, v6, v0  }
0x253: {  	v6 =	vld [tilespmem:s24+$0x9810];
	v1 =	vsel vm1, v11, v1;
	vm0 =	vlt.f32 v2, v0  }
0x254: {  	v0 =	vsel vm0, v2, v0;
	v1 =	vsel vm0, v4, v1;
	v2 =	vld [tilespmem:s24+$0x9820]  }
0x255: {  	[tilespmem:s24+$0x30] =	vst v1;
	v1 =	vld [tilespmem:s24+$0xA000]  }
0x256: {  	v4 =	vld [tilespmem:s24+$0xA010];
	vm6 =	vlt.f32 v5, v9  }
0x257: {  	[tilespmem:s24+$0x830] =	vst v0;
	v0 =	vsel vm6, v5, v9;
	v5 =	vld [tilespmem:s24+$0xA020]  }
0x258: {  	v8 =	vld [tilespmem:s24+$0xA800];
	vm4 =	vlt.f32 v6, v3  }
0x259: {  	v3 =	vsel vm4, v6, v3;
	v6 =	vld [tilespmem:s24+$0xA810];
	vm2 =	vlt.f32 v2, v7  }
0x25a: {  	vm3 =	vlt.f32 v1, v0;
	v2 =	vsel vm2, v2, v7;
	v7 =	vld [tilespmem:s24+$0xA820]  }
0x25b: {  	vm5 =	vlt.f32 v4, v3;
	v0 =	vsel vm3, v1, v0;
	v1 =	vld [tilespmem:s24+$0xB000]  }
0x25c: {  	v3 =	vsel vm5, v4, v3;
	v4 =	vld [tilespmem:s24+$0xB010];
	vm7 =	vlt.f32 v5, v2  }
0x25d: {  	vm13 =	vlt.f32 v8, v0;
	v2 =	vsel vm7, v5, v2;
	v5 =	vld [tilespmem:s24+$0xB020]  }
0x25e: {  	v0 =	vsel vm13, v8, v0;
	v8 =	vld [tilespmem:s24+$0xB800];
	vm9 =	vlt.f32 v6, v3  }
0x25f: {  	v3 =	vsel vm9, v6, v3;
	v6 =	vld [tilespmem:s24+$0xB810];
	vm8 =	vlt.f32 v7, v2  }
0x260: {  	vm15 =	vlt.f32 v1, v0;
	v2 =	vsel vm8, v7, v2;
	v7 =	vld [tilespmem:s24+$0xB820]  }
0x261: {  	vm14 =	vlt.f32 v4, v3;
	v0 =	vsel vm15, v1, v0;
	v1 =	vld [tilespmem:s24+$0xC000]  }
0x262: {  	v3 =	vsel vm14, v4, v3;
	v4 =	vld [tilespmem:s24+$0xC010];
	vm11 =	vlt.f32 v5, v2  }
0x263: {  	vm0 =	vlt.f32 v8, v0;
	v2 =	vsel vm11, v5, v2;
	v5 =	vld [tilespmem:s24+$0xC020]  }
0x264: {  	v9 =	vimm.s32 $0x0;
	v0 =	vsel vm0, v8, v0;
	v8 =	vld [tilespmem:s24+$0xC800];
	vm10 =	vlt.f32 v6, v3  }
0x265: {  	v56 =	vld [tilespmem:s24+$0x3000];
	v9 =	vsel vm0, $0xFFFFFFFF, v9;
	v3 =	vsel vm10, v6, v3  }
0x266: {  	[tilespmem:$0x1FD90] =	vst v9;
	v6 =	vld [tilespmem:s24+$0xC810];
	v9 =	vimm.s32 $0x0;
	vm12 =	vlt.f32 v7, v2;
	vm0 =	vlt.f32 v1, v0  }
0x267: {  	v57 =	vld [tilespmem:s24+$0x4000];
	v9 =	vsel vm0, $0xFFFFFFFF, v9;
	v0 =	vsel vm0, v1, v0;
	vm0 =	vlt.f32 v4, v3  }
0x268: {  	v2 =	vsel vm12, v7, v2;
	v7 =	vld [tilespmem:s24+$0xC820];
	[tilespmem:$0x1FDA0] =	vst v9;
	v9 =	vimm.s32 $0x0;
	v3 =	vsel vm0, v4, v3  }
0x269: {  	v1 =	vld [tilespmem:s24+$0xD000];
	vm1 =	vlt.f32 v8, v0;
	v9 =	vsel vm0, $0xFFFFFFFF, v9;
	vm0 =	vlt.f32 v5, v2  }
0x26a: {  	v58 =	vld [tilespmem:s24+$0x5000];
	v0 =	vsel vm1, v8, v0;
	v8 =	vimm.s32 $0x0;
	[tilespmem:$0x1FDB0] =	vst v9;
	v9 =	vimm.s32 $0x0  }
0x26b: {  	v4 =	vld [tilespmem:s24+$0xD010];
	v2 =	vsel vm0, v5, v2;
	v9 =	vsel vm0, $0xFFFFFFFF, v9;
	vm0 =	vlt.f32 v6, v3  }
0x26c: {  	v59 =	vld [tilespmem:s24+$0x6000];
	[tilespmem:$0x1FDC0] =	vst v9;
	v9 =	vimm.s32 $0x0;
	v8 =	vsel vm0, $0xFFFFFFFF, v8;
	v3 =	vsel vm0, v6, v3  }
0x26d: {  	v5 =	vld [tilespmem:s24+$0xD020];
	v6 =	vimm.s32 $0x0;
	v9 =	vsel vm1, $0xFFFFFFFF, v9;
	vm1 =	vlt.f32 v7, v2  }
0x26e: {  	v60 =	vld [tilespmem:s24+$0x7000];
	vm0 =	vlt.f32 v1, v0;
	[tilespmem:$0x1FDE0] =	vst v8;
	v6 =	vsel vm1, $0xFFFFFFFF, v6  }
0x26f: {  	v8 =	vld [tilespmem:s24+$0x1800];
	v0 =	vsel vm0, v1, v0;
	v2 =	vsel vm1, v7, v2;
	[tilespmem:$0x1FDF0] =	vst v6;
	v6 =	vimm.s32 $0x0  }
0x270: {  	[tilespmem:$0x1FDD0] =	vst v9;
	v9 =	vld [tilespmem:s24+$0x1000];
	v7 =	vimm.s32 $0x0;
	v6 =	vsel vm0, $0xFFFFFFFF, v6;
	vm0 =	vlt.f32 v4, v3  }
0x271: {  	v1 =	vld [tilespmem:s24+$0x1810];
	[tilespmem:$0x1FE00] =	vst v6;
	v7 =	vsel vm0, $0xFFFFFFFF, v7  }
0x272: {  	v6 =	vld [tilespmem:s24+$0x1010];
	v3 =	vsel vm0, v4, v3;
	vm0 =	vlt.f32 v5, v2;
	[tilespmem:$0x1FE10] =	vst v7;
	v7 =	vimm.s32 $0x0  }
0x273: {  	v4 =	vld [tilespmem:s24+$0x1020];
	v7 =	vsel vm0, $0xFFFFFFFF, v7  }
0x274: {  	[tilespmem:$0x1FE20] =	vst v7;
	v7 =	vld [tilespmem:s24+$0x1820]  }
0x275: {  	v2 =	vsel vm0, v5, v2;
	v5 =	vsel vm6, v8, v9;
	v8 =	vld [tilespmem:s24+$0x2000]  }
0x276: {  	v10 =	vld [tilespmem:s24+$0xD810]  }
0x277: {  	v1 =	vsel vm4, v1, v6;
	v6 =	vld [tilespmem:s24+$0x2010]  }
0x278: {  	v9 =	vld [tilespmem:s24+$0xD800]  }
0x279: {  	v4 =	vsel vm2, v7, v4;
	v7 =	vld [tilespmem:s24+$0x2020]  }
0x27a: {  	v5 =	vsel vm3, v8, v5;
	v8 =	vld [tilespmem:s24+$0xD820]  }
0x27b: {  	v61 =	vld [tilespmem:s24+$0x7820]  }
0x27c: {  	vm0 =	vlt.f32 v10, v3;
	v1 =	vsel vm5, v6, v1;
	v6 =	vld [tilespmem:s24+$0x2810]  }
0x27d: {  	v3 =	vsel vm0, v10, v3;
	v10 =	vld [tilespmem:s24+$0x3010]  }
0x27e: {  	vm4 =	vlt.f32 v9, v0;
	v4 =	vsel vm7, v7, v4;
	v7 =	vld [tilespmem:s24+$0xE000]  }
0x27f: {  	v0 =	vsel vm4, v9, v0;
	v9 =	vld [tilespmem:s24+$0x2820];
	vm1 =	vlt.f32 v8, v2  }
0x280: {  	v2 =	vsel vm1, v8, v2;
	v8 =	vld [tilespmem:s24+$0x3020]  }
0x281: {  	v1 =	vsel vm9, v6, v1;
	v6 =	vld [tilespmem:s24+$0xE010]  }
0x282: {  	v1 =	vsel vm14, v10, v1;
	v10 =	vld [tilespmem:s24+$0x3820]  }
0x283: {  	v62 =	vld [tilespmem:s24+$0x8000];
	vm5 =	vlt.f32 v7, v0  }
0x284: {  	v0 =	vsel vm5, v7, v0;
	v7 =	vld [tilespmem:s24+$0x3810]  }
0x285: {  	v63 =	vld [tilespmem:s24+$0x10800];
	v4 =	vsel vm8, v9, v4  }
0x286: {  	v11 =	vld [tilespmem:s24+$0x2800];
	v4 =	vsel vm11, v8, v4  }
0x287: {  	vm2 =	vlt.f32 v6, v3;
	v4 =	vsel vm12, v10, v4;
	v10 =	vld [tilespmem:$0x1FDA0]  }
0x288: {  	v3 =	vsel vm2, v6, v3;
	v6 =	vld [tilespmem:s24+$0xE800]  }
0x289: {  	v1 =	vsel vm10, v7, v1;
	v7 =	vld [tilespmem:s24+$0xE810]  }
0x28a: {  	v9 =	vld [tilespmem:s24+$0xE020]  }
0x28b: {  	v8 =	vld [tilespmem:$0x1FD90]  }
0x28c: {  	vm11 =	vnez.u8 v10;
	v10 =	vld [tilespmem:s24+$0xE820]  }
0x28d: {  	v5 =	vsel vm13, v11, v5;
	v11 =	vld [tilespmem:s24+$0x3800];
	vm6 =	vlt.f32 v6, v0  }
0x28e: {  	v0 =	vsel vm6, v6, v0;
	v6 =	vld [tilespmem:$0x1FDB0];
	vm7 =	vlt.f32 v7, v3  }
0x28f: {  	vm3 =	vlt.f32 v9, v2;
	v3 =	vsel vm7, v7, v3;
	v7 =	vld [tilespmem:$0x1FDC0]  }
0x290: {  	v2 =	vsel vm3, v9, v2;
	v9 =	vld [tilespmem:s24+$0x4020]  }
0x291: {  	vm9 =	vnez.u8 v8;
	v8 =	vld [tilespmem:s24+$0x4010];
	vm8 =	vlt.f32 v10, v2  }
0x292: {  	v2 =	vsel vm8, v10, v2;
	v10 =	vld [tilespmem:$0x1FDE0]  }
0x293: {  	vm12 =	vnez.u8 v6;
	v6 =	vld [tilespmem:s24+$0x4810]  }
0x294: {  	vm13 =	vnez.u8 v7;
	v7 =	vld [tilespmem:s24+$0xF000]  }
0x295: {  	v5 =	vsel vm15, v56, v5;
	v4 =	vsel vm13, v9, v4;
	v9 =	vld [tilespmem:$0x1FDD0]  }
0x296: {  	v5 =	vsel vm9, v11, v5;
	v11 =	vld [tilespmem:s24+$0x4800]  }
0x297: {  	v1 =	vsel vm12, v8, v1;
	vm15 =	vnez.u8 v10;
	v10 =	vld [tilespmem:$0x1FDF0]  }
0x298: {  	v1 =	vsel vm15, v6, v1;
	v6 =	vld [tilespmem:s24+$0xF010]  }
0x299: {  	v8 =	vld [tilespmem:s24+$0x4820]  }
0x29a: {  	v5 =	vsel vm11, v57, v5;
	vm11 =	vlt.f32 v7, v0;
	vm14 =	vnez.u8 v9;
	v9 =	vld [tilespmem:s24+$0x5010]  }
0x29b: {  	v0 =	vsel vm11, v7, v0;
	v7 =	vld [tilespmem:$0x1FE10]  }
0x29c: {  	vm12 =	vnez.u8 v10;
	v10 =	vld [tilespmem:$0x1FE00]  }
0x29d: {  	v5 =	vsel vm14, v11, v5;
	v11 =	vld [tilespmem:s24+$0x5800];
	vm15 =	vlt.f32 v6, v3  }
0x29e: {  	v3 =	vsel vm15, v6, v3;
	v6 =	vld [tilespmem:$0x1FE20]  }
0x29f: {  	v4 =	vsel vm12, v8, v4;
	v8 =	vld [tilespmem:s24+$0x5020]  }
0x2a0: {  	vm14 =	vnez.u8 v7;
	v7 =	vld [tilespmem:s24+$0x5810]  }
0x2a1: {  	vm13 =	vnez.u8 v10;
	v10 =	vld [tilespmem:s24+$0xF020]  }
0x2a2: {  	v1 =	vsel vm14, v9, v1;
	v9 =	vld [tilespmem:s24+$0x5820]  }
0x2a3: {  	v5 =	vsel vm13, v58, v5;
	vm12 =	vnez.u8 v6;
	v6 =	vld [tilespmem:s24+$0xF800]  }
0x2a4: {  	v5 =	vsel vm4, v11, v5;
	v11 =	vld [tilespmem:s24+$0x6800]  }
0x2a5: {  	v4 =	vsel vm12, v8, v4;
	v8 =	vld [tilespmem:s24+$0x6010]  }
0x2a6: {  	v1 =	vsel vm0, v7, v1;
	v7 =	vld [tilespmem:s24+$0xF810]  }
0x2a7: {  	vm13 =	vlt.f32 v10, v2;
	v4 =	vsel vm1, v9, v4;
	v9 =	vld [tilespmem:s24+$0x6020]  }
0x2a8: {  	v5 =	vsel vm5, v59, v5;
	v2 =	vsel vm13, v10, v2;
	v10 =	vld [tilespmem:s24+$0xF820]  }
0x2a9: {  	vm1 =	vlt.f32 v6, v0;
	v5 =	vsel vm6, v11, v5;
	v11 =	vld [tilespmem:s24+$0x7800]  }
0x2aa: {  	v0 =	vsel vm1, v6, v0;
	v6 =	vld [tilespmem:s24+$0x6810]  }
0x2ab: {  	v1 =	vsel vm2, v8, v1;
	v8 =	vld [tilespmem:s24+$0x6820]  }
0x2ac: {  	vm2 =	vlt.f32 v7, v3;
	v4 =	vsel vm3, v9, v4;
	v9 =	vld [tilespmem:s24+$0x7010]  }
0x2ad: {  	v3 =	vsel vm2, v7, v3;
	v7 =	vld [tilespmem:s24+$0x10000];
	vm3 =	vlt.f32 v10, v2  }
0x2ae: {  	v10 =	vsel vm3, v10, v2;
	v2 =	vld [tilespmem:s24+$0x10010]  }
0x2af: {  	v1 =	vsel vm7, v6, v1;
	v6 =	vld [tilespmem:s24+$0x7020]  }
0x2b0: {  	v4 =	vsel vm8, v8, v4;
	v8 =	vld [tilespmem:s24+$0x10020]  }
0x2b1: {  	s25 =	sadd.s32 $0x4, s25;
	v1 =	vsel vm15, v9, v1;
	v9 =	vld [tilespmem:s24+$0x7810]  }
0x2b2: {  	p1 =	slt.u32 s25, $0x7C;
	v15 =	vld [tilespmem:s24+$0x8010];
	v5 =	vsel vm11, v60, v5  }
.Ltmp8:
0x2b3: {  	v11 =	vsel vm1, v11, v5;
	v5 =	vld [tilespmem:s24+$0x8020];
	vm15 =	vlt.f32 v2, v3;
	(pc) =	sbr.rel @p1 .LBB2_13-.Ltmp8, $4  }
0x2b4: {  	vm14 =	vlt.f32 v7, v0;
	v2 =	vsel vm15, v2, v3;
	v3 =	vsel vm13, v6, v4;
	v4 =	vld [tilespmem:s24+$0x10810]  }
0x2b5: {  	v7 =	vsel vm14, v7, v0;
	vm0 =	vlt.f32 v8, v10;
	v6 =	vsel vm3, v61, v3;
	v3 =	vld [tilespmem:s24+$0x10820]  }
0x2b6: {  	vm1 =	vlt.f32 v63, v7;
	v0 =	vsel vm0, v8, v10;
	v8 =	vld [tilespmem:s24+$0x8800];
	v9 =	vsel vm2, v9, v1  }
0x2b7: {  	s26 =	sadd.s32 $0x100, s26;
	v10 =	vsel vm1, v63, v7;
	v1 =	vsel vm14, v62, v11;
	v7 =	vsel vm15, v15, v9;
	v9 =	vld [tilespmem:s24+$0x8810]  }
0x2b8: {  	_ = 	snop  }
0x2b9: {  	v11 =	vld [tilespmem:s24+$0x8820];
	vm2 =	vlt.f32 v4, v2  }
0x2ba: {  	[tilespmem:s24+$0x800] =	vst v10;
	v2 =	vsel vm2, v4, v2  }
0x2bb: {  	vm15 =	vlt.f32 v3, v0;
	[tilespmem:s24+$0x810] =	vst v2;
	v1 =	vsel vm1, v8, v1  }
0x2bc: {  	v0 =	vsel vm15, v3, v0;
	[tilespmem:s24+$0x0] =	vst v1  }
0x2bd: {  	v62 =	vsel vm0, v5, v6;
	v61 =	vsel vm2, v9, v7;
	[tilespmem:s24+$0x820] =	vst v0  }
0x2be: {  	[tilespmem:s24+$0x10] =	vst v61;
	v63 =	vsel vm15, v11, v62  }
0x2bf: {  	[tilespmem:s24+$0x20] =	vst v63  }
0x2c0: {  	s10 =	simm.s32 $0x100;
	s0 =	rddreg [dreg:$0x8]  }
0x2c1: {  	[hbm4b:s0+s13] =	stream.strided.scatter [tilespmem:s19], [sflag:$0x1], $0x800, s10, s13, $0x38;
	[tilespmem:$0x14500] =	vst v63  }
0x2c2: {  	_ =	swait.ge [sflag:s2], $0x800  }
0x2c3: {  	[sflag:s2] =	ssyncset.done $0x0  }
.Ltmp9:
0x2c4: {  	[sflag:s2] =	ssyncadd.s32 $0xFFFFF800;
	(pc) =	sbr.rel .LBB2_15-.Ltmp9, $4  }
0x2c5: {  	[hbm4b:s11+s13] =	stream.strided.scatter [tilespmem:s1], [sflag:$0x1], $0x800, s10, s13, $0x38;
	[tilespmem:$0x14500] =	vst v63  }
0x2c6: {  	_ =	swait.ge [sflag:s2], $0x800  }
0x2c7: {  	[sflag:s2] =	ssyncset.done $0x0  }
0x2c8: {  	v30 =	vlaneseq.u32;
	[sflag:s2] =	ssyncadd.s32 $0xFFFFF800  }
.LBB2_16:
0x2c9: {  	_ =	sfence.sel $0x180000  }
0x2ca: {  	[bflag:$0x0] =	sbarrier.arrive $0xFFFF  }
0x2cb: {  	_ =	strace $0x90000047  }
0x2cc: {  	[bflag:$0x2] =	sbarrier.arrive $0xFFFF  }
0x2cd: {  	s0 =	rddreg [dreg:$0x7]  }
0x2ce: {  	s0 =	sadd.s32 @!p0 $0x100000, s0  }
0x2cf: {  	[sflag:s0] =	ssyncadd.tile.s32 @!p0 $0x1;
	_ =	shalt  }
.Lfunc_end2:
_tile_overlayer_lowered:
.L_overlay_start_2:
0x2d0: {  	(tag) =	ssettag $0x2  }
0x2d1: {  	s0 =	rddreg [dreg:$0x0];
	s2 =	stileid.u32  }
0x2d2: {  	s1 =	rddreg [dreg:$0x1];
	p0 =	sne.s32 s2, $0x0  }
0x2d3: {  	s3 =	rddreg [dreg:$0x2];
	[bflag:$0x3] =	sbarrier.arrive $0xFFFF;
	s2 =	simm.s32 @!p0 $0x1C01  }
0x2d4: {  	[timem:s3], [sflag:s2] =	dma.local @!p0 [hbm:s0], s1  }
0x2d5: {  	s0 =	simm.s32 @!p0 $0x1  }
0x2d6: {  	_ =	swait.ge @!p0 [sflag:s0], s1  }
0x2d7: {  	s1 =	ssub.s32 @!p0 $0x0, s1;
	[sflag:s0] =	ssyncset.done @!p0 $0x0  }
0x2d8: {  	[sflag:s0] =	ssyncadd.s32 @!p0 s1  }
0x2d9: {  	[bflag:$0x3] =	sbarrier.arrive $0xFFFF  }
0x2da: {  	_ =	shalt  }

</sc_bundles>
